<compile_context>
chip_gen: v7x
topology: tpu7x:2x2x1
jax: 0.10.2.dev20260603
libtpu: 0.0.44.dev20260713+nightly
codegen_flags: <defaults>
</compile_context>

<pallas_src>
import functools

import jax
import jax.numpy as jnp
from jax import lax
from jax.experimental import pallas as pl
from jax.experimental.pallas import tpu as pltpu
from jax.experimental.pallas import tpu_sc as plsc

H = 224
W = 224
T = H * W
C = 3
WPAD = 240
IOFF = 8
NROWS = 7
NF_ROWS = 11
IMG_ROWS = 13
NV = W // 16
PLANE = NF_ROWS * WPAD
IPLANE = IMG_ROWS * WPAD


def _floop(lo, hi, init, body):
    return lax.fori_loop(lo, hi, body, init)


def _rsqrt(x):
    i = plsc.bitcast(x, jnp.int32)
    i = jnp.int32(0x5F3759DF) - (i >> 1)
    y = plsc.bitcast(i, jnp.float32)
    for _ in range(2):
        y = y * (1.5 - 0.5 * x * y * y)
    return y


@functools.partial(
    pl.kernel,
    out_type=jax.ShapeDtypeStruct((T,), jnp.float32),
    mesh=plsc.VectorSubcoreMesh(core_axis_name="c", subcore_axis_name="s"),
    compiler_params=pltpu.CompilerParams(needs_layout_passes=False),
    scratch_types=[
        pltpu.VMEM((C * IPLANE,), jnp.float32),
        pltpu.VMEM((C * PLANE,), jnp.float32),
        pltpu.VMEM((C * PLANE,), jnp.float32),
        pltpu.VMEM((C * 9 * PLANE,), jnp.float32),
        pltpu.VMEM((NROWS * W,), jnp.float32),
        pltpu.SemaphoreType.DMA,
    ],
)
def _sc_saliency(img_hbm, out_hbm, img_v, aa, bb, nf, outb, dsem):
    wid = lax.axis_index("s") * 2 + lax.axis_index("c")
    r0 = wid * NROWS

    zeros16 = jnp.zeros((16,), jnp.float32)

    @functools.partial(_floop, 0, C * IPLANE // 16, jnp.int32(0))
    def _z1(i, off):
        img_v[pl.ds(off, 16)] = zeros16
        return off + 16

    @functools.partial(_floop, 0, C * 9 * NF_ROWS, jnp.int32(0))
    def _z2(i, off):
        nf[pl.ds(off, 16)] = zeros16
        nf[pl.ds(off + 224, 16)] = zeros16
        return off + WPAD

    for ci in range(C):
        for s in range(IMG_ROWS):
            g = r0 - 3 + s

            @pl.when(jnp.logical_and(g >= 0, g < H))
            def _copy_row(ci=ci, s=s, g=g):
                pltpu.async_copy(
                    img_hbm.at[pl.ds((ci * H + g) * W, W)],
                    img_v.at[pl.ds(ci * IPLANE + s * WPAD + IOFF, W)],
                    dsem)

    ndma = C * (jnp.minimum(r0 + IMG_ROWS - 3, H) - jnp.maximum(r0 - 3, 0))
    _drain = pltpu.make_async_copy(
        img_hbm.at[pl.ds(0, W)], img_v.at[pl.ds(IOFF, W)], dsem)

    def _dr(i, carry):
        _drain.wait()
        return carry

    lax.fori_loop(0, ndma, _dr, None)

    def _advance(bi, bab, vcnt):
        last = vcnt == NV - 1
        bump = jnp.where(last, 32, 16)
        return bi + bump, bab + bump, jnp.where(last, 0, vcnt + 1)

    @functools.partial(_floop, 0, NF_ROWS * NV,
                       (jnp.int32(IOFF), jnp.int32(IOFF),
                        jnp.int32(0), r0 - 2))
    def _p1(i, carry):
        bi, bab, vcnt, grow = carry
        means = []
        ivss = []
        normsq = jnp.full((16,), 108.0, jnp.float32)
        for ci in range(C):
            sm = zeros16
            sq = zeros16
            for a in (0, 1, 2):
                for b in (-1, 0, 1):
                    p = img_v[pl.ds(bi + ci * IPLANE + a * WPAD + b, 16)]
                    sm = sm + p
                    sq = sq + p * p
            mean = sm * (1.0 / 9.0)
            var = jnp.maximum(sq * (1.0 / 9.0) - mean * mean, 0.0)
            ivs = _rsqrt(var + 1e-5)
            normsq = normsq + 9.0 * var * (ivs * ivs)
            means.append(mean)
            ivss.append(ivs)
        invn = _rsqrt(normsq)
        rv = jnp.where(jnp.logical_and(grow >= 0, grow < H), 1.0, 0.0)
        sinvn = invn * rv
        for ci in range(C):
            aa[pl.ds(bab + ci * PLANE, 16)] = ivss[ci] * sinvn
            bb[pl.ds(bab + ci * PLANE, 16)] = (2.0 - means[ci] * ivss[ci]) * sinvn
        nbi, nbab, nvcnt = _advance(bi, bab, vcnt)
        return (nbi, nbab, nvcnt,
                jnp.where(vcnt == NV - 1, grow + 1, grow))

    for ci in range(C):
        @functools.partial(_floop, 0, NF_ROWS * NV,
                           (jnp.int32(IOFF), jnp.int32(IOFF),
                            jnp.int32(0)))
        def _p2a(i, carry, ci=ci):
            bi, bab, vcnt = carry
            a = aa[pl.ds(bab + ci * PLANE, 16)]
            b = bb[pl.ds(bab + ci * PLANE, 16)]
            for j in range(9):
                dr = j // 3
                dw = j % 3 - 1
                p = img_v[pl.ds(bi + ci * IPLANE + dr * WPAD + dw, 16)]
                nf[pl.ds(bab + (ci * 9 + j) * PLANE, 16)] = p * a + b
            return _advance(bi, bab, vcnt)

    iot = lax.iota(jnp.int32, 16)

    def _strip(v, carry):
        sb, ob = carry

        def _chan(c, ch_carry):
            accs = list(ch_carry[:NROWS])
            pb = ch_carry[NROWS]
            centers = []
            hs = []
            for r in range(NF_ROWS):
                c0 = nf[pl.ds(pb + r * WPAD, 16)]
                s = c0 + nf[pl.ds(pb + r * WPAD - 2, 16)]
                s = s + nf[pl.ds(pb + r * WPAD - 1, 16)]
                s = s + nf[pl.ds(pb + r * WPAD + 1, 16)]
                s = s + nf[pl.ds(pb + r * WPAD + 2, 16)]
                centers.append(c0)
                hs.append(s)
            s5 = hs[0] + hs[1] + hs[2] + hs[3] + hs[4]
            for rr in range(NROWS):
                if rr > 0:
                    s5 = s5 + hs[rr + 4] - hs[rr - 1]
                accs[rr] = accs[rr] + centers[rr + 2] * s5
            return tuple(accs) + (pb + PLANE,)

        init = tuple(zeros16 for _ in range(NROWS)) + (sb,)
        res = lax.fori_loop(0, C * 9, _chan, init)

        wv = iot + (sb - IOFF)
        cin = jnp.minimum(wv + 2, W - 1) - jnp.maximum(wv - 2, 0) + 1
        for rr in range(NROWS):
            g = r0 + rr
            rin = jnp.minimum(g + 2, H - 1) - jnp.maximum(g - 2, 0) + 1
            cnt = (rin * cin - 1).astype(jnp.float32)
            outb[pl.ds(ob + rr * W, 16)] = 0.5 - 0.5 * (res[rr] - 1.0) / cnt
        return (sb + 16, ob + 16)

    lax.fori_loop(0, NV, _strip, (jnp.int32(IOFF), jnp.int32(0)))

    pltpu.sync_copy(outb, out_hbm.at[pl.ds(r0 * W, NROWS * W)])


def kernel(image):
    img_flat = image.reshape(C * H * W)
    out = _sc_saliency(img_flat)
    return out.reshape(1, H, W)

# --- scband reference (transcript-rebuilt; emitter-appended) ---
"""Pipeline reference for scband-error-neurons-core-63273458205366 (READ-ONLY COPY).

The authoritative reference and input builder live on the scoring server;
editing this copy changes nothing except your own understanding.
"""

import jax, jax.numpy as jnp
import numpy as np


def _unfold(x, k, pad, dilation=1, pad_value=0.0):
    B, C, H, W = x.shape
    xp = jnp.pad(x, ((0, 0), (0, 0), (pad, pad), (pad, pad)), constant_values=pad_value)
    outH = H + 2 * pad - dilation * (k - 1)
    outW = W + 2 * pad - dilation * (k - 1)
    patches = []
    for i in range(k):
        for j in range(k):
            patches.append(xp[:, :, i * dilation:i * dilation + outH, j * dilation:j * dilation + outW])
    p = jnp.stack(patches, axis=2)  # [B, C, k*k, outH, outW] (channel-major like torch unfold)
    return p.reshape(B, C * k * k, outH * outW)


def setup_inputs(seed: int = 0) -> dict:
    key = jax.random.key(seed)
    image = jax.random.normal(key, (1, 3, 224, 224), dtype=jnp.float32)
    return {"image": image}


def reference(image):
    center_size = 3
    K = 5
    dilation = 1
    B, C, H, W = image.shape
    T = H * W
    # bottom-up patch predictions: unfold with zero padding cs//2
    bu = _unfold(image, center_size, center_size // 2)  # [B, C*cs^2, T]
    bu = jnp.transpose(bu, (0, 2, 1))  # [B, T, D]
    D = C * center_size * center_size
    # normalize patches: layer_norm over last cs^2 (no affine), then + 1.0 + 1.0
    bu_r = bu.reshape(B, T, C, center_size * center_size)
    mean = bu_r.mean(-1, keepdims=True)
    var = bu_r.var(-1, keepdims=True)
    bu_r = (bu_r - mean) / jnp.sqrt(var + 1e-5)
    bu = bu_r.reshape(B, T, D) + 2.0
    # generate local neighbourhood indices (constant padding with value T)
    half_K = ((K - 1) // 2) * dilation
    ind_map = jnp.arange(T, dtype=jnp.float32).reshape(1, 1, H, W)
    local = _unfold(ind_map, K, half_K, dilation=dilation, pad_value=float(T))  # [1, K*K, T]
    local = jnp.transpose(local, (0, 2, 1)).astype(jnp.int32)  # [1, T, K*K]
    neighbour_inds = jnp.broadcast_to(local, (B, T, K * K))
    center_idx = (K * K) // 2
    keep_cols = np.where(np.arange(K * K) != center_idx)[0]
    neighbour_inds = neighbour_inds[..., keep_cols]  # [B, T, S]
    S = K * K - 1
    node_inds = jnp.broadcast_to(jnp.arange(T, dtype=jnp.int32).reshape(1, T, 1), (B, T, K * K))[..., :S]
    # gather nodes: node_inds.max() < T so no invalid row appended
    gathered_nodes = jnp.take_along_axis(
        bu, node_inds.reshape(B, T * S)[:, :, None], axis=1).reshape(B, T, S, D)
    # gather surround: neighbour_inds.max() == T (constant padding), append invalid row of 0.0
    grid2 = jnp.concatenate([bu, jnp.zeros((B, 1, D), dtype=bu.dtype)], axis=1)
    gathered_surround = jnp.take_along_axis(
        grid2, neighbour_inds.reshape(B, T * S)[:, :, None], axis=1).reshape(B, T, S, D)
    # cosine similarity (torch semantics, eps=1e-8)
    eps = 1e-8
    dot = jnp.sum(gathered_nodes * gathered_surround, axis=-1)
    n1 = jnp.sqrt(jnp.sum(gathered_nodes * gathered_nodes, axis=-1))
    n2 = jnp.sqrt(jnp.sum(gathered_surround * gathered_surround, axis=-1))
    cos_sim = dot / (jnp.maximum(n1, eps) * jnp.maximum(n2, eps))
    similarity_distance = 1.0 - (1.0 + cos_sim) / 2.0
    # masked mean over valid neighbours
    invalid_mask = jnp.where(neighbour_inds == T, 0.0, 1.0)
    similarity_distance = (similarity_distance * invalid_mask).sum(-1) / invalid_mask.sum(-1)
    saliency_map = similarity_distance.reshape(-1, H, W)
    return saliency_map

if __name__ == "__main__":
    import jax
    _d = setup_inputs()
    print(jax.jit(kernel)(*tuple(_d.values())))

</pallas_src>

<mosaic_0001>
#map = affine_map<(d0, d1) -> (0)>
module attributes {stable_mosaic.version = 14 : i64} {
  func.func @_sc_saliency(%arg0: i32, %arg1: i32, %arg2: memref<150528xf32, #tpu.memory_space<hbm>>, %arg3: memref<50176xf32, #tpu.memory_space<hbm>>, %arg4: memref<9360xf32, #tpu.memory_space<vmem>>, %arg5: memref<7920xf32, #tpu.memory_space<vmem>>, %arg6: memref<7920xf32, #tpu.memory_space<vmem>>, %arg7: memref<71280xf32, #tpu.memory_space<vmem>>, %arg8: memref<1568xf32, #tpu.memory_space<vmem>>, %arg9: memref<!tpu.dma_semaphore, #tpu.memory_space<semaphore_mem>>) attributes {dimension_semantics = [#tpu.dimension_semantics<core_parallel>, #tpu.dimension_semantics<subcore_parallel>], iteration_bounds = array<i64: 2, 16>, scalar_prefetch = 0 : i64, scratch_operands = 6 : i64, tpu.core_type = #tpu.core_type<sc_vector_subcore>, window_params = [{transform_indices = #map}, {transform_indices = #map}]} {
    %mul3A = arith.constant 2 : i32
    %mul3A_0 = arith.muli %arg1, %mul3A : i32
    %add3A = arith.addi %mul3A_0, %arg0 : i32
    %mul3A_1 = arith.constant 7 : i32
    %mul3A_2 = arith.muli %add3A, %mul3A_1 : i32
    %broadcast_in_dim3A = arith.constant 0.000000e+00 : f32
    %broadcast_in_dim3A_3 = vector.broadcast %broadcast_in_dim3A : f32 to vector<16xf32>
    %scan3A = arith.constant 0 : i32
    %scan3A_4 = arith.constant 0 : i32
    %scan3A_5 = arith.constant 585 : i32
    %scan3A_6 = arith.addi %scan3A_4, %scan3A_5 : i32
    %scan3A_7 = arith.constant 1 : i32
    %scan3A_8 = scf.for %scan3A_546 = %scan3A_4 to %scan3A_6 step %scan3A_7 iter_args(%scan3A_547 = %scan3A) -> (i32)  : i32 {
      %swap3A = arith.index_cast %scan3A_547 : i32 to index
      %swap3A_548 = tpu.vector_load %arg4[%swap3A] {strides = array<i32>} : memref<9360xf32, #tpu.memory_space<vmem>>, vector<16xf32>,
      tpu.vector_store %arg4[%swap3A], %broadcast_in_dim3A_3 {strides = array<i32>} : memref<9360xf32, #tpu.memory_space<vmem>>, vector<16xf32>,
      %add3A_549 = arith.constant 16 : i32
      %add3A_550 = arith.addi %scan3A_547, %add3A_549 : i32
      scf.yield %add3A_550 : i32
    }
    %scan3A_9 = arith.constant 585 : i32
    %scan3A_10 = arith.constant 0 : i32
    %scan3A_11 = arith.constant 0 : i32
    %scan3A_12 = arith.constant 297 : i32
    %scan3A_13 = arith.addi %scan3A_11, %scan3A_12 : i32
    %scan3A_14 = arith.constant 1 : i32
    %scan3A_15 = scf.for %scan3A_546 = %scan3A_11 to %scan3A_13 step %scan3A_14 iter_args(%scan3A_547 = %scan3A_10) -> (i32)  : i32 {
      %swap3A = arith.index_cast %scan3A_547 : i32 to index
      %swap3A_548 = tpu.vector_load %arg7[%swap3A] {strides = array<i32>} : memref<71280xf32, #tpu.memory_space<vmem>>, vector<16xf32>,
      tpu.vector_store %arg7[%swap3A], %broadcast_in_dim3A_3 {strides = array<i32>} : memref<71280xf32, #tpu.memory_space<vmem>>, vector<16xf32>,
      %add3A_549 = arith.constant 224 : i32
      %add3A_550 = arith.addi %scan3A_547, %add3A_549 : i32
      %swap3A_551 = arith.index_cast %add3A_550 : i32 to index
      %swap3A_552 = tpu.vector_load %arg7[%swap3A_551] {strides = array<i32>} : memref<71280xf32, #tpu.memory_space<vmem>>, vector<16xf32>,
      tpu.vector_store %arg7[%swap3A_551], %broadcast_in_dim3A_3 {strides = array<i32>} : memref<71280xf32, #tpu.memory_space<vmem>>, vector<16xf32>,
      %add3A_553 = arith.constant 240 : i32
      %add3A_554 = arith.addi %scan3A_547, %add3A_553 : i32
      scf.yield %add3A_554 : i32
    }
    %scan3A_16 = arith.constant 297 : i32
    %sub3A = arith.constant 3 : i32
    %sub3A_17 = arith.subi %mul3A_2, %sub3A : i32
    %add3A_18 = arith.constant 0 : i32
    %add3A_19 = arith.addi %sub3A_17, %add3A_18 : i32
    %ge3A = arith.constant 0 : i32
    %ge3A_20 = arith.cmpi sge, %add3A_19, %ge3A : i32
    %lt3A = arith.constant 224 : i32
    %lt3A_21 = arith.cmpi slt, %add3A_19, %lt3A : i32
    %and3A = arith.andi %ge3A_20, %lt3A_21 : i1
    %convert_element_type3A = arith.extui %and3A : i1 to i32
    %cond3A = arith.constant 0 : i32
    %cond3A_22 = arith.cmpi ne, %convert_element_type3A, %cond3A : i32
    scf.if %cond3A_22 {
      %add3A_546 = arith.constant 0 : i32
      %add3A_547 = arith.addi %add3A_546, %add3A_19 : i32
      %mul3A_548 = arith.constant 224 : i32
      %mul3A_549 = arith.muli %add3A_547, %mul3A_548 : i32
      %dma_start3A = arith.constant 8 : i32
      %dma_start3A_550 = tpu.memref_slice %arg4[%dma_start3A] : memref<9360xf32, #tpu.memory_space<vmem>> -> memref<224xf32, #tpu.memory_space<vmem>>
      %dma_start3A_551 = tpu.memref_slice %arg2[%mul3A_549] : memref<150528xf32, #tpu.memory_space<hbm>> -> memref<224xf32, #tpu.memory_space<hbm>>
      %dma_start3A_552 = arith.constant 8 : i32
      %dma_start3A_553 = tpu.memref_slice %arg4[%dma_start3A_552] : memref<9360xf32, #tpu.memory_space<vmem>> -> memref<224xf32, #tpu.memory_space<vmem>>
      %dma_start3A_554 = tpu.memref_slice %arg2[%mul3A_549] : memref<150528xf32, #tpu.memory_space<hbm>> -> memref<224xf32, #tpu.memory_space<hbm>>
      tpu.enqueue_dma source(%dma_start3A_554 : memref<224xf32, #tpu.memory_space<hbm>>) target(%dma_start3A_553 : memref<224xf32, #tpu.memory_space<vmem>>) target_semaphore(%arg9 : memref<!tpu.dma_semaphore, #tpu.memory_space<semaphore_mem>>)
    } else {
    }
    %sub3A_23 = arith.constant 3 : i32
    %sub3A_24 = arith.subi %mul3A_2, %sub3A_23 : i32
    %add3A_25 = arith.constant 1 : i32
    %add3A_26 = arith.addi %sub3A_24, %add3A_25 : i32
    %ge3A_27 = arith.constant 0 : i32
    %ge3A_28 = arith.cmpi sge, %add3A_26, %ge3A_27 : i32
    %lt3A_29 = arith.constant 224 : i32
    %lt3A_30 = arith.cmpi slt, %add3A_26, %lt3A_29 : i32
    %and3A_31 = arith.andi %ge3A_28, %lt3A_30 : i1
    %convert_element_type3A_32 = arith.extui %and3A_31 : i1 to i32
    %cond3A_33 = arith.constant 0 : i32
    %cond3A_34 = arith.cmpi ne, %convert_element_type3A_32, %cond3A_33 : i32
    scf.if %cond3A_34 {
      %add3A_546 = arith.constant 0 : i32
      %add3A_547 = arith.addi %add3A_546, %add3A_26 : i32
      %mul3A_548 = arith.constant 224 : i32
      %mul3A_549 = arith.muli %add3A_547, %mul3A_548 : i32
      %dma_start3A = arith.constant 248 : i32
      %dma_start3A_550 = tpu.memref_slice %arg4[%dma_start3A] : memref<9360xf32, #tpu.memory_space<vmem>> -> memref<224xf32, #tpu.memory_space<vmem>>
      %dma_start3A_551 = tpu.memref_slice %arg2[%mul3A_549] : memref<150528xf32, #tpu.memory_space<hbm>> -> memref<224xf32, #tpu.memory_space<hbm>>
      %dma_start3A_552 = arith.constant 248 : i32
      %dma_start3A_553 = tpu.memref_slice %arg4[%dma_start3A_552] : memref<9360xf32, #tpu.memory_space<vmem>> -> memref<224xf32, #tpu.memory_space<vmem>>
      %dma_start3A_554 = tpu.memref_slice %arg2[%mul3A_549] : memref<150528xf32, #tpu.memory_space<hbm>> -> memref<224xf32, #tpu.memory_space<hbm>>
      tpu.enqueue_dma source(%dma_start3A_554 : memref<224xf32, #tpu.memory_space<hbm>>) target(%dma_start3A_553 : memref<224xf32, #tpu.memory_space<vmem>>) target_semaphore(%arg9 : memref<!tpu.dma_semaphore, #tpu.memory_space<semaphore_mem>>)
    } else {
    }
    %sub3A_35 = arith.constant 3 : i32
    %sub3A_36 = arith.subi %mul3A_2, %sub3A_35 : i32
    %add3A_37 = arith.constant 2 : i32
    %add3A_38 = arith.addi %sub3A_36, %add3A_37 : i32
    %ge3A_39 = arith.constant 0 : i32
    %ge3A_40 = arith.cmpi sge, %add3A_38, %ge3A_39 : i32
    %lt3A_41 = arith.constant 224 : i32
    %lt3A_42 = arith.cmpi slt, %add3A_38, %lt3A_41 : i32
    %and3A_43 = arith.andi %ge3A_40, %lt3A_42 : i1
    %convert_element_type3A_44 = arith.extui %and3A_43 : i1 to i32
    %cond3A_45 = arith.constant 0 : i32
    %cond3A_46 = arith.cmpi ne, %convert_element_type3A_44, %cond3A_45 : i32
    scf.if %cond3A_46 {
      %add3A_546 = arith.constant 0 : i32
      %add3A_547 = arith.addi %add3A_546, %add3A_38 : i32
      %mul3A_548 = arith.constant 224 : i32
      %mul3A_549 = arith.muli %add3A_547, %mul3A_548 : i32
      %dma_start3A = arith.constant 488 : i32
      %dma_start3A_550 = tpu.memref_slice %arg4[%dma_start3A] : memref<9360xf32, #tpu.memory_space<vmem>> -> memref<224xf32, #tpu.memory_space<vmem>>
      %dma_start3A_551 = tpu.memref_slice %arg2[%mul3A_549] : memref<150528xf32, #tpu.memory_space<hbm>> -> memref<224xf32, #tpu.memory_space<hbm>>
      %dma_start3A_552 = arith.constant 488 : i32
      %dma_start3A_553 = tpu.memref_slice %arg4[%dma_start3A_552] : memref<9360xf32, #tpu.memory_space<vmem>> -> memref<224xf32, #tpu.memory_space<vmem>>
      %dma_start3A_554 = tpu.memref_slice %arg2[%mul3A_549] : memref<150528xf32, #tpu.memory_space<hbm>> -> memref<224xf32, #tpu.memory_space<hbm>>
      tpu.enqueue_dma source(%dma_start3A_554 : memref<224xf32, #tpu.memory_space<hbm>>) target(%dma_start3A_553 : memref<224xf32, #tpu.memory_space<vmem>>) target_semaphore(%arg9 : memref<!tpu.dma_semaphore, #tpu.memory_space<semaphore_mem>>)
    } else {
    }
    %sub3A_47 = arith.constant 3 : i32
    %sub3A_48 = arith.subi %mul3A_2, %sub3A_47 : i32
    %add3A_49 = arith.constant 3 : i32
    %add3A_50 = arith.addi %sub3A_48, %add3A_49 : i32
    %ge3A_51 = arith.constant 0 : i32
    %ge3A_52 = arith.cmpi sge, %add3A_50, %ge3A_51 : i32
    %lt3A_53 = arith.constant 224 : i32
    %lt3A_54 = arith.cmpi slt, %add3A_50, %lt3A_53 : i32
    %and3A_55 = arith.andi %ge3A_52, %lt3A_54 : i1
    %convert_element_type3A_56 = arith.extui %and3A_55 : i1 to i32
    %cond3A_57 = arith.constant 0 : i32
    %cond3A_58 = arith.cmpi ne, %convert_element_type3A_56, %cond3A_57 : i32
    scf.if %cond3A_58 {
      %add3A_546 = arith.constant 0 : i32
      %add3A_547 = arith.addi %add3A_546, %add3A_50 : i32
      %mul3A_548 = arith.constant 224 : i32
      %mul3A_549 = arith.muli %add3A_547, %mul3A_548 : i32
      %dma_start3A = arith.constant 728 : i32
      %dma_start3A_550 = tpu.memref_slice %arg4[%dma_start3A] : memref<9360xf32, #tpu.memory_space<vmem>> -> memref<224xf32, #tpu.memory_space<vmem>>
      %dma_start3A_551 = tpu.memref_slice %arg2[%mul3A_549] : memref<150528xf32, #tpu.memory_space<hbm>> -> memref<224xf32, #tpu.memory_space<hbm>>
      %dma_start3A_552 = arith.constant 728 : i32
      %dma_start3A_553 = tpu.memref_slice %arg4[%dma_start3A_552] : memref<9360xf32, #tpu.memory_space<vmem>> -> memref<224xf32, #tpu.memory_space<vmem>>
      %dma_start3A_554 = tpu.memref_slice %arg2[%mul3A_549] : memref<150528xf32, #tpu.memory_space<hbm>> -> memref<224xf32, #tpu.memory_space<hbm>>
      tpu.enqueue_dma source(%dma_start3A_554 : memref<224xf32, #tpu.memory_space<hbm>>) target(%dma_start3A_553 : memref<224xf32, #tpu.memory_space<vmem>>) target_semaphore(%arg9 : memref<!tpu.dma_semaphore, #tpu.memory_space<semaphore_mem>>)
    } else {
    }
    %sub3A_59 = arith.constant 3 : i32
    %sub3A_60 = arith.subi %mul3A_2, %sub3A_59 : i32
    %add3A_61 = arith.constant 4 : i32
    %add3A_62 = arith.addi %sub3A_60, %add3A_61 : i32
    %ge3A_63 = arith.constant 0 : i32
    %ge3A_64 = arith.cmpi sge, %add3A_62, %ge3A_63 : i32
    %lt3A_65 = arith.constant 224 : i32
    %lt3A_66 = arith.cmpi slt, %add3A_62, %lt3A_65 : i32
    %and3A_67 = arith.andi %ge3A_64, %lt3A_66 : i1
    %convert_element_type3A_68 = arith.extui %and3A_67 : i1 to i32
    %cond3A_69 = arith.constant 0 : i32
    %cond3A_70 = arith.cmpi ne, %convert_element_type3A_68, %cond3A_69 : i32
    scf.if %cond3A_70 {
      %add3A_546 = arith.constant 0 : i32
      %add3A_547 = arith.addi %add3A_546, %add3A_62 : i32
      %mul3A_548 = arith.constant 224 : i32
      %mul3A_549 = arith.muli %add3A_547, %mul3A_548 : i32
      %dma_start3A = arith.constant 968 : i32
      %dma_start3A_550 = tpu.memref_slice %arg4[%dma_start3A] : memref<9360xf32, #tpu.memory_space<vmem>> -> memref<224xf32, #tpu.memory_space<vmem>>
      %dma_start3A_551 = tpu.memref_slice %arg2[%mul3A_549] : memref<150528xf32, #tpu.memory_space<hbm>> -> memref<224xf32, #tpu.memory_space<hbm>>
      %dma_start3A_552 = arith.constant 968 : i32
      %dma_start3A_553 = tpu.memref_slice %arg4[%dma_start3A_552] : memref<9360xf32, #tpu.memory_space<vmem>> -> memref<224xf32, #tpu.memory_space<vmem>>
      %dma_start3A_554 = tpu.memref_slice %arg2[%mul3A_549] : memref<150528xf32, #tpu.memory_space<hbm>> -> memref<224xf32, #tpu.memory_space<hbm>>
      tpu.enqueue_dma source(%dma_start3A_554 : memref<224xf32, #tpu.memory_space<hbm>>) target(%dma_start3A_553 : memref<224xf32, #tpu.memory_space<vmem>>) target_semaphore(%arg9 : memref<!tpu.dma_semaphore, #tpu.memory_space<semaphore_mem>>)
    } else {
    }
    %sub3A_71 = arith.constant 3 : i32
    %sub3A_72 = arith.subi %mul3A_2, %sub3A_71 : i32
    %add3A_73 = arith.constant 5 : i32
    %add3A_74 = arith.addi %sub3A_72, %add3A_73 : i32
    %ge3A_75 = arith.constant 0 : i32
    %ge3A_76 = arith.cmpi sge, %add3A_74, %ge3A_75 : i32
    %lt3A_77 = arith.constant 224 : i32
    %lt3A_78 = arith.cmpi slt, %add3A_74, %lt3A_77 : i32
    %and3A_79 = arith.andi %ge3A_76, %lt3A_78 : i1
    %convert_element_type3A_80 = arith.extui %and3A_79 : i1 to i32
    %cond3A_81 = arith.constant 0 : i32
    %cond3A_82 = arith.cmpi ne, %convert_element_type3A_80, %cond3A_81 : i32
    scf.if %cond3A_82 {
      %add3A_546 = arith.constant 0 : i32
      %add3A_547 = arith.addi %add3A_546, %add3A_74 : i32
      %mul3A_548 = arith.constant 224 : i32
      %mul3A_549 = arith.muli %add3A_547, %mul3A_548 : i32
      %dma_start3A = arith.constant 1208 : i32
      %dma_start3A_550 = tpu.memref_slice %arg4[%dma_start3A] : memref<9360xf32, #tpu.memory_space<vmem>> -> memref<224xf32, #tpu.memory_space<vmem>>
      %dma_start3A_551 = tpu.memref_slice %arg2[%mul3A_549] : memref<150528xf32, #tpu.memory_space<hbm>> -> memref<224xf32, #tpu.memory_space<hbm>>
      %dma_start3A_552 = arith.constant 1208 : i32
      %dma_start3A_553 = tpu.memref_slice %arg4[%dma_start3A_552] : memref<9360xf32, #tpu.memory_space<vmem>> -> memref<224xf32, #tpu.memory_space<vmem>>
      %dma_start3A_554 = tpu.memref_slice %arg2[%mul3A_549] : memref<150528xf32, #tpu.memory_space<hbm>> -> memref<224xf32, #tpu.memory_space<hbm>>
      tpu.enqueue_dma source(%dma_start3A_554 : memref<224xf32, #tpu.memory_space<hbm>>) target(%dma_start3A_553 : memref<224xf32, #tpu.memory_space<vmem>>) target_semaphore(%arg9 : memref<!tpu.dma_semaphore, #tpu.memory_space<semaphore_mem>>)
    } else {
    }
    %sub3A_83 = arith.constant 3 : i32
    %sub3A_84 = arith.subi %mul3A_2, %sub3A_83 : i32
    %add3A_85 = arith.constant 6 : i32
    %add3A_86 = arith.addi %sub3A_84, %add3A_85 : i32
    %ge3A_87 = arith.constant 0 : i32
    %ge3A_88 = arith.cmpi sge, %add3A_86, %ge3A_87 : i32
    %lt3A_89 = arith.constant 224 : i32
    %lt3A_90 = arith.cmpi slt, %add3A_86, %lt3A_89 : i32
    %and3A_91 = arith.andi %ge3A_88, %lt3A_90 : i1
    %convert_element_type3A_92 = arith.extui %and3A_91 : i1 to i32
    %cond3A_93 = arith.constant 0 : i32
    %cond3A_94 = arith.cmpi ne, %convert_element_type3A_92, %cond3A_93 : i32
    scf.if %cond3A_94 {
      %add3A_546 = arith.constant 0 : i32
      %add3A_547 = arith.addi %add3A_546, %add3A_86 : i32
      %mul3A_548 = arith.constant 224 : i32
      %mul3A_549 = arith.muli %add3A_547, %mul3A_548 : i32
      %dma_start3A = arith.constant 1448 : i32
      %dma_start3A_550 = tpu.memref_slice %arg4[%dma_start3A] : memref<9360xf32, #tpu.memory_space<vmem>> -> memref<224xf32, #tpu.memory_space<vmem>>
      %dma_start3A_551 = tpu.memref_slice %arg2[%mul3A_549] : memref<150528xf32, #tpu.memory_space<hbm>> -> memref<224xf32, #tpu.memory_space<hbm>>
      %dma_start3A_552 = arith.constant 1448 : i32
      %dma_start3A_553 = tpu.memref_slice %arg4[%dma_start3A_552] : memref<9360xf32, #tpu.memory_space<vmem>> -> memref<224xf32, #tpu.memory_space<vmem>>
      %dma_start3A_554 = tpu.memref_slice %arg2[%mul3A_549] : memref<150528xf32, #tpu.memory_space<hbm>> -> memref<224xf32, #tpu.memory_space<hbm>>
      tpu.enqueue_dma source(%dma_start3A_554 : memref<224xf32, #tpu.memory_space<hbm>>) target(%dma_start3A_553 : memref<224xf32, #tpu.memory_space<vmem>>) target_semaphore(%arg9 : memref<!tpu.dma_semaphore, #tpu.memory_space<semaphore_mem>>)
    } else {
    }
    %sub3A_95 = arith.constant 3 : i32
    %sub3A_96 = arith.subi %mul3A_2, %sub3A_95 : i32
    %add3A_97 = arith.constant 7 : i32
    %add3A_98 = arith.addi %sub3A_96, %add3A_97 : i32
    %ge3A_99 = arith.constant 0 : i32
    %ge3A_100 = arith.cmpi sge, %add3A_98, %ge3A_99 : i32
    %lt3A_101 = arith.constant 224 : i32
    %lt3A_102 = arith.cmpi slt, %add3A_98, %lt3A_101 : i32
    %and3A_103 = arith.andi %ge3A_100, %lt3A_102 : i1
    %convert_element_type3A_104 = arith.extui %and3A_103 : i1 to i32
    %cond3A_105 = arith.constant 0 : i32
    %cond3A_106 = arith.cmpi ne, %convert_element_type3A_104, %cond3A_105 : i32
    scf.if %cond3A_106 {
      %add3A_546 = arith.constant 0 : i32
      %add3A_547 = arith.addi %add3A_546, %add3A_98 : i32
      %mul3A_548 = arith.constant 224 : i32
      %mul3A_549 = arith.muli %add3A_547, %mul3A_548 : i32
      %dma_start3A = arith.constant 1688 : i32
      %dma_start3A_550 = tpu.memref_slice %arg4[%dma_start3A] : memref<9360xf32, #tpu.memory_space<vmem>> -> memref<224xf32, #tpu.memory_space<vmem>>
      %dma_start3A_551 = tpu.memref_slice %arg2[%mul3A_549] : memref<150528xf32, #tpu.memory_space<hbm>> -> memref<224xf32, #tpu.memory_space<hbm>>
      %dma_start3A_552 = arith.constant 1688 : i32
      %dma_start3A_553 = tpu.memref_slice %arg4[%dma_start3A_552] : memref<9360xf32, #tpu.memory_space<vmem>> -> memref<224xf32, #tpu.memory_space<vmem>>
      %dma_start3A_554 = tpu.memref_slice %arg2[%mul3A_549] : memref<150528xf32, #tpu.memory_space<hbm>> -> memref<224xf32, #tpu.memory_space<hbm>>
      tpu.enqueue_dma source(%dma_start3A_554 : memref<224xf32, #tpu.memory_space<hbm>>) target(%dma_start3A_553 : memref<224xf32, #tpu.memory_space<vmem>>) target_semaphore(%arg9 : memref<!tpu.dma_semaphore, #tpu.memory_space<semaphore_mem>>)
    } else {
    }
    %sub3A_107 = arith.constant 3 : i32
    %sub3A_108 = arith.subi %mul3A_2, %sub3A_107 : i32
    %add3A_109 = arith.constant 8 : i32
    %add3A_110 = arith.addi %sub3A_108, %add3A_109 : i32
    %ge3A_111 = arith.constant 0 : i32
    %ge3A_112 = arith.cmpi sge, %add3A_110, %ge3A_111 : i32
    %lt3A_113 = arith.constant 224 : i32
    %lt3A_114 = arith.cmpi slt, %add3A_110, %lt3A_113 : i32
    %and3A_115 = arith.andi %ge3A_112, %lt3A_114 : i1
    %convert_element_type3A_116 = arith.extui %and3A_115 : i1 to i32
    %cond3A_117 = arith.constant 0 : i32
    %cond3A_118 = arith.cmpi ne, %convert_element_type3A_116, %cond3A_117 : i32
    scf.if %cond3A_118 {
      %add3A_546 = arith.constant 0 : i32
      %add3A_547 = arith.addi %add3A_546, %add3A_110 : i32
      %mul3A_548 = arith.constant 224 : i32
      %mul3A_549 = arith.muli %add3A_547, %mul3A_548 : i32
      %dma_start3A = arith.constant 1928 : i32
      %dma_start3A_550 = tpu.memref_slice %arg4[%dma_start3A] : memref<9360xf32, #tpu.memory_space<vmem>> -> memref<224xf32, #tpu.memory_space<vmem>>
      %dma_start3A_551 = tpu.memref_slice %arg2[%mul3A_549] : memref<150528xf32, #tpu.memory_space<hbm>> -> memref<224xf32, #tpu.memory_space<hbm>>
      %dma_start3A_552 = arith.constant 1928 : i32
      %dma_start3A_553 = tpu.memref_slice %arg4[%dma_start3A_552] : memref<9360xf32, #tpu.memory_space<vmem>> -> memref<224xf32, #tpu.memory_space<vmem>>
      %dma_start3A_554 = tpu.memref_slice %arg2[%mul3A_549] : memref<150528xf32, #tpu.memory_space<hbm>> -> memref<224xf32, #tpu.memory_space<hbm>>
      tpu.enqueue_dma source(%dma_start3A_554 : memref<224xf32, #tpu.memory_space<hbm>>) target(%dma_start3A_553 : memref<224xf32, #tpu.memory_space<vmem>>) target_semaphore(%arg9 : memref<!tpu.dma_semaphore, #tpu.memory_space<semaphore_mem>>)
    } else {
    }
    %sub3A_119 = arith.constant 3 : i32
    %sub3A_120 = arith.subi %mul3A_2, %sub3A_119 : i32
    %add3A_121 = arith.constant 9 : i32
    %add3A_122 = arith.addi %sub3A_120, %add3A_121 : i32
    %ge3A_123 = arith.constant 0 : i32
    %ge3A_124 = arith.cmpi sge, %add3A_122, %ge3A_123 : i32
    %lt3A_125 = arith.constant 224 : i32
    %lt3A_126 = arith.cmpi slt, %add3A_122, %lt3A_125 : i32
    %and3A_127 = arith.andi %ge3A_124, %lt3A_126 : i1
    %convert_element_type3A_128 = arith.extui %and3A_127 : i1 to i32
    %cond3A_129 = arith.constant 0 : i32
    %cond3A_130 = arith.cmpi ne, %convert_element_type3A_128, %cond3A_129 : i32
    scf.if %cond3A_130 {
      %add3A_546 = arith.constant 0 : i32
      %add3A_547 = arith.addi %add3A_546, %add3A_122 : i32
      %mul3A_548 = arith.constant 224 : i32
      %mul3A_549 = arith.muli %add3A_547, %mul3A_548 : i32
      %dma_start3A = arith.constant 2168 : i32
      %dma_start3A_550 = tpu.memref_slice %arg4[%dma_start3A] : memref<9360xf32, #tpu.memory_space<vmem>> -> memref<224xf32, #tpu.memory_space<vmem>>
      %dma_start3A_551 = tpu.memref_slice %arg2[%mul3A_549] : memref<150528xf32, #tpu.memory_space<hbm>> -> memref<224xf32, #tpu.memory_space<hbm>>
      %dma_start3A_552 = arith.constant 2168 : i32
      %dma_start3A_553 = tpu.memref_slice %arg4[%dma_start3A_552] : memref<9360xf32, #tpu.memory_space<vmem>> -> memref<224xf32, #tpu.memory_space<vmem>>
      %dma_start3A_554 = tpu.memref_slice %arg2[%mul3A_549] : memref<150528xf32, #tpu.memory_space<hbm>> -> memref<224xf32, #tpu.memory_space<hbm>>
      tpu.enqueue_dma source(%dma_start3A_554 : memref<224xf32, #tpu.memory_space<hbm>>) target(%dma_start3A_553 : memref<224xf32, #tpu.memory_space<vmem>>) target_semaphore(%arg9 : memref<!tpu.dma_semaphore, #tpu.memory_space<semaphore_mem>>)
    } else {
    }
    %sub3A_131 = arith.constant 3 : i32
    %sub3A_132 = arith.subi %mul3A_2, %sub3A_131 : i32
    %add3A_133 = arith.constant 10 : i32
    %add3A_134 = arith.addi %sub3A_132, %add3A_133 : i32
    %ge3A_135 = arith.constant 0 : i32
    %ge3A_136 = arith.cmpi sge, %add3A_134, %ge3A_135 : i32
    %lt3A_137 = arith.constant 224 : i32
    %lt3A_138 = arith.cmpi slt, %add3A_134, %lt3A_137 : i32
    %and3A_139 = arith.andi %ge3A_136, %lt3A_138 : i1
    %convert_element_type3A_140 = arith.extui %and3A_139 : i1 to i32
    %cond3A_141 = arith.constant 0 : i32
    %cond3A_142 = arith.cmpi ne, %convert_element_type3A_140, %cond3A_141 : i32
    scf.if %cond3A_142 {
      %add3A_546 = arith.constant 0 : i32
      %add3A_547 = arith.addi %add3A_546, %add3A_134 : i32
      %mul3A_548 = arith.constant 224 : i32
      %mul3A_549 = arith.muli %add3A_547, %mul3A_548 : i32
      %dma_start3A = arith.constant 2408 : i32
      %dma_start3A_550 = tpu.memref_slice %arg4[%dma_start3A] : memref<9360xf32, #tpu.memory_space<vmem>> -> memref<224xf32, #tpu.memory_space<vmem>>
      %dma_start3A_551 = tpu.memref_slice %arg2[%mul3A_549] : memref<150528xf32, #tpu.memory_space<hbm>> -> memref<224xf32, #tpu.memory_space<hbm>>
      %dma_start3A_552 = arith.constant 2408 : i32
      %dma_start3A_553 = tpu.memref_slice %arg4[%dma_start3A_552] : memref<9360xf32, #tpu.memory_space<vmem>> -> memref<224xf32, #tpu.memory_space<vmem>>
      %dma_start3A_554 = tpu.memref_slice %arg2[%mul3A_549] : memref<150528xf32, #tpu.memory_space<hbm>> -> memref<224xf32, #tpu.memory_space<hbm>>
      tpu.enqueue_dma source(%dma_start3A_554 : memref<224xf32, #tpu.memory_space<hbm>>) target(%dma_start3A_553 : memref<224xf32, #tpu.memory_space<vmem>>) target_semaphore(%arg9 : memref<!tpu.dma_semaphore, #tpu.memory_space<semaphore_mem>>)
    } else {
    }
    %sub3A_143 = arith.constant 3 : i32
    %sub3A_144 = arith.subi %mul3A_2, %sub3A_143 : i32
    %add3A_145 = arith.constant 11 : i32
    %add3A_146 = arith.addi %sub3A_144, %add3A_145 : i32
    %ge3A_147 = arith.constant 0 : i32
    %ge3A_148 = arith.cmpi sge, %add3A_146, %ge3A_147 : i32
    %lt3A_149 = arith.constant 224 : i32
    %lt3A_150 = arith.cmpi slt, %add3A_146, %lt3A_149 : i32
    %and3A_151 = arith.andi %ge3A_148, %lt3A_150 : i1
    %convert_element_type3A_152 = arith.extui %and3A_151 : i1 to i32
    %cond3A_153 = arith.constant 0 : i32
    %cond3A_154 = arith.cmpi ne, %convert_element_type3A_152, %cond3A_153 : i32
    scf.if %cond3A_154 {
      %add3A_546 = arith.constant 0 : i32
      %add3A_547 = arith.addi %add3A_546, %add3A_146 : i32
      %mul3A_548 = arith.constant 224 : i32
      %mul3A_549 = arith.muli %add3A_547, %mul3A_548 : i32
      %dma_start3A = arith.constant 2648 : i32
      %dma_start3A_550 = tpu.memref_slice %arg4[%dma_start3A] : memref<9360xf32, #tpu.memory_space<vmem>> -> memref<224xf32, #tpu.memory_space<vmem>>
      %dma_start3A_551 = tpu.memref_slice %arg2[%mul3A_549] : memref<150528xf32, #tpu.memory_space<hbm>> -> memref<224xf32, #tpu.memory_space<hbm>>
      %dma_start3A_552 = arith.constant 2648 : i32
      %dma_start3A_553 = tpu.memref_slice %arg4[%dma_start3A_552] : memref<9360xf32, #tpu.memory_space<vmem>> -> memref<224xf32, #tpu.memory_space<vmem>>
      %dma_start3A_554 = tpu.memref_slice %arg2[%mul3A_549] : memref<150528xf32, #tpu.memory_space<hbm>> -> memref<224xf32, #tpu.memory_space<hbm>>
      tpu.enqueue_dma source(%dma_start3A_554 : memref<224xf32, #tpu.memory_space<hbm>>) target(%dma_start3A_553 : memref<224xf32, #tpu.memory_space<vmem>>) target_semaphore(%arg9 : memref<!tpu.dma_semaphore, #tpu.memory_space<semaphore_mem>>)
    } else {
    }
    %sub3A_155 = arith.constant 3 : i32
    %sub3A_156 = arith.subi %mul3A_2, %sub3A_155 : i32
    %add3A_157 = arith.constant 12 : i32
    %add3A_158 = arith.addi %sub3A_156, %add3A_157 : i32
    %ge3A_159 = arith.constant 0 : i32
    %ge3A_160 = arith.cmpi sge, %add3A_158, %ge3A_159 : i32
    %lt3A_161 = arith.constant 224 : i32
    %lt3A_162 = arith.cmpi slt, %add3A_158, %lt3A_161 : i32
    %and3A_163 = arith.andi %ge3A_160, %lt3A_162 : i1
    %convert_element_type3A_164 = arith.extui %and3A_163 : i1 to i32
    %cond3A_165 = arith.constant 0 : i32
    %cond3A_166 = arith.cmpi ne, %convert_element_type3A_164, %cond3A_165 : i32
    scf.if %cond3A_166 {
      %add3A_546 = arith.constant 0 : i32
      %add3A_547 = arith.addi %add3A_546, %add3A_158 : i32
      %mul3A_548 = arith.constant 224 : i32
      %mul3A_549 = arith.muli %add3A_547, %mul3A_548 : i32
      %dma_start3A = arith.constant 2888 : i32
      %dma_start3A_550 = tpu.memref_slice %arg4[%dma_start3A] : memref<9360xf32, #tpu.memory_space<vmem>> -> memref<224xf32, #tpu.memory_space<vmem>>
      %dma_start3A_551 = tpu.memref_slice %arg2[%mul3A_549] : memref<150528xf32, #tpu.memory_space<hbm>> -> memref<224xf32, #tpu.memory_space<hbm>>
      %dma_start3A_552 = arith.constant 2888 : i32
      %dma_start3A_553 = tpu.memref_slice %arg4[%dma_start3A_552] : memref<9360xf32, #tpu.memory_space<vmem>> -> memref<224xf32, #tpu.memory_space<vmem>>
      %dma_start3A_554 = tpu.memref_slice %arg2[%mul3A_549] : memref<150528xf32, #tpu.memory_space<hbm>> -> memref<224xf32, #tpu.memory_space<hbm>>
      tpu.enqueue_dma source(%dma_start3A_554 : memref<224xf32, #tpu.memory_space<hbm>>) target(%dma_start3A_553 : memref<224xf32, #tpu.memory_space<vmem>>) target_semaphore(%arg9 : memref<!tpu.dma_semaphore, #tpu.memory_space<semaphore_mem>>)
    } else {
    }
    %sub3A_167 = arith.constant 3 : i32
    %sub3A_168 = arith.subi %mul3A_2, %sub3A_167 : i32
    %add3A_169 = arith.constant 0 : i32
    %add3A_170 = arith.addi %sub3A_168, %add3A_169 : i32
    %ge3A_171 = arith.constant 0 : i32
    %ge3A_172 = arith.cmpi sge, %add3A_170, %ge3A_171 : i32
    %lt3A_173 = arith.constant 224 : i32
    %lt3A_174 = arith.cmpi slt, %add3A_170, %lt3A_173 : i32
    %and3A_175 = arith.andi %ge3A_172, %lt3A_174 : i1
    %convert_element_type3A_176 = arith.extui %and3A_175 : i1 to i32
    %cond3A_177 = arith.constant 0 : i32
    %cond3A_178 = arith.cmpi ne, %convert_element_type3A_176, %cond3A_177 : i32
    scf.if %cond3A_178 {
      %add3A_546 = arith.constant 224 : i32
      %add3A_547 = arith.addi %add3A_546, %add3A_170 : i32
      %mul3A_548 = arith.constant 224 : i32
      %mul3A_549 = arith.muli %add3A_547, %mul3A_548 : i32
      %dma_start3A = arith.constant 3128 : i32
      %dma_start3A_550 = tpu.memref_slice %arg4[%dma_start3A] : memref<9360xf32, #tpu.memory_space<vmem>> -> memref<224xf32, #tpu.memory_space<vmem>>
      %dma_start3A_551 = tpu.memref_slice %arg2[%mul3A_549] : memref<150528xf32, #tpu.memory_space<hbm>> -> memref<224xf32, #tpu.memory_space<hbm>>
      %dma_start3A_552 = arith.constant 3128 : i32
      %dma_start3A_553 = tpu.memref_slice %arg4[%dma_start3A_552] : memref<9360xf32, #tpu.memory_space<vmem>> -> memref<224xf32, #tpu.memory_space<vmem>>
      %dma_start3A_554 = tpu.memref_slice %arg2[%mul3A_549] : memref<150528xf32, #tpu.memory_space<hbm>> -> memref<224xf32, #tpu.memory_space<hbm>>
      tpu.enqueue_dma source(%dma_start3A_554 : memref<224xf32, #tpu.memory_space<hbm>>) target(%dma_start3A_553 : memref<224xf32, #tpu.memory_space<vmem>>) target_semaphore(%arg9 : memref<!tpu.dma_semaphore, #tpu.memory_space<semaphore_mem>>)
    } else {
    }
    %sub3A_179 = arith.constant 3 : i32
    %sub3A_180 = arith.subi %mul3A_2, %sub3A_179 : i32
    %add3A_181 = arith.constant 1 : i32
    %add3A_182 = arith.addi %sub3A_180, %add3A_181 : i32
    %ge3A_183 = arith.constant 0 : i32
    %ge3A_184 = arith.cmpi sge, %add3A_182, %ge3A_183 : i32
    %lt3A_185 = arith.constant 224 : i32
    %lt3A_186 = arith.cmpi slt, %add3A_182, %lt3A_185 : i32
    %and3A_187 = arith.andi %ge3A_184, %lt3A_186 : i1
    %convert_element_type3A_188 = arith.extui %and3A_187 : i1 to i32
    %cond3A_189 = arith.constant 0 : i32
    %cond3A_190 = arith.cmpi ne, %convert_element_type3A_188, %cond3A_189 : i32
    scf.if %cond3A_190 {
      %add3A_546 = arith.constant 224 : i32
      %add3A_547 = arith.addi %add3A_546, %add3A_182 : i32
      %mul3A_548 = arith.constant 224 : i32
      %mul3A_549 = arith.muli %add3A_547, %mul3A_548 : i32
      %dma_start3A = arith.constant 3368 : i32
      %dma_start3A_550 = tpu.memref_slice %arg4[%dma_start3A] : memref<9360xf32, #tpu.memory_space<vmem>> -> memref<224xf32, #tpu.memory_space<vmem>>
      %dma_start3A_551 = tpu.memref_slice %arg2[%mul3A_549] : memref<150528xf32, #tpu.memory_space<hbm>> -> memref<224xf32, #tpu.memory_space<hbm>>
      %dma_start3A_552 = arith.constant 3368 : i32
      %dma_start3A_553 = tpu.memref_slice %arg4[%dma_start3A_552] : memref<9360xf32, #tpu.memory_space<vmem>> -> memref<224xf32, #tpu.memory_space<vmem>>
      %dma_start3A_554 = tpu.memref_slice %arg2[%mul3A_549] : memref<150528xf32, #tpu.memory_space<hbm>> -> memref<224xf32, #tpu.memory_space<hbm>>
      tpu.enqueue_dma source(%dma_start3A_554 : memref<224xf32, #tpu.memory_space<hbm>>) target(%dma_start3A_553 : memref<224xf32, #tpu.memory_space<vmem>>) target_semaphore(%arg9 : memref<!tpu.dma_semaphore, #tpu.memory_space<semaphore_mem>>)
    } else {
    }
    %sub3A_191 = arith.constant 3 : i32
    %sub3A_192 = arith.subi %mul3A_2, %sub3A_191 : i32
    %add3A_193 = arith.constant 2 : i32
    %add3A_194 = arith.addi %sub3A_192, %add3A_193 : i32
    %ge3A_195 = arith.constant 0 : i32
    %ge3A_196 = arith.cmpi sge, %add3A_194, %ge3A_195 : i32
    %lt3A_197 = arith.constant 224 : i32
    %lt3A_198 = arith.cmpi slt, %add3A_194, %lt3A_197 : i32
    %and3A_199 = arith.andi %ge3A_196, %lt3A_198 : i1
    %convert_element_type3A_200 = arith.extui %and3A_199 : i1 to i32
    %cond3A_201 = arith.constant 0 : i32
    %cond3A_202 = arith.cmpi ne, %convert_element_type3A_200, %cond3A_201 : i32
    scf.if %cond3A_202 {
      %add3A_546 = arith.constant 224 : i32
      %add3A_547 = arith.addi %add3A_546, %add3A_194 : i32
      %mul3A_548 = arith.constant 224 : i32
      %mul3A_549 = arith.muli %add3A_547, %mul3A_548 : i32
      %dma_start3A = arith.constant 3608 : i32
      %dma_start3A_550 = tpu.memref_slice %arg4[%dma_start3A] : memref<9360xf32, #tpu.memory_space<vmem>> -> memref<224xf32, #tpu.memory_space<vmem>>
      %dma_start3A_551 = tpu.memref_slice %arg2[%mul3A_549] : memref<150528xf32, #tpu.memory_space<hbm>> -> memref<224xf32, #tpu.memory_space<hbm>>
      %dma_start3A_552 = arith.constant 3608 : i32
      %dma_start3A_553 = tpu.memref_slice %arg4[%dma_start3A_552] : memref<9360xf32, #tpu.memory_space<vmem>> -> memref<224xf32, #tpu.memory_space<vmem>>
      %dma_start3A_554 = tpu.memref_slice %arg2[%mul3A_549] : memref<150528xf32, #tpu.memory_space<hbm>> -> memref<224xf32, #tpu.memory_space<hbm>>
      tpu.enqueue_dma source(%dma_start3A_554 : memref<224xf32, #tpu.memory_space<hbm>>) target(%dma_start3A_553 : memref<224xf32, #tpu.memory_space<vmem>>) target_semaphore(%arg9 : memref<!tpu.dma_semaphore, #tpu.memory_space<semaphore_mem>>)
    } else {
    }
    %sub3A_203 = arith.constant 3 : i32
    %sub3A_204 = arith.subi %mul3A_2, %sub3A_203 : i32
    %add3A_205 = arith.constant 3 : i32
    %add3A_206 = arith.addi %sub3A_204, %add3A_205 : i32
    %ge3A_207 = arith.constant 0 : i32
    %ge3A_208 = arith.cmpi sge, %add3A_206, %ge3A_207 : i32
    %lt3A_209 = arith.constant 224 : i32
    %lt3A_210 = arith.cmpi slt, %add3A_206, %lt3A_209 : i32
    %and3A_211 = arith.andi %ge3A_208, %lt3A_210 : i1
    %convert_element_type3A_212 = arith.extui %and3A_211 : i1 to i32
    %cond3A_213 = arith.constant 0 : i32
    %cond3A_214 = arith.cmpi ne, %convert_element_type3A_212, %cond3A_213 : i32
    scf.if %cond3A_214 {
      %add3A_546 = arith.constant 224 : i32
      %add3A_547 = arith.addi %add3A_546, %add3A_206 : i32
      %mul3A_548 = arith.constant 224 : i32
      %mul3A_549 = arith.muli %add3A_547, %mul3A_548 : i32
      %dma_start3A = arith.constant 3848 : i32
      %dma_start3A_550 = tpu.memref_slice %arg4[%dma_start3A] : memref<9360xf32, #tpu.memory_space<vmem>> -> memref<224xf32, #tpu.memory_space<vmem>>
      %dma_start3A_551 = tpu.memref_slice %arg2[%mul3A_549] : memref<150528xf32, #tpu.memory_space<hbm>> -> memref<224xf32, #tpu.memory_space<hbm>>
      %dma_start3A_552 = arith.constant 3848 : i32
      %dma_start3A_553 = tpu.memref_slice %arg4[%dma_start3A_552] : memref<9360xf32, #tpu.memory_space<vmem>> -> memref<224xf32, #tpu.memory_space<vmem>>
      %dma_start3A_554 = tpu.memref_slice %arg2[%mul3A_549] : memref<150528xf32, #tpu.memory_space<hbm>> -> memref<224xf32, #tpu.memory_space<hbm>>
      tpu.enqueue_dma source(%dma_start3A_554 : memref<224xf32, #tpu.memory_space<hbm>>) target(%dma_start3A_553 : memref<224xf32, #tpu.memory_space<vmem>>) target_semaphore(%arg9 : memref<!tpu.dma_semaphore, #tpu.memory_space<semaphore_mem>>)
    } else {
    }
    %sub3A_215 = arith.constant 3 : i32
    %sub3A_216 = arith.subi %mul3A_2, %sub3A_215 : i32
    %add3A_217 = arith.constant 4 : i32
    %add3A_218 = arith.addi %sub3A_216, %add3A_217 : i32
    %ge3A_219 = arith.constant 0 : i32
    %ge3A_220 = arith.cmpi sge, %add3A_218, %ge3A_219 : i32
    %lt3A_221 = arith.constant 224 : i32
    %lt3A_222 = arith.cmpi slt, %add3A_218, %lt3A_221 : i32
    %and3A_223 = arith.andi %ge3A_220, %lt3A_222 : i1
    %convert_element_type3A_224 = arith.extui %and3A_223 : i1 to i32
    %cond3A_225 = arith.constant 0 : i32
    %cond3A_226 = arith.cmpi ne, %convert_element_type3A_224, %cond3A_225 : i32
    scf.if %cond3A_226 {
      %add3A_546 = arith.constant 224 : i32
      %add3A_547 = arith.addi %add3A_546, %add3A_218 : i32
      %mul3A_548 = arith.constant 224 : i32
      %mul3A_549 = arith.muli %add3A_547, %mul3A_548 : i32
      %dma_start3A = arith.constant 4088 : i32
      %dma_start3A_550 = tpu.memref_slice %arg4[%dma_start3A] : memref<9360xf32, #tpu.memory_space<vmem>> -> memref<224xf32, #tpu.memory_space<vmem>>
      %dma_start3A_551 = tpu.memref_slice %arg2[%mul3A_549] : memref<150528xf32, #tpu.memory_space<hbm>> -> memref<224xf32, #tpu.memory_space<hbm>>
      %dma_start3A_552 = arith.constant 4088 : i32
      %dma_start3A_553 = tpu.memref_slice %arg4[%dma_start3A_552] : memref<9360xf32, #tpu.memory_space<vmem>> -> memref<224xf32, #tpu.memory_space<vmem>>
      %dma_start3A_554 = tpu.memref_slice %arg2[%mul3A_549] : memref<150528xf32, #tpu.memory_space<hbm>> -> memref<224xf32, #tpu.memory_space<hbm>>
      tpu.enqueue_dma source(%dma_start3A_554 : memref<224xf32, #tpu.memory_space<hbm>>) target(%dma_start3A_553 : memref<224xf32, #tpu.memory_space<vmem>>) target_semaphore(%arg9 : memref<!tpu.dma_semaphore, #tpu.memory_space<semaphore_mem>>)
    } else {
    }
    %sub3A_227 = arith.constant 3 : i32
    %sub3A_228 = arith.subi %mul3A_2, %sub3A_227 : i32
    %add3A_229 = arith.constant 5 : i32
    %add3A_230 = arith.addi %sub3A_228, %add3A_229 : i32
    %ge3A_231 = arith.constant 0 : i32
    %ge3A_232 = arith.cmpi sge, %add3A_230, %ge3A_231 : i32
    %lt3A_233 = arith.constant 224 : i32
    %lt3A_234 = arith.cmpi slt, %add3A_230, %lt3A_233 : i32
    %and3A_235 = arith.andi %ge3A_232, %lt3A_234 : i1
    %convert_element_type3A_236 = arith.extui %and3A_235 : i1 to i32
    %cond3A_237 = arith.constant 0 : i32
    %cond3A_238 = arith.cmpi ne, %convert_element_type3A_236, %cond3A_237 : i32
    scf.if %cond3A_238 {
      %add3A_546 = arith.constant 224 : i32
      %add3A_547 = arith.addi %add3A_546, %add3A_230 : i32
      %mul3A_548 = arith.constant 224 : i32
      %mul3A_549 = arith.muli %add3A_547, %mul3A_548 : i32
      %dma_start3A = arith.constant 4328 : i32
      %dma_start3A_550 = tpu.memref_slice %arg4[%dma_start3A] : memref<9360xf32, #tpu.memory_space<vmem>> -> memref<224xf32, #tpu.memory_space<vmem>>
      %dma_start3A_551 = tpu.memref_slice %arg2[%mul3A_549] : memref<150528xf32, #tpu.memory_space<hbm>> -> memref<224xf32, #tpu.memory_space<hbm>>
      %dma_start3A_552 = arith.constant 4328 : i32
      %dma_start3A_553 = tpu.memref_slice %arg4[%dma_start3A_552] : memref<9360xf32, #tpu.memory_space<vmem>> -> memref<224xf32, #tpu.memory_space<vmem>>
      %dma_start3A_554 = tpu.memref_slice %arg2[%mul3A_549] : memref<150528xf32, #tpu.memory_space<hbm>> -> memref<224xf32, #tpu.memory_space<hbm>>
      tpu.enqueue_dma source(%dma_start3A_554 : memref<224xf32, #tpu.memory_space<hbm>>) target(%dma_start3A_553 : memref<224xf32, #tpu.memory_space<vmem>>) target_semaphore(%arg9 : memref<!tpu.dma_semaphore, #tpu.memory_space<semaphore_mem>>)
    } else {
    }
    %sub3A_239 = arith.constant 3 : i32
    %sub3A_240 = arith.subi %mul3A_2, %sub3A_239 : i32
    %add3A_241 = arith.constant 6 : i32
    %add3A_242 = arith.addi %sub3A_240, %add3A_241 : i32
    %ge3A_243 = arith.constant 0 : i32
    %ge3A_244 = arith.cmpi sge, %add3A_242, %ge3A_243 : i32
    %lt3A_245 = arith.constant 224 : i32
    %lt3A_246 = arith.cmpi slt, %add3A_242, %lt3A_245 : i32
    %and3A_247 = arith.andi %ge3A_244, %lt3A_246 : i1
    %convert_element_type3A_248 = arith.extui %and3A_247 : i1 to i32
    %cond3A_249 = arith.constant 0 : i32
    %cond3A_250 = arith.cmpi ne, %convert_element_type3A_248, %cond3A_249 : i32
    scf.if %cond3A_250 {
      %add3A_546 = arith.constant 224 : i32
      %add3A_547 = arith.addi %add3A_546, %add3A_242 : i32
      %mul3A_548 = arith.constant 224 : i32
      %mul3A_549 = arith.muli %add3A_547, %mul3A_548 : i32
      %dma_start3A = arith.constant 4568 : i32
      %dma_start3A_550 = tpu.memref_slice %arg4[%dma_start3A] : memref<9360xf32, #tpu.memory_space<vmem>> -> memref<224xf32, #tpu.memory_space<vmem>>
      %dma_start3A_551 = tpu.memref_slice %arg2[%mul3A_549] : memref<150528xf32, #tpu.memory_space<hbm>> -> memref<224xf32, #tpu.memory_space<hbm>>
      %dma_start3A_552 = arith.constant 4568 : i32
      %dma_start3A_553 = tpu.memref_slice %arg4[%dma_start3A_552] : memref<9360xf32, #tpu.memory_space<vmem>> -> memref<224xf32, #tpu.memory_space<vmem>>
      %dma_start3A_554 = tpu.memref_slice %arg2[%mul3A_549] : memref<150528xf32, #tpu.memory_space<hbm>> -> memref<224xf32, #tpu.memory_space<hbm>>
      tpu.enqueue_dma source(%dma_start3A_554 : memref<224xf32, #tpu.memory_space<hbm>>) target(%dma_start3A_553 : memref<224xf32, #tpu.memory_space<vmem>>) target_semaphore(%arg9 : memref<!tpu.dma_semaphore, #tpu.memory_space<semaphore_mem>>)
    } else {
    }
    %sub3A_251 = arith.constant 3 : i32
    %sub3A_252 = arith.subi %mul3A_2, %sub3A_251 : i32
    %add3A_253 = arith.constant 7 : i32
    %add3A_254 = arith.addi %sub3A_252, %add3A_253 : i32
    %ge3A_255 = arith.constant 0 : i32
    %ge3A_256 = arith.cmpi sge, %add3A_254, %ge3A_255 : i32
    %lt3A_257 = arith.constant 224 : i32
    %lt3A_258 = arith.cmpi slt, %add3A_254, %lt3A_257 : i32
    %and3A_259 = arith.andi %ge3A_256, %lt3A_258 : i1
    %convert_element_type3A_260 = arith.extui %and3A_259 : i1 to i32
    %cond3A_261 = arith.constant 0 : i32
    %cond3A_262 = arith.cmpi ne, %convert_element_type3A_260, %cond3A_261 : i32
    scf.if %cond3A_262 {
      %add3A_546 = arith.constant 224 : i32
      %add3A_547 = arith.addi %add3A_546, %add3A_254 : i32
      %mul3A_548 = arith.constant 224 : i32
      %mul3A_549 = arith.muli %add3A_547, %mul3A_548 : i32
      %dma_start3A = arith.constant 4808 : i32
      %dma_start3A_550 = tpu.memref_slice %arg4[%dma_start3A] : memref<9360xf32, #tpu.memory_space<vmem>> -> memref<224xf32, #tpu.memory_space<vmem>>
      %dma_start3A_551 = tpu.memref_slice %arg2[%mul3A_549] : memref<150528xf32, #tpu.memory_space<hbm>> -> memref<224xf32, #tpu.memory_space<hbm>>
      %dma_start3A_552 = arith.constant 4808 : i32
      %dma_start3A_553 = tpu.memref_slice %arg4[%dma_start3A_552] : memref<9360xf32, #tpu.memory_space<vmem>> -> memref<224xf32, #tpu.memory_space<vmem>>
      %dma_start3A_554 = tpu.memref_slice %arg2[%mul3A_549] : memref<150528xf32, #tpu.memory_space<hbm>> -> memref<224xf32, #tpu.memory_space<hbm>>
      tpu.enqueue_dma source(%dma_start3A_554 : memref<224xf32, #tpu.memory_space<hbm>>) target(%dma_start3A_553 : memref<224xf32, #tpu.memory_space<vmem>>) target_semaphore(%arg9 : memref<!tpu.dma_semaphore, #tpu.memory_space<semaphore_mem>>)
    } else {
    }
    %sub3A_263 = arith.constant 3 : i32
    %sub3A_264 = arith.subi %mul3A_2, %sub3A_263 : i32
    %add3A_265 = arith.constant 8 : i32
    %add3A_266 = arith.addi %sub3A_264, %add3A_265 : i32
    %ge3A_267 = arith.constant 0 : i32
    %ge3A_268 = arith.cmpi sge, %add3A_266, %ge3A_267 : i32
    %lt3A_269 = arith.constant 224 : i32
    %lt3A_270 = arith.cmpi slt, %add3A_266, %lt3A_269 : i32
    %and3A_271 = arith.andi %ge3A_268, %lt3A_270 : i1
    %convert_element_type3A_272 = arith.extui %and3A_271 : i1 to i32
    %cond3A_273 = arith.constant 0 : i32
    %cond3A_274 = arith.cmpi ne, %convert_element_type3A_272, %cond3A_273 : i32
    scf.if %cond3A_274 {
      %add3A_546 = arith.constant 224 : i32
      %add3A_547 = arith.addi %add3A_546, %add3A_266 : i32
      %mul3A_548 = arith.constant 224 : i32
      %mul3A_549 = arith.muli %add3A_547, %mul3A_548 : i32
      %dma_start3A = arith.constant 5048 : i32
      %dma_start3A_550 = tpu.memref_slice %arg4[%dma_start3A] : memref<9360xf32, #tpu.memory_space<vmem>> -> memref<224xf32, #tpu.memory_space<vmem>>
      %dma_start3A_551 = tpu.memref_slice %arg2[%mul3A_549] : memref<150528xf32, #tpu.memory_space<hbm>> -> memref<224xf32, #tpu.memory_space<hbm>>
      %dma_start3A_552 = arith.constant 5048 : i32
      %dma_start3A_553 = tpu.memref_slice %arg4[%dma_start3A_552] : memref<9360xf32, #tpu.memory_space<vmem>> -> memref<224xf32, #tpu.memory_space<vmem>>
      %dma_start3A_554 = tpu.memref_slice %arg2[%mul3A_549] : memref<150528xf32, #tpu.memory_space<hbm>> -> memref<224xf32, #tpu.memory_space<hbm>>
      tpu.enqueue_dma source(%dma_start3A_554 : memref<224xf32, #tpu.memory_space<hbm>>) target(%dma_start3A_553 : memref<224xf32, #tpu.memory_space<vmem>>) target_semaphore(%arg9 : memref<!tpu.dma_semaphore, #tpu.memory_space<semaphore_mem>>)
    } else {
    }
    %sub3A_275 = arith.constant 3 : i32
    %sub3A_276 = arith.subi %mul3A_2, %sub3A_275 : i32
    %add3A_277 = arith.constant 9 : i32
    %add3A_278 = arith.addi %sub3A_276, %add3A_277 : i32
    %ge3A_279 = arith.constant 0 : i32
    %ge3A_280 = arith.cmpi sge, %add3A_278, %ge3A_279 : i32
    %lt3A_281 = arith.constant 224 : i32
    %lt3A_282 = arith.cmpi slt, %add3A_278, %lt3A_281 : i32
    %and3A_283 = arith.andi %ge3A_280, %lt3A_282 : i1
    %convert_element_type3A_284 = arith.extui %and3A_283 : i1 to i32
    %cond3A_285 = arith.constant 0 : i32
    %cond3A_286 = arith.cmpi ne, %convert_element_type3A_284, %cond3A_285 : i32
    scf.if %cond3A_286 {
      %add3A_546 = arith.constant 224 : i32
      %add3A_547 = arith.addi %add3A_546, %add3A_278 : i32
      %mul3A_548 = arith.constant 224 : i32
      %mul3A_549 = arith.muli %add3A_547, %mul3A_548 : i32
      %dma_start3A = arith.constant 5288 : i32
      %dma_start3A_550 = tpu.memref_slice %arg4[%dma_start3A] : memref<9360xf32, #tpu.memory_space<vmem>> -> memref<224xf32, #tpu.memory_space<vmem>>
      %dma_start3A_551 = tpu.memref_slice %arg2[%mul3A_549] : memref<150528xf32, #tpu.memory_space<hbm>> -> memref<224xf32, #tpu.memory_space<hbm>>
      %dma_start3A_552 = arith.constant 5288 : i32
      %dma_start3A_553 = tpu.memref_slice %arg4[%dma_start3A_552] : memref<9360xf32, #tpu.memory_space<vmem>> -> memref<224xf32, #tpu.memory_space<vmem>>
      %dma_start3A_554 = tpu.memref_slice %arg2[%mul3A_549] : memref<150528xf32, #tpu.memory_space<hbm>> -> memref<224xf32, #tpu.memory_space<hbm>>
      tpu.enqueue_dma source(%dma_start3A_554 : memref<224xf32, #tpu.memory_space<hbm>>) target(%dma_start3A_553 : memref<224xf32, #tpu.memory_space<vmem>>) target_semaphore(%arg9 : memref<!tpu.dma_semaphore, #tpu.memory_space<semaphore_mem>>)
    } else {
    }
    %sub3A_287 = arith.constant 3 : i32
    %sub3A_288 = arith.subi %mul3A_2, %sub3A_287 : i32
    %add3A_289 = arith.constant 10 : i32
    %add3A_290 = arith.addi %sub3A_288, %add3A_289 : i32
    %ge3A_291 = arith.constant 0 : i32
    %ge3A_292 = arith.cmpi sge, %add3A_290, %ge3A_291 : i32
    %lt3A_293 = arith.constant 224 : i32
    %lt3A_294 = arith.cmpi slt, %add3A_290, %lt3A_293 : i32
    %and3A_295 = arith.andi %ge3A_292, %lt3A_294 : i1
    %convert_element_type3A_296 = arith.extui %and3A_295 : i1 to i32
    %cond3A_297 = arith.constant 0 : i32
    %cond3A_298 = arith.cmpi ne, %convert_element_type3A_296, %cond3A_297 : i32
    scf.if %cond3A_298 {
      %add3A_546 = arith.constant 224 : i32
      %add3A_547 = arith.addi %add3A_546, %add3A_290 : i32
      %mul3A_548 = arith.constant 224 : i32
      %mul3A_549 = arith.muli %add3A_547, %mul3A_548 : i32
      %dma_start3A = arith.constant 5528 : i32
      %dma_start3A_550 = tpu.memref_slice %arg4[%dma_start3A] : memref<9360xf32, #tpu.memory_space<vmem>> -> memref<224xf32, #tpu.memory_space<vmem>>
      %dma_start3A_551 = tpu.memref_slice %arg2[%mul3A_549] : memref<150528xf32, #tpu.memory_space<hbm>> -> memref<224xf32, #tpu.memory_space<hbm>>
      %dma_start3A_552 = arith.constant 5528 : i32
      %dma_start3A_553 = tpu.memref_slice %arg4[%dma_start3A_552] : memref<9360xf32, #tpu.memory_space<vmem>> -> memref<224xf32, #tpu.memory_space<vmem>>
      %dma_start3A_554 = tpu.memref_slice %arg2[%mul3A_549] : memref<150528xf32, #tpu.memory_space<hbm>> -> memref<224xf32, #tpu.memory_space<hbm>>
      tpu.enqueue_dma source(%dma_start3A_554 : memref<224xf32, #tpu.memory_space<hbm>>) target(%dma_start3A_553 : memref<224xf32, #tpu.memory_space<vmem>>) target_semaphore(%arg9 : memref<!tpu.dma_semaphore, #tpu.memory_space<semaphore_mem>>)
    } else {
    }
    %sub3A_299 = arith.constant 3 : i32
    %sub3A_300 = arith.subi %mul3A_2, %sub3A_299 : i32
    %add3A_301 = arith.constant 11 : i32
    %add3A_302 = arith.addi %sub3A_300, %add3A_301 : i32
    %ge3A_303 = arith.constant 0 : i32
    %ge3A_304 = arith.cmpi sge, %add3A_302, %ge3A_303 : i32
    %lt3A_305 = arith.constant 224 : i32
    %lt3A_306 = arith.cmpi slt, %add3A_302, %lt3A_305 : i32
    %and3A_307 = arith.andi %ge3A_304, %lt3A_306 : i1
    %convert_element_type3A_308 = arith.extui %and3A_307 : i1 to i32
    %cond3A_309 = arith.constant 0 : i32
    %cond3A_310 = arith.cmpi ne, %convert_element_type3A_308, %cond3A_309 : i32
    scf.if %cond3A_310 {
      %add3A_546 = arith.constant 224 : i32
      %add3A_547 = arith.addi %add3A_546, %add3A_302 : i32
      %mul3A_548 = arith.constant 224 : i32
      %mul3A_549 = arith.muli %add3A_547, %mul3A_548 : i32
      %dma_start3A = arith.constant 5768 : i32
      %dma_start3A_550 = tpu.memref_slice %arg4[%dma_start3A] : memref<9360xf32, #tpu.memory_space<vmem>> -> memref<224xf32, #tpu.memory_space<vmem>>
      %dma_start3A_551 = tpu.memref_slice %arg2[%mul3A_549] : memref<150528xf32, #tpu.memory_space<hbm>> -> memref<224xf32, #tpu.memory_space<hbm>>
      %dma_start3A_552 = arith.constant 5768 : i32
      %dma_start3A_553 = tpu.memref_slice %arg4[%dma_start3A_552] : memref<9360xf32, #tpu.memory_space<vmem>> -> memref<224xf32, #tpu.memory_space<vmem>>
      %dma_start3A_554 = tpu.memref_slice %arg2[%mul3A_549] : memref<150528xf32, #tpu.memory_space<hbm>> -> memref<224xf32, #tpu.memory_space<hbm>>
      tpu.enqueue_dma source(%dma_start3A_554 : memref<224xf32, #tpu.memory_space<hbm>>) target(%dma_start3A_553 : memref<224xf32, #tpu.memory_space<vmem>>) target_semaphore(%arg9 : memref<!tpu.dma_semaphore, #tpu.memory_space<semaphore_mem>>)
    } else {
    }
    %sub3A_311 = arith.constant 3 : i32
    %sub3A_312 = arith.subi %mul3A_2, %sub3A_311 : i32
    %add3A_313 = arith.constant 12 : i32
    %add3A_314 = arith.addi %sub3A_312, %add3A_313 : i32
    %ge3A_315 = arith.constant 0 : i32
    %ge3A_316 = arith.cmpi sge, %add3A_314, %ge3A_315 : i32
    %lt3A_317 = arith.constant 224 : i32
    %lt3A_318 = arith.cmpi slt, %add3A_314, %lt3A_317 : i32
    %and3A_319 = arith.andi %ge3A_316, %lt3A_318 : i1
    %convert_element_type3A_320 = arith.extui %and3A_319 : i1 to i32
    %cond3A_321 = arith.constant 0 : i32
    %cond3A_322 = arith.cmpi ne, %convert_element_type3A_320, %cond3A_321 : i32
    scf.if %cond3A_322 {
      %add3A_546 = arith.constant 224 : i32
      %add3A_547 = arith.addi %add3A_546, %add3A_314 : i32
      %mul3A_548 = arith.constant 224 : i32
      %mul3A_549 = arith.muli %add3A_547, %mul3A_548 : i32
      %dma_start3A = arith.constant 6008 : i32
      %dma_start3A_550 = tpu.memref_slice %arg4[%dma_start3A] : memref<9360xf32, #tpu.memory_space<vmem>> -> memref<224xf32, #tpu.memory_space<vmem>>
      %dma_start3A_551 = tpu.memref_slice %arg2[%mul3A_549] : memref<150528xf32, #tpu.memory_space<hbm>> -> memref<224xf32, #tpu.memory_space<hbm>>
      %dma_start3A_552 = arith.constant 6008 : i32
      %dma_start3A_553 = tpu.memref_slice %arg4[%dma_start3A_552] : memref<9360xf32, #tpu.memory_space<vmem>> -> memref<224xf32, #tpu.memory_space<vmem>>
      %dma_start3A_554 = tpu.memref_slice %arg2[%mul3A_549] : memref<150528xf32, #tpu.memory_space<hbm>> -> memref<224xf32, #tpu.memory_space<hbm>>
      tpu.enqueue_dma source(%dma_start3A_554 : memref<224xf32, #tpu.memory_space<hbm>>) target(%dma_start3A_553 : memref<224xf32, #tpu.memory_space<vmem>>) target_semaphore(%arg9 : memref<!tpu.dma_semaphore, #tpu.memory_space<semaphore_mem>>)
    } else {
    }
    %sub3A_323 = arith.constant 3 : i32
    %sub3A_324 = arith.subi %mul3A_2, %sub3A_323 : i32
    %add3A_325 = arith.constant 0 : i32
    %add3A_326 = arith.addi %sub3A_324, %add3A_325 : i32
    %ge3A_327 = arith.constant 0 : i32
    %ge3A_328 = arith.cmpi sge, %add3A_326, %ge3A_327 : i32
    %lt3A_329 = arith.constant 224 : i32
    %lt3A_330 = arith.cmpi slt, %add3A_326, %lt3A_329 : i32
    %and3A_331 = arith.andi %ge3A_328, %lt3A_330 : i1
    %convert_element_type3A_332 = arith.extui %and3A_331 : i1 to i32
    %cond3A_333 = arith.constant 0 : i32
    %cond3A_334 = arith.cmpi ne, %convert_element_type3A_332, %cond3A_333 : i32
    scf.if %cond3A_334 {
      %add3A_546 = arith.constant 448 : i32
      %add3A_547 = arith.addi %add3A_546, %add3A_326 : i32
      %mul3A_548 = arith.constant 224 : i32
      %mul3A_549 = arith.muli %add3A_547, %mul3A_548 : i32
      %dma_start3A = arith.constant 6248 : i32
      %dma_start3A_550 = tpu.memref_slice %arg4[%dma_start3A] : memref<9360xf32, #tpu.memory_space<vmem>> -> memref<224xf32, #tpu.memory_space<vmem>>
      %dma_start3A_551 = tpu.memref_slice %arg2[%mul3A_549] : memref<150528xf32, #tpu.memory_space<hbm>> -> memref<224xf32, #tpu.memory_space<hbm>>
      %dma_start3A_552 = arith.constant 6248 : i32
      %dma_start3A_553 = tpu.memref_slice %arg4[%dma_start3A_552] : memref<9360xf32, #tpu.memory_space<vmem>> -> memref<224xf32, #tpu.memory_space<vmem>>
      %dma_start3A_554 = tpu.memref_slice %arg2[%mul3A_549] : memref<150528xf32, #tpu.memory_space<hbm>> -> memref<224xf32, #tpu.memory_space<hbm>>
      tpu.enqueue_dma source(%dma_start3A_554 : memref<224xf32, #tpu.memory_space<hbm>>) target(%dma_start3A_553 : memref<224xf32, #tpu.memory_space<vmem>>) target_semaphore(%arg9 : memref<!tpu.dma_semaphore, #tpu.memory_space<semaphore_mem>>)
    } else {
    }
    %sub3A_335 = arith.constant 3 : i32
    %sub3A_336 = arith.subi %mul3A_2, %sub3A_335 : i32
    %add3A_337 = arith.constant 1 : i32
    %add3A_338 = arith.addi %sub3A_336, %add3A_337 : i32
    %ge3A_339 = arith.constant 0 : i32
    %ge3A_340 = arith.cmpi sge, %add3A_338, %ge3A_339 : i32
    %lt3A_341 = arith.constant 224 : i32
    %lt3A_342 = arith.cmpi slt, %add3A_338, %lt3A_341 : i32
    %and3A_343 = arith.andi %ge3A_340, %lt3A_342 : i1
    %convert_element_type3A_344 = arith.extui %and3A_343 : i1 to i32
    %cond3A_345 = arith.constant 0 : i32
    %cond3A_346 = arith.cmpi ne, %convert_element_type3A_344, %cond3A_345 : i32
    scf.if %cond3A_346 {
      %add3A_546 = arith.constant 448 : i32
      %add3A_547 = arith.addi %add3A_546, %add3A_338 : i32
      %mul3A_548 = arith.constant 224 : i32
      %mul3A_549 = arith.muli %add3A_547, %mul3A_548 : i32
      %dma_start3A = arith.constant 6488 : i32
      %dma_start3A_550 = tpu.memref_slice %arg4[%dma_start3A] : memref<9360xf32, #tpu.memory_space<vmem>> -> memref<224xf32, #tpu.memory_space<vmem>>
      %dma_start3A_551 = tpu.memref_slice %arg2[%mul3A_549] : memref<150528xf32, #tpu.memory_space<hbm>> -> memref<224xf32, #tpu.memory_space<hbm>>
      %dma_start3A_552 = arith.constant 6488 : i32
      %dma_start3A_553 = tpu.memref_slice %arg4[%dma_start3A_552] : memref<9360xf32, #tpu.memory_space<vmem>> -> memref<224xf32, #tpu.memory_space<vmem>>
      %dma_start3A_554 = tpu.memref_slice %arg2[%mul3A_549] : memref<150528xf32, #tpu.memory_space<hbm>> -> memref<224xf32, #tpu.memory_space<hbm>>
      tpu.enqueue_dma source(%dma_start3A_554 : memref<224xf32, #tpu.memory_space<hbm>>) target(%dma_start3A_553 : memref<224xf32, #tpu.memory_space<vmem>>) target_semaphore(%arg9 : memref<!tpu.dma_semaphore, #tpu.memory_space<semaphore_mem>>)
    } else {
    }
    %sub3A_347 = arith.constant 3 : i32
    %sub3A_348 = arith.subi %mul3A_2, %sub3A_347 : i32
    %add3A_349 = arith.constant 2 : i32
    %add3A_350 = arith.addi %sub3A_348, %add3A_349 : i32
    %ge3A_351 = arith.constant 0 : i32
    %ge3A_352 = arith.cmpi sge, %add3A_350, %ge3A_351 : i32
    %lt3A_353 = arith.constant 224 : i32
    %lt3A_354 = arith.cmpi slt, %add3A_350, %lt3A_353 : i32
    %and3A_355 = arith.andi %ge3A_352, %lt3A_354 : i1
    %convert_element_type3A_356 = arith.extui %and3A_355 : i1 to i32
    %cond3A_357 = arith.constant 0 : i32
    %cond3A_358 = arith.cmpi ne, %convert_element_type3A_356, %cond3A_357 : i32
    scf.if %cond3A_358 {
      %add3A_546 = arith.constant 448 : i32
      %add3A_547 = arith.addi %add3A_546, %add3A_350 : i32
      %mul3A_548 = arith.constant 224 : i32
      %mul3A_549 = arith.muli %add3A_547, %mul3A_548 : i32
      %dma_start3A = arith.constant 6728 : i32
      %dma_start3A_550 = tpu.memref_slice %arg4[%dma_start3A] : memref<9360xf32, #tpu.memory_space<vmem>> -> memref<224xf32, #tpu.memory_space<vmem>>
      %dma_start3A_551 = tpu.memref_slice %arg2[%mul3A_549] : memref<150528xf32, #tpu.memory_space<hbm>> -> memref<224xf32, #tpu.memory_space<hbm>>
      %dma_start3A_552 = arith.constant 6728 : i32
      %dma_start3A_553 = tpu.memref_slice %arg4[%dma_start3A_552] : memref<9360xf32, #tpu.memory_space<vmem>> -> memref<224xf32, #tpu.memory_space<vmem>>
      %dma_start3A_554 = tpu.memref_slice %arg2[%mul3A_549] : memref<150528xf32, #tpu.memory_space<hbm>> -> memref<224xf32, #tpu.memory_space<hbm>>
      tpu.enqueue_dma source(%dma_start3A_554 : memref<224xf32, #tpu.memory_space<hbm>>) target(%dma_start3A_553 : memref<224xf32, #tpu.memory_space<vmem>>) target_semaphore(%arg9 : memref<!tpu.dma_semaphore, #tpu.memory_space<semaphore_mem>>)
    } else {
    }
    %sub3A_359 = arith.constant 3 : i32
    %sub3A_360 = arith.subi %mul3A_2, %sub3A_359 : i32
    %add3A_361 = arith.constant 3 : i32
    %add3A_362 = arith.addi %sub3A_360, %add3A_361 : i32
    %ge3A_363 = arith.constant 0 : i32
    %ge3A_364 = arith.cmpi sge, %add3A_362, %ge3A_363 : i32
    %lt3A_365 = arith.constant 224 : i32
    %lt3A_366 = arith.cmpi slt, %add3A_362, %lt3A_365 : i32
    %and3A_367 = arith.andi %ge3A_364, %lt3A_366 : i1
    %convert_element_type3A_368 = arith.extui %and3A_367 : i1 to i32
    %cond3A_369 = arith.constant 0 : i32
    %cond3A_370 = arith.cmpi ne, %convert_element_type3A_368, %cond3A_369 : i32
    scf.if %cond3A_370 {
      %add3A_546 = arith.constant 448 : i32
      %add3A_547 = arith.addi %add3A_546, %add3A_362 : i32
      %mul3A_548 = arith.constant 224 : i32
      %mul3A_549 = arith.muli %add3A_547, %mul3A_548 : i32
      %dma_start3A = arith.constant 6968 : i32
      %dma_start3A_550 = tpu.memref_slice %arg4[%dma_start3A] : memref<9360xf32, #tpu.memory_space<vmem>> -> memref<224xf32, #tpu.memory_space<vmem>>
      %dma_start3A_551 = tpu.memref_slice %arg2[%mul3A_549] : memref<150528xf32, #tpu.memory_space<hbm>> -> memref<224xf32, #tpu.memory_space<hbm>>
      %dma_start3A_552 = arith.constant 6968 : i32
      %dma_start3A_553 = tpu.memref_slice %arg4[%dma_start3A_552] : memref<9360xf32, #tpu.memory_space<vmem>> -> memref<224xf32, #tpu.memory_space<vmem>>
      %dma_start3A_554 = tpu.memref_slice %arg2[%mul3A_549] : memref<150528xf32, #tpu.memory_space<hbm>> -> memref<224xf32, #tpu.memory_space<hbm>>
      tpu.enqueue_dma source(%dma_start3A_554 : memref<224xf32, #tpu.memory_space<hbm>>) target(%dma_start3A_553 : memref<224xf32, #tpu.memory_space<vmem>>) target_semaphore(%arg9 : memref<!tpu.dma_semaphore, #tpu.memory_space<semaphore_mem>>)
    } else {
    }
    %sub3A_371 = arith.constant 3 : i32
    %sub3A_372 = arith.subi %mul3A_2, %sub3A_371 : i32
    %add3A_373 = arith.constant 4 : i32
    %add3A_374 = arith.addi %sub3A_372, %add3A_373 : i32
    %ge3A_375 = arith.constant 0 : i32
    %ge3A_376 = arith.cmpi sge, %add3A_374, %ge3A_375 : i32
    %lt3A_377 = arith.constant 224 : i32
    %lt3A_378 = arith.cmpi slt, %add3A_374, %lt3A_377 : i32
    %and3A_379 = arith.andi %ge3A_376, %lt3A_378 : i1
    %convert_element_type3A_380 = arith.extui %and3A_379 : i1 to i32
    %cond3A_381 = arith.constant 0 : i32
    %cond3A_382 = arith.cmpi ne, %convert_element_type3A_380, %cond3A_381 : i32
    scf.if %cond3A_382 {
      %add3A_546 = arith.constant 448 : i32
      %add3A_547 = arith.addi %add3A_546, %add3A_374 : i32
      %mul3A_548 = arith.constant 224 : i32
      %mul3A_549 = arith.muli %add3A_547, %mul3A_548 : i32
      %dma_start3A = arith.constant 7208 : i32
      %dma_start3A_550 = tpu.memref_slice %arg4[%dma_start3A] : memref<9360xf32, #tpu.memory_space<vmem>> -> memref<224xf32, #tpu.memory_space<vmem>>
      %dma_start3A_551 = tpu.memref_slice %arg2[%mul3A_549] : memref<150528xf32, #tpu.memory_space<hbm>> -> memref<224xf32, #tpu.memory_space<hbm>>
      %dma_start3A_552 = arith.constant 7208 : i32
      %dma_start3A_553 = tpu.memref_slice %arg4[%dma_start3A_552] : memref<9360xf32, #tpu.memory_space<vmem>> -> memref<224xf32, #tpu.memory_space<vmem>>
      %dma_start3A_554 = tpu.memref_slice %arg2[%mul3A_549] : memref<150528xf32, #tpu.memory_space<hbm>> -> memref<224xf32, #tpu.memory_space<hbm>>
      tpu.enqueue_dma source(%dma_start3A_554 : memref<224xf32, #tpu.memory_space<hbm>>) target(%dma_start3A_553 : memref<224xf32, #tpu.memory_space<vmem>>) target_semaphore(%arg9 : memref<!tpu.dma_semaphore, #tpu.memory_space<semaphore_mem>>)
    } else {
    }
    %sub3A_383 = arith.constant 3 : i32
    %sub3A_384 = arith.subi %mul3A_2, %sub3A_383 : i32
    %add3A_385 = arith.constant 5 : i32
    %add3A_386 = arith.addi %sub3A_384, %add3A_385 : i32
    %ge3A_387 = arith.constant 0 : i32
    %ge3A_388 = arith.cmpi sge, %add3A_386, %ge3A_387 : i32
    %lt3A_389 = arith.constant 224 : i32
    %lt3A_390 = arith.cmpi slt, %add3A_386, %lt3A_389 : i32
    %and3A_391 = arith.andi %ge3A_388, %lt3A_390 : i1
    %convert_element_type3A_392 = arith.extui %and3A_391 : i1 to i32
    %cond3A_393 = arith.constant 0 : i32
    %cond3A_394 = arith.cmpi ne, %convert_element_type3A_392, %cond3A_393 : i32
    scf.if %cond3A_394 {
      %add3A_546 = arith.constant 448 : i32
      %add3A_547 = arith.addi %add3A_546, %add3A_386 : i32
      %mul3A_548 = arith.constant 224 : i32
      %mul3A_549 = arith.muli %add3A_547, %mul3A_548 : i32
      %dma_start3A = arith.constant 7448 : i32
      %dma_start3A_550 = tpu.memref_slice %arg4[%dma_start3A] : memref<9360xf32, #tpu.memory_space<vmem>> -> memref<224xf32, #tpu.memory_space<vmem>>
      %dma_start3A_551 = tpu.memref_slice %arg2[%mul3A_549] : memref<150528xf32, #tpu.memory_space<hbm>> -> memref<224xf32, #tpu.memory_space<hbm>>
      %dma_start3A_552 = arith.constant 7448 : i32
      %dma_start3A_553 = tpu.memref_slice %arg4[%dma_start3A_552] : memref<9360xf32, #tpu.memory_space<vmem>> -> memref<224xf32, #tpu.memory_space<vmem>>
      %dma_start3A_554 = tpu.memref_slice %arg2[%mul3A_549] : memref<150528xf32, #tpu.memory_space<hbm>> -> memref<224xf32, #tpu.memory_space<hbm>>
      tpu.enqueue_dma source(%dma_start3A_554 : memref<224xf32, #tpu.memory_space<hbm>>) target(%dma_start3A_553 : memref<224xf32, #tpu.memory_space<vmem>>) target_semaphore(%arg9 : memref<!tpu.dma_semaphore, #tpu.memory_space<semaphore_mem>>)
    } else {
    }
    %sub3A_395 = arith.constant 3 : i32
    %sub3A_396 = arith.subi %mul3A_2, %sub3A_395 : i32
    %add3A_397 = arith.constant 6 : i32
    %add3A_398 = arith.addi %sub3A_396, %add3A_397 : i32
    %ge3A_399 = arith.constant 0 : i32
    %ge3A_400 = arith.cmpi sge, %add3A_398, %ge3A_399 : i32
    %lt3A_401 = arith.constant 224 : i32
    %lt3A_402 = arith.cmpi slt, %add3A_398, %lt3A_401 : i32
    %and3A_403 = arith.andi %ge3A_400, %lt3A_402 : i1
    %convert_element_type3A_404 = arith.extui %and3A_403 : i1 to i32
    %cond3A_405 = arith.constant 0 : i32
    %cond3A_406 = arith.cmpi ne, %convert_element_type3A_404, %cond3A_405 : i32
    scf.if %cond3A_406 {
      %add3A_546 = arith.constant 448 : i32
      %add3A_547 = arith.addi %add3A_546, %add3A_398 : i32
      %mul3A_548 = arith.constant 224 : i32
      %mul3A_549 = arith.muli %add3A_547, %mul3A_548 : i32
      %dma_start3A = arith.constant 7688 : i32
      %dma_start3A_550 = tpu.memref_slice %arg4[%dma_start3A] : memref<9360xf32, #tpu.memory_space<vmem>> -> memref<224xf32, #tpu.memory_space<vmem>>
      %dma_start3A_551 = tpu.memref_slice %arg2[%mul3A_549] : memref<150528xf32, #tpu.memory_space<hbm>> -> memref<224xf32, #tpu.memory_space<hbm>>
      %dma_start3A_552 = arith.constant 7688 : i32
      %dma_start3A_553 = tpu.memref_slice %arg4[%dma_start3A_552] : memref<9360xf32, #tpu.memory_space<vmem>> -> memref<224xf32, #tpu.memory_space<vmem>>
      %dma_start3A_554 = tpu.memref_slice %arg2[%mul3A_549] : memref<150528xf32, #tpu.memory_space<hbm>> -> memref<224xf32, #tpu.memory_space<hbm>>
      tpu.enqueue_dma source(%dma_start3A_554 : memref<224xf32, #tpu.memory_space<hbm>>) target(%dma_start3A_553 : memref<224xf32, #tpu.memory_space<vmem>>) target_semaphore(%arg9 : memref<!tpu.dma_semaphore, #tpu.memory_space<semaphore_mem>>)
    } else {
    }
    %sub3A_407 = arith.constant 3 : i32
    %sub3A_408 = arith.subi %mul3A_2, %sub3A_407 : i32
    %add3A_409 = arith.constant 7 : i32
    %add3A_410 = arith.addi %sub3A_408, %add3A_409 : i32
    %ge3A_411 = arith.constant 0 : i32
    %ge3A_412 = arith.cmpi sge, %add3A_410, %ge3A_411 : i32
    %lt3A_413 = arith.constant 224 : i32
    %lt3A_414 = arith.cmpi slt, %add3A_410, %lt3A_413 : i32
    %and3A_415 = arith.andi %ge3A_412, %lt3A_414 : i1
    %convert_element_type3A_416 = arith.extui %and3A_415 : i1 to i32
    %cond3A_417 = arith.constant 0 : i32
    %cond3A_418 = arith.cmpi ne, %convert_element_type3A_416, %cond3A_417 : i32
    scf.if %cond3A_418 {
      %add3A_546 = arith.constant 448 : i32
      %add3A_547 = arith.addi %add3A_546, %add3A_410 : i32
      %mul3A_548 = arith.constant 224 : i32
      %mul3A_549 = arith.muli %add3A_547, %mul3A_548 : i32
      %dma_start3A = arith.constant 7928 : i32
      %dma_start3A_550 = tpu.memref_slice %arg4[%dma_start3A] : memref<9360xf32, #tpu.memory_space<vmem>> -> memref<224xf32, #tpu.memory_space<vmem>>
      %dma_start3A_551 = tpu.memref_slice %arg2[%mul3A_549] : memref<150528xf32, #tpu.memory_space<hbm>> -> memref<224xf32, #tpu.memory_space<hbm>>
      %dma_start3A_552 = arith.constant 7928 : i32
      %dma_start3A_553 = tpu.memref_slice %arg4[%dma_start3A_552] : memref<9360xf32, #tpu.memory_space<vmem>> -> memref<224xf32, #tpu.memory_space<vmem>>
      %dma_start3A_554 = tpu.memref_slice %arg2[%mul3A_549] : memref<150528xf32, #tpu.memory_space<hbm>> -> memref<224xf32, #tpu.memory_space<hbm>>
      tpu.enqueue_dma source(%dma_start3A_554 : memref<224xf32, #tpu.memory_space<hbm>>) target(%dma_start3A_553 : memref<224xf32, #tpu.memory_space<vmem>>) target_semaphore(%arg9 : memref<!tpu.dma_semaphore, #tpu.memory_space<semaphore_mem>>)
    } else {
    }
    %sub3A_419 = arith.constant 3 : i32
    %sub3A_420 = arith.subi %mul3A_2, %sub3A_419 : i32
    %add3A_421 = arith.constant 8 : i32
    %add3A_422 = arith.addi %sub3A_420, %add3A_421 : i32
    %ge3A_423 = arith.constant 0 : i32
    %ge3A_424 = arith.cmpi sge, %add3A_422, %ge3A_423 : i32
    %lt3A_425 = arith.constant 224 : i32
    %lt3A_426 = arith.cmpi slt, %add3A_422, %lt3A_425 : i32
    %and3A_427 = arith.andi %ge3A_424, %lt3A_426 : i1
    %convert_element_type3A_428 = arith.extui %and3A_427 : i1 to i32
    %cond3A_429 = arith.constant 0 : i32
    %cond3A_430 = arith.cmpi ne, %convert_element_type3A_428, %cond3A_429 : i32
    scf.if %cond3A_430 {
      %add3A_546 = arith.constant 448 : i32
      %add3A_547 = arith.addi %add3A_546, %add3A_422 : i32
      %mul3A_548 = arith.constant 224 : i32
      %mul3A_549 = arith.muli %add3A_547, %mul3A_548 : i32
      %dma_start3A = arith.constant 8168 : i32
      %dma_start3A_550 = tpu.memref_slice %arg4[%dma_start3A] : memref<9360xf32, #tpu.memory_space<vmem>> -> memref<224xf32, #tpu.memory_space<vmem>>
      %dma_start3A_551 = tpu.memref_slice %arg2[%mul3A_549] : memref<150528xf32, #tpu.memory_space<hbm>> -> memref<224xf32, #tpu.memory_space<hbm>>
      %dma_start3A_552 = arith.constant 8168 : i32
      %dma_start3A_553 = tpu.memref_slice %arg4[%dma_start3A_552] : memref<9360xf32, #tpu.memory_space<vmem>> -> memref<224xf32, #tpu.memory_space<vmem>>
      %dma_start3A_554 = tpu.memref_slice %arg2[%mul3A_549] : memref<150528xf32, #tpu.memory_space<hbm>> -> memref<224xf32, #tpu.memory_space<hbm>>
      tpu.enqueue_dma source(%dma_start3A_554 : memref<224xf32, #tpu.memory_space<hbm>>) target(%dma_start3A_553 : memref<224xf32, #tpu.memory_space<vmem>>) target_semaphore(%arg9 : memref<!tpu.dma_semaphore, #tpu.memory_space<semaphore_mem>>)
    } else {
    }
    %sub3A_431 = arith.constant 3 : i32
    %sub3A_432 = arith.subi %mul3A_2, %sub3A_431 : i32
    %add3A_433 = arith.constant 9 : i32
    %add3A_434 = arith.addi %sub3A_432, %add3A_433 : i32
    %ge3A_435 = arith.constant 0 : i32
    %ge3A_436 = arith.cmpi sge, %add3A_434, %ge3A_435 : i32
    %lt3A_437 = arith.constant 224 : i32
    %lt3A_438 = arith.cmpi slt, %add3A_434, %lt3A_437 : i32
    %and3A_439 = arith.andi %ge3A_436, %lt3A_438 : i1
    %convert_element_type3A_440 = arith.extui %and3A_439 : i1 to i32
    %cond3A_441 = arith.constant 0 : i32
    %cond3A_442 = arith.cmpi ne, %convert_element_type3A_440, %cond3A_441 : i32
    scf.if %cond3A_442 {
      %add3A_546 = arith.constant 448 : i32
      %add3A_547 = arith.addi %add3A_546, %add3A_434 : i32
      %mul3A_548 = arith.constant 224 : i32
      %mul3A_549 = arith.muli %add3A_547, %mul3A_548 : i32
      %dma_start3A = arith.constant 8408 : i32
      %dma_start3A_550 = tpu.memref_slice %arg4[%dma_start3A] : memref<9360xf32, #tpu.memory_space<vmem>> -> memref<224xf32, #tpu.memory_space<vmem>>
      %dma_start3A_551 = tpu.memref_slice %arg2[%mul3A_549] : memref<150528xf32, #tpu.memory_space<hbm>> -> memref<224xf32, #tpu.memory_space<hbm>>
      %dma_start3A_552 = arith.constant 8408 : i32
      %dma_start3A_553 = tpu.memref_slice %arg4[%dma_start3A_552] : memref<9360xf32, #tpu.memory_space<vmem>> -> memref<224xf32, #tpu.memory_space<vmem>>
      %dma_start3A_554 = tpu.memref_slice %arg2[%mul3A_549] : memref<150528xf32, #tpu.memory_space<hbm>> -> memref<224xf32, #tpu.memory_space<hbm>>
      tpu.enqueue_dma source(%dma_start3A_554 : memref<224xf32, #tpu.memory_space<hbm>>) target(%dma_start3A_553 : memref<224xf32, #tpu.memory_space<vmem>>) target_semaphore(%arg9 : memref<!tpu.dma_semaphore, #tpu.memory_space<semaphore_mem>>)
    } else {
    }
    %sub3A_443 = arith.constant 3 : i32
    %sub3A_444 = arith.subi %mul3A_2, %sub3A_443 : i32
    %add3A_445 = arith.constant 10 : i32
    %add3A_446 = arith.addi %sub3A_444, %add3A_445 : i32
    %ge3A_447 = arith.constant 0 : i32
    %ge3A_448 = arith.cmpi sge, %add3A_446, %ge3A_447 : i32
    %lt3A_449 = arith.constant 224 : i32
    %lt3A_450 = arith.cmpi slt, %add3A_446, %lt3A_449 : i32
    %and3A_451 = arith.andi %ge3A_448, %lt3A_450 : i1
    %convert_element_type3A_452 = arith.extui %and3A_451 : i1 to i32
    %cond3A_453 = arith.constant 0 : i32
    %cond3A_454 = arith.cmpi ne, %convert_element_type3A_452, %cond3A_453 : i32
    scf.if %cond3A_454 {
      %add3A_546 = arith.constant 448 : i32
      %add3A_547 = arith.addi %add3A_546, %add3A_446 : i32
      %mul3A_548 = arith.constant 224 : i32
      %mul3A_549 = arith.muli %add3A_547, %mul3A_548 : i32
      %dma_start3A = arith.constant 8648 : i32
      %dma_start3A_550 = tpu.memref_slice %arg4[%dma_start3A] : memref<9360xf32, #tpu.memory_space<vmem>> -> memref<224xf32, #tpu.memory_space<vmem>>
      %dma_start3A_551 = tpu.memref_slice %arg2[%mul3A_549] : memref<150528xf32, #tpu.memory_space<hbm>> -> memref<224xf32, #tpu.memory_space<hbm>>
      %dma_start3A_552 = arith.constant 8648 : i32
      %dma_start3A_553 = tpu.memref_slice %arg4[%dma_start3A_552] : memref<9360xf32, #tpu.memory_space<vmem>> -> memref<224xf32, #tpu.memory_space<vmem>>
      %dma_start3A_554 = tpu.memref_slice %arg2[%mul3A_549] : memref<150528xf32, #tpu.memory_space<hbm>> -> memref<224xf32, #tpu.memory_space<hbm>>
      tpu.enqueue_dma source(%dma_start3A_554 : memref<224xf32, #tpu.memory_space<hbm>>) target(%dma_start3A_553 : memref<224xf32, #tpu.memory_space<vmem>>) target_semaphore(%arg9 : memref<!tpu.dma_semaphore, #tpu.memory_space<semaphore_mem>>)
    } else {
    }
    %sub3A_455 = arith.constant 3 : i32
    %sub3A_456 = arith.subi %mul3A_2, %sub3A_455 : i32
    %add3A_457 = arith.constant 11 : i32
    %add3A_458 = arith.addi %sub3A_456, %add3A_457 : i32
    %ge3A_459 = arith.constant 0 : i32
    %ge3A_460 = arith.cmpi sge, %add3A_458, %ge3A_459 : i32
    %lt3A_461 = arith.constant 224 : i32
    %lt3A_462 = arith.cmpi slt, %add3A_458, %lt3A_461 : i32
    %and3A_463 = arith.andi %ge3A_460, %lt3A_462 : i1
    %convert_element_type3A_464 = arith.extui %and3A_463 : i1 to i32
    %cond3A_465 = arith.constant 0 : i32
    %cond3A_466 = arith.cmpi ne, %convert_element_type3A_464, %cond3A_465 : i32
    scf.if %cond3A_466 {
      %add3A_546 = arith.constant 448 : i32
      %add3A_547 = arith.addi %add3A_546, %add3A_458 : i32
      %mul3A_548 = arith.constant 224 : i32
      %mul3A_549 = arith.muli %add3A_547, %mul3A_548 : i32
      %dma_start3A = arith.constant 8888 : i32
      %dma_start3A_550 = tpu.memref_slice %arg4[%dma_start3A] : memref<9360xf32, #tpu.memory_space<vmem>> -> memref<224xf32, #tpu.memory_space<vmem>>
      %dma_start3A_551 = tpu.memref_slice %arg2[%mul3A_549] : memref<150528xf32, #tpu.memory_space<hbm>> -> memref<224xf32, #tpu.memory_space<hbm>>
      %dma_start3A_552 = arith.constant 8888 : i32
      %dma_start3A_553 = tpu.memref_slice %arg4[%dma_start3A_552] : memref<9360xf32, #tpu.memory_space<vmem>> -> memref<224xf32, #tpu.memory_space<vmem>>
      %dma_start3A_554 = tpu.memref_slice %arg2[%mul3A_549] : memref<150528xf32, #tpu.memory_space<hbm>> -> memref<224xf32, #tpu.memory_space<hbm>>
      tpu.enqueue_dma source(%dma_start3A_554 : memref<224xf32, #tpu.memory_space<hbm>>) target(%dma_start3A_553 : memref<224xf32, #tpu.memory_space<vmem>>) target_semaphore(%arg9 : memref<!tpu.dma_semaphore, #tpu.memory_space<semaphore_mem>>)
    } else {
    }
    %sub3A_467 = arith.constant 3 : i32
    %sub3A_468 = arith.subi %mul3A_2, %sub3A_467 : i32
    %add3A_469 = arith.constant 12 : i32
    %add3A_470 = arith.addi %sub3A_468, %add3A_469 : i32
    %ge3A_471 = arith.constant 0 : i32
    %ge3A_472 = arith.cmpi sge, %add3A_470, %ge3A_471 : i32
    %lt3A_473 = arith.constant 224 : i32
    %lt3A_474 = arith.cmpi slt, %add3A_470, %lt3A_473 : i32
    %and3A_475 = arith.andi %ge3A_472, %lt3A_474 : i1
    %convert_element_type3A_476 = arith.extui %and3A_475 : i1 to i32
    %cond3A_477 = arith.constant 0 : i32
    %cond3A_478 = arith.cmpi ne, %convert_element_type3A_476, %cond3A_477 : i32
    scf.if %cond3A_478 {
      %add3A_546 = arith.constant 448 : i32
      %add3A_547 = arith.addi %add3A_546, %add3A_470 : i32
      %mul3A_548 = arith.constant 224 : i32
      %mul3A_549 = arith.muli %add3A_547, %mul3A_548 : i32
      %dma_start3A = arith.constant 9128 : i32
      %dma_start3A_550 = tpu.memref_slice %arg4[%dma_start3A] : memref<9360xf32, #tpu.memory_space<vmem>> -> memref<224xf32, #tpu.memory_space<vmem>>
      %dma_start3A_551 = tpu.memref_slice %arg2[%mul3A_549] : memref<150528xf32, #tpu.memory_space<hbm>> -> memref<224xf32, #tpu.memory_space<hbm>>
      %dma_start3A_552 = arith.constant 9128 : i32
      %dma_start3A_553 = tpu.memref_slice %arg4[%dma_start3A_552] : memref<9360xf32, #tpu.memory_space<vmem>> -> memref<224xf32, #tpu.memory_space<vmem>>
      %dma_start3A_554 = tpu.memref_slice %arg2[%mul3A_549] : memref<150528xf32, #tpu.memory_space<hbm>> -> memref<224xf32, #tpu.memory_space<hbm>>
      tpu.enqueue_dma source(%dma_start3A_554 : memref<224xf32, #tpu.memory_space<hbm>>) target(%dma_start3A_553 : memref<224xf32, #tpu.memory_space<vmem>>) target_semaphore(%arg9 : memref<!tpu.dma_semaphore, #tpu.memory_space<semaphore_mem>>)
    } else {
    }
    %add3A_479 = arith.constant 13 : i32
    %add3A_480 = arith.addi %mul3A_2, %add3A_479 : i32
    %sub3A_481 = arith.constant 3 : i32
    %sub3A_482 = arith.subi %add3A_480, %sub3A_481 : i32
    %min3A = arith.constant 224 : i32
    %min3A_483 = arith.minsi %sub3A_482, %min3A : i32
    %sub3A_484 = arith.constant 3 : i32
    %sub3A_485 = arith.subi %mul3A_2, %sub3A_484 : i32
    %max3A = arith.constant 0 : i32
    %max3A_486 = arith.maxsi %sub3A_485, %max3A : i32
    %sub3A_487 = arith.subi %min3A_483, %max3A_486 : i32
    %mul3A_488 = arith.constant 3 : i32
    %mul3A_489 = arith.muli %mul3A_488, %sub3A_487 : i32
    %while3A = arith.constant 0 : i32
    %while3A_490 = arith.subi %mul3A_489, %while3A : i32
    %while3A_491 = arith.addi %while3A, %while3A_490 : i32
    %while3A_492 = arith.constant 1 : i32
    %while3A_493 = arith.divsi %while3A_490, %while3A_492 : i32
    %while3A_494 = arith.muli %while3A_493, %while3A_492 : i32
    %while3A_495 = arith.addi %while3A, %while3A_494 : i32
    %while3A_496 = arith.constant 1 : i32
    scf.for %while3A_546 = %while3A to %while3A_495 step %while3A_496  : i32 {
      %dma_wait3A = arith.constant 8 : i32
      %dma_wait3A_547 = tpu.memref_slice %arg4[%dma_wait3A] : memref<9360xf32, #tpu.memory_space<vmem>> -> memref<224xf32, #tpu.memory_space<vmem>>
      %dma_wait3A_548 = arith.constant 0 : i32
      %dma_wait3A_549 = tpu.memref_slice %arg2[%dma_wait3A_548] : memref<150528xf32, #tpu.memory_space<hbm>> -> memref<224xf32, #tpu.memory_space<hbm>>
      %dma_wait3A_550 = arith.constant 8 : i32
      %dma_wait3A_551 = tpu.memref_slice %arg4[%dma_wait3A_550] : memref<9360xf32, #tpu.memory_space<vmem>> -> memref<224xf32, #tpu.memory_space<vmem>>
      %dma_wait3A_552 = arith.constant 0 : i32
      %dma_wait3A_553 = tpu.memref_slice %arg2[%dma_wait3A_552] : memref<150528xf32, #tpu.memory_space<hbm>> -> memref<224xf32, #tpu.memory_space<hbm>>
      tpu.wait_dma2 semaphore(%arg9 : memref<!tpu.dma_semaphore, #tpu.memory_space<semaphore_mem>>) src(%dma_wait3A_553 : memref<224xf32, #tpu.memory_space<hbm>>) dst(%dma_wait3A_551 : memref<224xf32, #tpu.memory_space<vmem>>)
    }
    %while3A_497 = arith.constant 1 : i32
    scf.for %while3A_546 = %while3A_495 to %while3A_491 step %while3A_497  : i32 {
      %dma_wait3A = arith.constant 8 : i32
      %dma_wait3A_547 = tpu.memref_slice %arg4[%dma_wait3A] : memref<9360xf32, #tpu.memory_space<vmem>> -> memref<224xf32, #tpu.memory_space<vmem>>
      %dma_wait3A_548 = arith.constant 0 : i32
      %dma_wait3A_549 = tpu.memref_slice %arg2[%dma_wait3A_548] : memref<150528xf32, #tpu.memory_space<hbm>> -> memref<224xf32, #tpu.memory_space<hbm>>
      %dma_wait3A_550 = arith.constant 8 : i32
      %dma_wait3A_551 = tpu.memref_slice %arg4[%dma_wait3A_550] : memref<9360xf32, #tpu.memory_space<vmem>> -> memref<224xf32, #tpu.memory_space<vmem>>
      %dma_wait3A_552 = arith.constant 0 : i32
      %dma_wait3A_553 = tpu.memref_slice %arg2[%dma_wait3A_552] : memref<150528xf32, #tpu.memory_space<hbm>> -> memref<224xf32, #tpu.memory_space<hbm>>
      tpu.wait_dma2 semaphore(%arg9 : memref<!tpu.dma_semaphore, #tpu.memory_space<semaphore_mem>>) src(%dma_wait3A_553 : memref<224xf32, #tpu.memory_space<hbm>>) dst(%dma_wait3A_551 : memref<224xf32, #tpu.memory_space<vmem>>)
    }
    %sub3A_498 = arith.constant 2 : i32
    %sub3A_499 = arith.subi %mul3A_2, %sub3A_498 : i32
    %scan3A_500 = arith.constant 8 : i32
    %scan3A_501 = arith.constant 8 : i32
    %scan3A_502 = arith.constant 0 : i32
    %scan3A_503 = arith.constant 0 : i32
    %scan3A_504 = arith.constant 154 : i32
    %scan3A_505 = arith.addi %scan3A_503, %scan3A_504 : i32
    %scan3A_506 = arith.constant 1 : i32
    %scan3A_507:4 = scf.for %scan3A_546 = %scan3A_503 to %scan3A_505 step %scan3A_506 iter_args(%scan3A_547 = %scan3A_500, %scan3A_548 = %scan3A_501, %scan3A_549 = %scan3A_502, %scan3A_550 = %sub3A_499) -> (i32, i32, i32, i32)  : i32 {
      %broadcast_in_dim3A_551 = arith.constant 1.080000e+02 : f32
      %broadcast_in_dim3A_552 = vector.broadcast %broadcast_in_dim3A_551 : f32 to vector<16xf32>
      %add3A_553 = arith.constant 0 : i32
      %add3A_554 = arith.addi %scan3A_547, %add3A_553 : i32
      %add3A_555 = arith.constant 0 : i32
      %add3A_556 = arith.addi %add3A_554, %add3A_555 : i32
      %add3A_557 = arith.constant -1 : i32
      %add3A_558 = arith.addi %add3A_556, %add3A_557 : i32
      %get3A = arith.index_cast %add3A_558 : i32 to index
      %get3A_559 = tpu.vector_load %arg4[%get3A] {strides = array<i32>} : memref<9360xf32, #tpu.memory_space<vmem>>, vector<16xf32>,
      %add3A_560 = arith.addf %broadcast_in_dim3A_3, %get3A_559 : vector<16xf32>
      %mul3A_561 = arith.mulf %get3A_559, %get3A_559 : vector<16xf32>
      %add3A_562 = arith.addf %broadcast_in_dim3A_3, %mul3A_561 : vector<16xf32>
      %add3A_563 = arith.constant 0 : i32
      %add3A_564 = arith.addi %scan3A_547, %add3A_563 : i32
      %add3A_565 = arith.constant 0 : i32
      %add3A_566 = arith.addi %add3A_564, %add3A_565 : i32
      %add3A_567 = arith.constant 0 : i32
      %add3A_568 = arith.addi %add3A_566, %add3A_567 : i32
      %get3A_569 = arith.index_cast %add3A_568 : i32 to index
      %get3A_570 = tpu.vector_load %arg4[%get3A_569] {strides = array<i32>} : memref<9360xf32, #tpu.memory_space<vmem>>, vector<16xf32>,
      %add3A_571 = arith.addf %add3A_560, %get3A_570 : vector<16xf32>
      %mul3A_572 = arith.mulf %get3A_570, %get3A_570 : vector<16xf32>
      %add3A_573 = arith.addf %add3A_562, %mul3A_572 : vector<16xf32>
      %add3A_574 = arith.constant 0 : i32
      %add3A_575 = arith.addi %scan3A_547, %add3A_574 : i32
      %add3A_576 = arith.constant 0 : i32
      %add3A_577 = arith.addi %add3A_575, %add3A_576 : i32
      %add3A_578 = arith.constant 1 : i32
      %add3A_579 = arith.addi %add3A_577, %add3A_578 : i32
      %get3A_580 = arith.index_cast %add3A_579 : i32 to index
      %get3A_581 = tpu.vector_load %arg4[%get3A_580] {strides = array<i32>} : memref<9360xf32, #tpu.memory_space<vmem>>, vector<16xf32>,
      %add3A_582 = arith.addf %add3A_571, %get3A_581 : vector<16xf32>
      %mul3A_583 = arith.mulf %get3A_581, %get3A_581 : vector<16xf32>
      %add3A_584 = arith.addf %add3A_573, %mul3A_583 : vector<16xf32>
      %add3A_585 = arith.constant 0 : i32
      %add3A_586 = arith.addi %scan3A_547, %add3A_585 : i32
      %add3A_587 = arith.constant 240 : i32
      %add3A_588 = arith.addi %add3A_586, %add3A_587 : i32
      %add3A_589 = arith.constant -1 : i32
      %add3A_590 = arith.addi %add3A_588, %add3A_589 : i32
      %get3A_591 = arith.index_cast %add3A_590 : i32 to index
      %get3A_592 = tpu.vector_load %arg4[%get3A_591] {strides = array<i32>} : memref<9360xf32, #tpu.memory_space<vmem>>, vector<16xf32>,
      %add3A_593 = arith.addf %add3A_582, %get3A_592 : vector<16xf32>
      %mul3A_594 = arith.mulf %get3A_592, %get3A_592 : vector<16xf32>
      %add3A_595 = arith.addf %add3A_584, %mul3A_594 : vector<16xf32>
      %add3A_596 = arith.constant 0 : i32
      %add3A_597 = arith.addi %scan3A_547, %add3A_596 : i32
      %add3A_598 = arith.constant 240 : i32
      %add3A_599 = arith.addi %add3A_597, %add3A_598 : i32
      %add3A_600 = arith.constant 0 : i32
      %add3A_601 = arith.addi %add3A_599, %add3A_600 : i32
      %get3A_602 = arith.index_cast %add3A_601 : i32 to index
      %get3A_603 = tpu.vector_load %arg4[%get3A_602] {strides = array<i32>} : memref<9360xf32, #tpu.memory_space<vmem>>, vector<16xf32>,
      %add3A_604 = arith.addf %add3A_593, %get3A_603 : vector<16xf32>
      %mul3A_605 = arith.mulf %get3A_603, %get3A_603 : vector<16xf32>
      %add3A_606 = arith.addf %add3A_595, %mul3A_605 : vector<16xf32>
      %add3A_607 = arith.constant 0 : i32
      %add3A_608 = arith.addi %scan3A_547, %add3A_607 : i32
      %add3A_609 = arith.constant 240 : i32
      %add3A_610 = arith.addi %add3A_608, %add3A_609 : i32
      %add3A_611 = arith.constant 1 : i32
      %add3A_612 = arith.addi %add3A_610, %add3A_611 : i32
      %get3A_613 = arith.index_cast %add3A_612 : i32 to index
      %get3A_614 = tpu.vector_load %arg4[%get3A_613] {strides = array<i32>} : memref<9360xf32, #tpu.memory_space<vmem>>, vector<16xf32>,
      %add3A_615 = arith.addf %add3A_604, %get3A_614 : vector<16xf32>
      %mul3A_616 = arith.mulf %get3A_614, %get3A_614 : vector<16xf32>
      %add3A_617 = arith.addf %add3A_606, %mul3A_616 : vector<16xf32>
      %add3A_618 = arith.constant 0 : i32
      %add3A_619 = arith.addi %scan3A_547, %add3A_618 : i32
      %add3A_620 = arith.constant 480 : i32
      %add3A_621 = arith.addi %add3A_619, %add3A_620 : i32
      %add3A_622 = arith.constant -1 : i32
      %add3A_623 = arith.addi %add3A_621, %add3A_622 : i32
      %get3A_624 = arith.index_cast %add3A_623 : i32 to index
      %get3A_625 = tpu.vector_load %arg4[%get3A_624] {strides = array<i32>} : memref<9360xf32, #tpu.memory_space<vmem>>, vector<16xf32>,
      %add3A_626 = arith.addf %add3A_615, %get3A_625 : vector<16xf32>
      %mul3A_627 = arith.mulf %get3A_625, %get3A_625 : vector<16xf32>
      %add3A_628 = arith.addf %add3A_617, %mul3A_627 : vector<16xf32>
      %add3A_629 = arith.constant 0 : i32
      %add3A_630 = arith.addi %scan3A_547, %add3A_629 : i32
      %add3A_631 = arith.constant 480 : i32
      %add3A_632 = arith.addi %add3A_630, %add3A_631 : i32
      %add3A_633 = arith.constant 0 : i32
      %add3A_634 = arith.addi %add3A_632, %add3A_633 : i32
      %get3A_635 = arith.index_cast %add3A_634 : i32 to index
      %get3A_636 = tpu.vector_load %arg4[%get3A_635] {strides = array<i32>} : memref<9360xf32, #tpu.memory_space<vmem>>, vector<16xf32>,
      %add3A_637 = arith.addf %add3A_626, %get3A_636 : vector<16xf32>
      %mul3A_638 = arith.mulf %get3A_636, %get3A_636 : vector<16xf32>
      %add3A_639 = arith.addf %add3A_628, %mul3A_638 : vector<16xf32>
      %add3A_640 = arith.constant 0 : i32
      %add3A_641 = arith.addi %scan3A_547, %add3A_640 : i32
      %add3A_642 = arith.constant 480 : i32
      %add3A_643 = arith.addi %add3A_641, %add3A_642 : i32
      %add3A_644 = arith.constant 1 : i32
      %add3A_645 = arith.addi %add3A_643, %add3A_644 : i32
      %get3A_646 = arith.index_cast %add3A_645 : i32 to index
      %get3A_647 = tpu.vector_load %arg4[%get3A_646] {strides = array<i32>} : memref<9360xf32, #tpu.memory_space<vmem>>, vector<16xf32>,
      %add3A_648 = arith.addf %add3A_637, %get3A_647 : vector<16xf32>
      %mul3A_649 = arith.mulf %get3A_647, %get3A_647 : vector<16xf32>
      %add3A_650 = arith.addf %add3A_639, %mul3A_649 : vector<16xf32>
      %mul3A_651 = arith.constant 0.111111112 : f32
      %mul3A_652 = vector.broadcast %mul3A_651 : f32 to vector<16xf32>
      %mul3A_653 = arith.mulf %add3A_648, %mul3A_652 : vector<16xf32>
      %mul3A_654 = arith.constant 0.111111112 : f32
      %mul3A_655 = vector.broadcast %mul3A_654 : f32 to vector<16xf32>
      %mul3A_656 = arith.mulf %add3A_650, %mul3A_655 : vector<16xf32>
      %mul3A_657 = arith.mulf %mul3A_653, %mul3A_653 : vector<16xf32>
      %sub3A_658 = arith.subf %mul3A_656, %mul3A_657 : vector<16xf32>
      %max3A_659 = arith.constant 0.000000e+00 : f32
      %max3A_660 = vector.broadcast %max3A_659 : f32 to vector<16xf32>
      %max3A_661 = arith.maximumf %sub3A_658, %max3A_660 : vector<16xf32>
      %add3A_662 = arith.constant 9.99999974E-6 : f32
      %add3A_663 = vector.broadcast %add3A_662 : f32 to vector<16xf32>
      %add3A_664 = arith.addf %max3A_661, %add3A_663 : vector<16xf32>
      %bitcast3A = vector.bitcast %add3A_664 : vector<16xf32> to vector<16xi32>
      %shift_right_arithmetic3A = arith.constant 1 : i32
      %shift_right_arithmetic3A_665 = vector.broadcast %shift_right_arithmetic3A : i32 to vector<16xi32>
      %shift_right_arithmetic3A_666 = arith.shrsi %bitcast3A, %shift_right_arithmetic3A_665 : vector<16xi32>
      %sub3A_667 = arith.constant 1597463007 : i32
      %sub3A_668 = vector.broadcast %sub3A_667 : i32 to vector<16xi32>
      %sub3A_669 = arith.subi %sub3A_668, %shift_right_arithmetic3A_666 : vector<16xi32>
      %bitcast3A_670 = vector.bitcast %sub3A_669 : vector<16xi32> to vector<16xf32>
      %mul3A_671 = arith.constant 5.000000e-01 : f32
      %mul3A_672 = vector.broadcast %mul3A_671 : f32 to vector<16xf32>
      %mul3A_673 = arith.mulf %mul3A_672, %add3A_664 : vector<16xf32>
      %mul3A_674 = arith.mulf %mul3A_673, %bitcast3A_670 : vector<16xf32>
      %mul3A_675 = arith.mulf %mul3A_674, %bitcast3A_670 : vector<16xf32>
      %sub3A_676 = arith.constant 1.500000e+00 : f32
      %sub3A_677 = vector.broadcast %sub3A_676 : f32 to vector<16xf32>
      %sub3A_678 = arith.subf %sub3A_677, %mul3A_675 : vector<16xf32>
      %mul3A_679 = arith.mulf %bitcast3A_670, %sub3A_678 : vector<16xf32>
      %mul3A_680 = arith.constant 5.000000e-01 : f32
      %mul3A_681 = vector.broadcast %mul3A_680 : f32 to vector<16xf32>
      %mul3A_682 = arith.mulf %mul3A_681, %add3A_664 : vector<16xf32>
      %mul3A_683 = arith.mulf %mul3A_682, %mul3A_679 : vector<16xf32>
      %mul3A_684 = arith.mulf %mul3A_683, %mul3A_679 : vector<16xf32>
      %sub3A_685 = arith.constant 1.500000e+00 : f32
      %sub3A_686 = vector.broadcast %sub3A_685 : f32 to vector<16xf32>
      %sub3A_687 = arith.subf %sub3A_686, %mul3A_684 : vector<16xf32>
      %mul3A_688 = arith.mulf %mul3A_679, %sub3A_687 : vector<16xf32>
      %mul3A_689 = arith.constant 9.000000e+00 : f32
      %mul3A_690 = vector.broadcast %mul3A_689 : f32 to vector<16xf32>
      %mul3A_691 = arith.mulf %mul3A_690, %max3A_661 : vector<16xf32>
      %mul3A_692 = arith.mulf %mul3A_688, %mul3A_688 : vector<16xf32>
      %mul3A_693 = arith.mulf %mul3A_691, %mul3A_692 : vector<16xf32>
      %add3A_694 = arith.addf %broadcast_in_dim3A_552, %mul3A_693 : vector<16xf32>
      %add3A_695 = arith.constant 3120 : i32
      %add3A_696 = arith.addi %scan3A_547, %add3A_695 : i32
      %add3A_697 = arith.constant 0 : i32
      %add3A_698 = arith.addi %add3A_696, %add3A_697 : i32
      %add3A_699 = arith.constant -1 : i32
      %add3A_700 = arith.addi %add3A_698, %add3A_699 : i32
      %get3A_701 = arith.index_cast %add3A_700 : i32 to index
      %get3A_702 = tpu.vector_load %arg4[%get3A_701] {strides = array<i32>} : memref<9360xf32, #tpu.memory_space<vmem>>, vector<16xf32>,
      %add3A_703 = arith.addf %broadcast_in_dim3A_3, %get3A_702 : vector<16xf32>
      %mul3A_704 = arith.mulf %get3A_702, %get3A_702 : vector<16xf32>
      %add3A_705 = arith.addf %broadcast_in_dim3A_3, %mul3A_704 : vector<16xf32>
      %add3A_706 = arith.constant 3120 : i32
      %add3A_707 = arith.addi %scan3A_547, %add3A_706 : i32
      %add3A_708 = arith.constant 0 : i32
      %add3A_709 = arith.addi %add3A_707, %add3A_708 : i32
      %add3A_710 = arith.constant 0 : i32
      %add3A_711 = arith.addi %add3A_709, %add3A_710 : i32
      %get3A_712 = arith.index_cast %add3A_711 : i32 to index
      %get3A_713 = tpu.vector_load %arg4[%get3A_712] {strides = array<i32>} : memref<9360xf32, #tpu.memory_space<vmem>>, vector<16xf32>,
      %add3A_714 = arith.addf %add3A_703, %get3A_713 : vector<16xf32>
      %mul3A_715 = arith.mulf %get3A_713, %get3A_713 : vector<16xf32>
      %add3A_716 = arith.addf %add3A_705, %mul3A_715 : vector<16xf32>
      %add3A_717 = arith.constant 3120 : i32
      %add3A_718 = arith.addi %scan3A_547, %add3A_717 : i32
      %add3A_719 = arith.constant 0 : i32
      %add3A_720 = arith.addi %add3A_718, %add3A_719 : i32
      %add3A_721 = arith.constant 1 : i32
      %add3A_722 = arith.addi %add3A_720, %add3A_721 : i32
      %get3A_723 = arith.index_cast %add3A_722 : i32 to index
      %get3A_724 = tpu.vector_load %arg4[%get3A_723] {strides = array<i32>} : memref<9360xf32, #tpu.memory_space<vmem>>, vector<16xf32>,
      %add3A_725 = arith.addf %add3A_714, %get3A_724 : vector<16xf32>
      %mul3A_726 = arith.mulf %get3A_724, %get3A_724 : vector<16xf32>
      %add3A_727 = arith.addf %add3A_716, %mul3A_726 : vector<16xf32>
      %add3A_728 = arith.constant 3120 : i32
      %add3A_729 = arith.addi %scan3A_547, %add3A_728 : i32
      %add3A_730 = arith.constant 240 : i32
      %add3A_731 = arith.addi %add3A_729, %add3A_730 : i32
      %add3A_732 = arith.constant -1 : i32
      %add3A_733 = arith.addi %add3A_731, %add3A_732 : i32
      %get3A_734 = arith.index_cast %add3A_733 : i32 to index
      %get3A_735 = tpu.vector_load %arg4[%get3A_734] {strides = array<i32>} : memref<9360xf32, #tpu.memory_space<vmem>>, vector<16xf32>,
      %add3A_736 = arith.addf %add3A_725, %get3A_735 : vector<16xf32>
      %mul3A_737 = arith.mulf %get3A_735, %get3A_735 : vector<16xf32>
      %add3A_738 = arith.addf %add3A_727, %mul3A_737 : vector<16xf32>
      %add3A_739 = arith.constant 3120 : i32
      %add3A_740 = arith.addi %scan3A_547, %add3A_739 : i32
      %add3A_741 = arith.constant 240 : i32
      %add3A_742 = arith.addi %add3A_740, %add3A_741 : i32
      %add3A_743 = arith.constant 0 : i32
      %add3A_744 = arith.addi %add3A_742, %add3A_743 : i32
      %get3A_745 = arith.index_cast %add3A_744 : i32 to index
      %get3A_746 = tpu.vector_load %arg4[%get3A_745] {strides = array<i32>} : memref<9360xf32, #tpu.memory_space<vmem>>, vector<16xf32>,
      %add3A_747 = arith.addf %add3A_736, %get3A_746 : vector<16xf32>
      %mul3A_748 = arith.mulf %get3A_746, %get3A_746 : vector<16xf32>
      %add3A_749 = arith.addf %add3A_738, %mul3A_748 : vector<16xf32>
      %add3A_750 = arith.constant 3120 : i32
      %add3A_751 = arith.addi %scan3A_547, %add3A_750 : i32
      %add3A_752 = arith.constant 240 : i32
      %add3A_753 = arith.addi %add3A_751, %add3A_752 : i32
      %add3A_754 = arith.constant 1 : i32
      %add3A_755 = arith.addi %add3A_753, %add3A_754 : i32
      %get3A_756 = arith.index_cast %add3A_755 : i32 to index
      %get3A_757 = tpu.vector_load %arg4[%get3A_756] {strides = array<i32>} : memref<9360xf32, #tpu.memory_space<vmem>>, vector<16xf32>,
      %add3A_758 = arith.addf %add3A_747, %get3A_757 : vector<16xf32>
      %mul3A_759 = arith.mulf %get3A_757, %get3A_757 : vector<16xf32>
      %add3A_760 = arith.addf %add3A_749, %mul3A_759 : vector<16xf32>
      %add3A_761 = arith.constant 3120 : i32
      %add3A_762 = arith.addi %scan3A_547, %add3A_761 : i32
      %add3A_763 = arith.constant 480 : i32
      %add3A_764 = arith.addi %add3A_762, %add3A_763 : i32
      %add3A_765 = arith.constant -1 : i32
      %add3A_766 = arith.addi %add3A_764, %add3A_765 : i32
      %get3A_767 = arith.index_cast %add3A_766 : i32 to index
      %get3A_768 = tpu.vector_load %arg4[%get3A_767] {strides = array<i32>} : memref<9360xf32, #tpu.memory_space<vmem>>, vector<16xf32>,
      %add3A_769 = arith.addf %add3A_758, %get3A_768 : vector<16xf32>
      %mul3A_770 = arith.mulf %get3A_768, %get3A_768 : vector<16xf32>
      %add3A_771 = arith.addf %add3A_760, %mul3A_770 : vector<16xf32>
      %add3A_772 = arith.constant 3120 : i32
      %add3A_773 = arith.addi %scan3A_547, %add3A_772 : i32
      %add3A_774 = arith.constant 480 : i32
      %add3A_775 = arith.addi %add3A_773, %add3A_774 : i32
      %add3A_776 = arith.constant 0 : i32
      %add3A_777 = arith.addi %add3A_775, %add3A_776 : i32
      %get3A_778 = arith.index_cast %add3A_777 : i32 to index
      %get3A_779 = tpu.vector_load %arg4[%get3A_778] {strides = array<i32>} : memref<9360xf32, #tpu.memory_space<vmem>>, vector<16xf32>,
      %add3A_780 = arith.addf %add3A_769, %get3A_779 : vector<16xf32>
      %mul3A_781 = arith.mulf %get3A_779, %get3A_779 : vector<16xf32>
      %add3A_782 = arith.addf %add3A_771, %mul3A_781 : vector<16xf32>
      %add3A_783 = arith.constant 3120 : i32
      %add3A_784 = arith.addi %scan3A_547, %add3A_783 : i32
      %add3A_785 = arith.constant 480 : i32
      %add3A_786 = arith.addi %add3A_784, %add3A_785 : i32
      %add3A_787 = arith.constant 1 : i32
      %add3A_788 = arith.addi %add3A_786, %add3A_787 : i32
      %get3A_789 = arith.index_cast %add3A_788 : i32 to index
      %get3A_790 = tpu.vector_load %arg4[%get3A_789] {strides = array<i32>} : memref<9360xf32, #tpu.memory_space<vmem>>, vector<16xf32>,
      %add3A_791 = arith.addf %add3A_780, %get3A_790 : vector<16xf32>
      %mul3A_792 = arith.mulf %get3A_790, %get3A_790 : vector<16xf32>
      %add3A_793 = arith.addf %add3A_782, %mul3A_792 : vector<16xf32>
      %mul3A_794 = arith.constant 0.111111112 : f32
      %mul3A_795 = vector.broadcast %mul3A_794 : f32 to vector<16xf32>
      %mul3A_796 = arith.mulf %add3A_791, %mul3A_795 : vector<16xf32>
      %mul3A_797 = arith.constant 0.111111112 : f32
      %mul3A_798 = vector.broadcast %mul3A_797 : f32 to vector<16xf32>
      %mul3A_799 = arith.mulf %add3A_793, %mul3A_798 : vector<16xf32>
      %mul3A_800 = arith.mulf %mul3A_796, %mul3A_796 : vector<16xf32>
      %sub3A_801 = arith.subf %mul3A_799, %mul3A_800 : vector<16xf32>
      %max3A_802 = arith.constant 0.000000e+00 : f32
      %max3A_803 = vector.broadcast %max3A_802 : f32 to vector<16xf32>
      %max3A_804 = arith.maximumf %sub3A_801, %max3A_803 : vector<16xf32>
      %add3A_805 = arith.constant 9.99999974E-6 : f32
      %add3A_806 = vector.broadcast %add3A_805 : f32 to vector<16xf32>
      %add3A_807 = arith.addf %max3A_804, %add3A_806 : vector<16xf32>
      %bitcast3A_808 = vector.bitcast %add3A_807 : vector<16xf32> to vector<16xi32>
      %shift_right_arithmetic3A_809 = arith.constant 1 : i32
      %shift_right_arithmetic3A_810 = vector.broadcast %shift_right_arithmetic3A_809 : i32 to vector<16xi32>
      %shift_right_arithmetic3A_811 = arith.shrsi %bitcast3A_808, %shift_right_arithmetic3A_810 : vector<16xi32>
      %sub3A_812 = arith.constant 1597463007 : i32
      %sub3A_813 = vector.broadcast %sub3A_812 : i32 to vector<16xi32>
      %sub3A_814 = arith.subi %sub3A_813, %shift_right_arithmetic3A_811 : vector<16xi32>
      %bitcast3A_815 = vector.bitcast %sub3A_814 : vector<16xi32> to vector<16xf32>
      %mul3A_816 = arith.constant 5.000000e-01 : f32
      %mul3A_817 = vector.broadcast %mul3A_816 : f32 to vector<16xf32>
      %mul3A_818 = arith.mulf %mul3A_817, %add3A_807 : vector<16xf32>
      %mul3A_819 = arith.mulf %mul3A_818, %bitcast3A_815 : vector<16xf32>
      %mul3A_820 = arith.mulf %mul3A_819, %bitcast3A_815 : vector<16xf32>
      %sub3A_821 = arith.constant 1.500000e+00 : f32
      %sub3A_822 = vector.broadcast %sub3A_821 : f32 to vector<16xf32>
      %sub3A_823 = arith.subf %sub3A_822, %mul3A_820 : vector<16xf32>
      %mul3A_824 = arith.mulf %bitcast3A_815, %sub3A_823 : vector<16xf32>
      %mul3A_825 = arith.constant 5.000000e-01 : f32
      %mul3A_826 = vector.broadcast %mul3A_825 : f32 to vector<16xf32>
      %mul3A_827 = arith.mulf %mul3A_826, %add3A_807 : vector<16xf32>
      %mul3A_828 = arith.mulf %mul3A_827, %mul3A_824 : vector<16xf32>
      %mul3A_829 = arith.mulf %mul3A_828, %mul3A_824 : vector<16xf32>
      %sub3A_830 = arith.constant 1.500000e+00 : f32
      %sub3A_831 = vector.broadcast %sub3A_830 : f32 to vector<16xf32>
      %sub3A_832 = arith.subf %sub3A_831, %mul3A_829 : vector<16xf32>
      %mul3A_833 = arith.mulf %mul3A_824, %sub3A_832 : vector<16xf32>
      %mul3A_834 = arith.constant 9.000000e+00 : f32
      %mul3A_835 = vector.broadcast %mul3A_834 : f32 to vector<16xf32>
      %mul3A_836 = arith.mulf %mul3A_835, %max3A_804 : vector<16xf32>
      %mul3A_837 = arith.mulf %mul3A_833, %mul3A_833 : vector<16xf32>
      %mul3A_838 = arith.mulf %mul3A_836, %mul3A_837 : vector<16xf32>
      %add3A_839 = arith.addf %add3A_694, %mul3A_838 : vector<16xf32>
      %add3A_840 = arith.constant 6240 : i32
      %add3A_841 = arith.addi %scan3A_547, %add3A_840 : i32
      %add3A_842 = arith.constant 0 : i32
      %add3A_843 = arith.addi %add3A_841, %add3A_842 : i32
      %add3A_844 = arith.constant -1 : i32
      %add3A_845 = arith.addi %add3A_843, %add3A_844 : i32
      %get3A_846 = arith.index_cast %add3A_845 : i32 to index
      %get3A_847 = tpu.vector_load %arg4[%get3A_846] {strides = array<i32>} : memref<9360xf32, #tpu.memory_space<vmem>>, vector<16xf32>,
      %add3A_848 = arith.addf %broadcast_in_dim3A_3, %get3A_847 : vector<16xf32>
      %mul3A_849 = arith.mulf %get3A_847, %get3A_847 : vector<16xf32>
      %add3A_850 = arith.addf %broadcast_in_dim3A_3, %mul3A_849 : vector<16xf32>
      %add3A_851 = arith.constant 6240 : i32
      %add3A_852 = arith.addi %scan3A_547, %add3A_851 : i32
      %add3A_853 = arith.constant 0 : i32
      %add3A_854 = arith.addi %add3A_852, %add3A_853 : i32
      %add3A_855 = arith.constant 0 : i32
      %add3A_856 = arith.addi %add3A_854, %add3A_855 : i32
      %get3A_857 = arith.index_cast %add3A_856 : i32 to index
      %get3A_858 = tpu.vector_load %arg4[%get3A_857] {strides = array<i32>} : memref<9360xf32, #tpu.memory_space<vmem>>, vector<16xf32>,
      %add3A_859 = arith.addf %add3A_848, %get3A_858 : vector<16xf32>
      %mul3A_860 = arith.mulf %get3A_858, %get3A_858 : vector<16xf32>
      %add3A_861 = arith.addf %add3A_850, %mul3A_860 : vector<16xf32>
      %add3A_862 = arith.constant 6240 : i32
      %add3A_863 = arith.addi %scan3A_547, %add3A_862 : i32
      %add3A_864 = arith.constant 0 : i32
      %add3A_865 = arith.addi %add3A_863, %add3A_864 : i32
      %add3A_866 = arith.constant 1 : i32
      %add3A_867 = arith.addi %add3A_865, %add3A_866 : i32
      %get3A_868 = arith.index_cast %add3A_867 : i32 to index
      %get3A_869 = tpu.vector_load %arg4[%get3A_868] {strides = array<i32>} : memref<9360xf32, #tpu.memory_space<vmem>>, vector<16xf32>,
      %add3A_870 = arith.addf %add3A_859, %get3A_869 : vector<16xf32>
      %mul3A_871 = arith.mulf %get3A_869, %get3A_869 : vector<16xf32>
      %add3A_872 = arith.addf %add3A_861, %mul3A_871 : vector<16xf32>
      %add3A_873 = arith.constant 6240 : i32
      %add3A_874 = arith.addi %scan3A_547, %add3A_873 : i32
      %add3A_875 = arith.constant 240 : i32
      %add3A_876 = arith.addi %add3A_874, %add3A_875 : i32
      %add3A_877 = arith.constant -1 : i32
      %add3A_878 = arith.addi %add3A_876, %add3A_877 : i32
      %get3A_879 = arith.index_cast %add3A_878 : i32 to index
      %get3A_880 = tpu.vector_load %arg4[%get3A_879] {strides = array<i32>} : memref<9360xf32, #tpu.memory_space<vmem>>, vector<16xf32>,
      %add3A_881 = arith.addf %add3A_870, %get3A_880 : vector<16xf32>
      %mul3A_882 = arith.mulf %get3A_880, %get3A_880 : vector<16xf32>
      %add3A_883 = arith.addf %add3A_872, %mul3A_882 : vector<16xf32>
      %add3A_884 = arith.constant 6240 : i32
      %add3A_885 = arith.addi %scan3A_547, %add3A_884 : i32
      %add3A_886 = arith.constant 240 : i32
      %add3A_887 = arith.addi %add3A_885, %add3A_886 : i32
      %add3A_888 = arith.constant 0 : i32
      %add3A_889 = arith.addi %add3A_887, %add3A_888 : i32
      %get3A_890 = arith.index_cast %add3A_889 : i32 to index
      %get3A_891 = tpu.vector_load %arg4[%get3A_890] {strides = array<i32>} : memref<9360xf32, #tpu.memory_space<vmem>>, vector<16xf32>,
      %add3A_892 = arith.addf %add3A_881, %get3A_891 : vector<16xf32>
      %mul3A_893 = arith.mulf %get3A_891, %get3A_891 : vector<16xf32>
      %add3A_894 = arith.addf %add3A_883, %mul3A_893 : vector<16xf32>
      %add3A_895 = arith.constant 6240 : i32
      %add3A_896 = arith.addi %scan3A_547, %add3A_895 : i32
      %add3A_897 = arith.constant 240 : i32
      %add3A_898 = arith.addi %add3A_896, %add3A_897 : i32
      %add3A_899 = arith.constant 1 : i32
      %add3A_900 = arith.addi %add3A_898, %add3A_899 : i32
      %get3A_901 = arith.index_cast %add3A_900 : i32 to index
      %get3A_902 = tpu.vector_load %arg4[%get3A_901] {strides = array<i32>} : memref<9360xf32, #tpu.memory_space<vmem>>, vector<16xf32>,
      %add3A_903 = arith.addf %add3A_892, %get3A_902 : vector<16xf32>
      %mul3A_904 = arith.mulf %get3A_902, %get3A_902 : vector<16xf32>
      %add3A_905 = arith.addf %add3A_894, %mul3A_904 : vector<16xf32>
      %add3A_906 = arith.constant 6240 : i32
      %add3A_907 = arith.addi %scan3A_547, %add3A_906 : i32
      %add3A_908 = arith.constant 480 : i32
      %add3A_909 = arith.addi %add3A_907, %add3A_908 : i32
      %add3A_910 = arith.constant -1 : i32
      %add3A_911 = arith.addi %add3A_909, %add3A_910 : i32
      %get3A_912 = arith.index_cast %add3A_911 : i32 to index
      %get3A_913 = tpu.vector_load %arg4[%get3A_912] {strides = array<i32>} : memref<9360xf32, #tpu.memory_space<vmem>>, vector<16xf32>,
      %add3A_914 = arith.addf %add3A_903, %get3A_913 : vector<16xf32>
      %mul3A_915 = arith.mulf %get3A_913, %get3A_913 : vector<16xf32>
      %add3A_916 = arith.addf %add3A_905, %mul3A_915 : vector<16xf32>
      %add3A_917 = arith.constant 6240 : i32
      %add3A_918 = arith.addi %scan3A_547, %add3A_917 : i32
      %add3A_919 = arith.constant 480 : i32
      %add3A_920 = arith.addi %add3A_918, %add3A_919 : i32
      %add3A_921 = arith.constant 0 : i32
      %add3A_922 = arith.addi %add3A_920, %add3A_921 : i32
      %get3A_923 = arith.index_cast %add3A_922 : i32 to index
      %get3A_924 = tpu.vector_load %arg4[%get3A_923] {strides = array<i32>} : memref<9360xf32, #tpu.memory_space<vmem>>, vector<16xf32>,
      %add3A_925 = arith.addf %add3A_914, %get3A_924 : vector<16xf32>
      %mul3A_926 = arith.mulf %get3A_924, %get3A_924 : vector<16xf32>
      %add3A_927 = arith.addf %add3A_916, %mul3A_926 : vector<16xf32>
      %add3A_928 = arith.constant 6240 : i32
      %add3A_929 = arith.addi %scan3A_547, %add3A_928 : i32
      %add3A_930 = arith.constant 480 : i32
      %add3A_931 = arith.addi %add3A_929, %add3A_930 : i32
      %add3A_932 = arith.constant 1 : i32
      %add3A_933 = arith.addi %add3A_931, %add3A_932 : i32
      %get3A_934 = arith.index_cast %add3A_933 : i32 to index
      %get3A_935 = tpu.vector_load %arg4[%get3A_934] {strides = array<i32>} : memref<9360xf32, #tpu.memory_space<vmem>>, vector<16xf32>,
      %add3A_936 = arith.addf %add3A_925, %get3A_935 : vector<16xf32>
      %mul3A_937 = arith.mulf %get3A_935, %get3A_935 : vector<16xf32>
      %add3A_938 = arith.addf %add3A_927, %mul3A_937 : vector<16xf32>
      %mul3A_939 = arith.constant 0.111111112 : f32
      %mul3A_940 = vector.broadcast %mul3A_939 : f32 to vector<16xf32>
      %mul3A_941 = arith.mulf %add3A_936, %mul3A_940 : vector<16xf32>
      %mul3A_942 = arith.constant 0.111111112 : f32
      %mul3A_943 = vector.broadcast %mul3A_942 : f32 to vector<16xf32>
      %mul3A_944 = arith.mulf %add3A_938, %mul3A_943 : vector<16xf32>
      %mul3A_945 = arith.mulf %mul3A_941, %mul3A_941 : vector<16xf32>
      %sub3A_946 = arith.subf %mul3A_944, %mul3A_945 : vector<16xf32>
      %max3A_947 = arith.constant 0.000000e+00 : f32
      %max3A_948 = vector.broadcast %max3A_947 : f32 to vector<16xf32>
      %max3A_949 = arith.maximumf %sub3A_946, %max3A_948 : vector<16xf32>
      %add3A_950 = arith.constant 9.99999974E-6 : f32
      %add3A_951 = vector.broadcast %add3A_950 : f32 to vector<16xf32>
      %add3A_952 = arith.addf %max3A_949, %add3A_951 : vector<16xf32>
      %bitcast3A_953 = vector.bitcast %add3A_952 : vector<16xf32> to vector<16xi32>
      %shift_right_arithmetic3A_954 = arith.constant 1 : i32
      %shift_right_arithmetic3A_955 = vector.broadcast %shift_right_arithmetic3A_954 : i32 to vector<16xi32>
      %shift_right_arithmetic3A_956 = arith.shrsi %bitcast3A_953, %shift_right_arithmetic3A_955 : vector<16xi32>
      %sub3A_957 = arith.constant 1597463007 : i32
      %sub3A_958 = vector.broadcast %sub3A_957 : i32 to vector<16xi32>
      %sub3A_959 = arith.subi %sub3A_958, %shift_right_arithmetic3A_956 : vector<16xi32>
      %bitcast3A_960 = vector.bitcast %sub3A_959 : vector<16xi32> to vector<16xf32>
      %mul3A_961 = arith.constant 5.000000e-01 : f32
      %mul3A_962 = vector.broadcast %mul3A_961 : f32 to vector<16xf32>
      %mul3A_963 = arith.mulf %mul3A_962, %add3A_952 : vector<16xf32>
      %mul3A_964 = arith.mulf %mul3A_963, %bitcast3A_960 : vector<16xf32>
      %mul3A_965 = arith.mulf %mul3A_964, %bitcast3A_960 : vector<16xf32>
      %sub3A_966 = arith.constant 1.500000e+00 : f32
      %sub3A_967 = vector.broadcast %sub3A_966 : f32 to vector<16xf32>
      %sub3A_968 = arith.subf %sub3A_967, %mul3A_965 : vector<16xf32>
      %mul3A_969 = arith.mulf %bitcast3A_960, %sub3A_968 : vector<16xf32>
      %mul3A_970 = arith.constant 5.000000e-01 : f32
      %mul3A_971 = vector.broadcast %mul3A_970 : f32 to vector<16xf32>
      %mul3A_972 = arith.mulf %mul3A_971, %add3A_952 : vector<16xf32>
      %mul3A_973 = arith.mulf %mul3A_972, %mul3A_969 : vector<16xf32>
      %mul3A_974 = arith.mulf %mul3A_973, %mul3A_969 : vector<16xf32>
      %sub3A_975 = arith.constant 1.500000e+00 : f32
      %sub3A_976 = vector.broadcast %sub3A_975 : f32 to vector<16xf32>
      %sub3A_977 = arith.subf %sub3A_976, %mul3A_974 : vector<16xf32>
      %mul3A_978 = arith.mulf %mul3A_969, %sub3A_977 : vector<16xf32>
      %mul3A_979 = arith.constant 9.000000e+00 : f32
      %mul3A_980 = vector.broadcast %mul3A_979 : f32 to vector<16xf32>
      %mul3A_981 = arith.mulf %mul3A_980, %max3A_949 : vector<16xf32>
      %mul3A_982 = arith.mulf %mul3A_978, %mul3A_978 : vector<16xf32>
      %mul3A_983 = arith.mulf %mul3A_981, %mul3A_982 : vector<16xf32>
      %add3A_984 = arith.addf %add3A_839, %mul3A_983 : vector<16xf32>
      %bitcast3A_985 = vector.bitcast %add3A_984 : vector<16xf32> to vector<16xi32>
      %shift_right_arithmetic3A_986 = arith.constant 1 : i32
      %shift_right_arithmetic3A_987 = vector.broadcast %shift_right_arithmetic3A_986 : i32 to vector<16xi32>
      %shift_right_arithmetic3A_988 = arith.shrsi %bitcast3A_985, %shift_right_arithmetic3A_987 : vector<16xi32>
      %sub3A_989 = arith.constant 1597463007 : i32
      %sub3A_990 = vector.broadcast %sub3A_989 : i32 to vector<16xi32>
      %sub3A_991 = arith.subi %sub3A_990, %shift_right_arithmetic3A_988 : vector<16xi32>
      %bitcast3A_992 = vector.bitcast %sub3A_991 : vector<16xi32> to vector<16xf32>
      %mul3A_993 = arith.constant 5.000000e-01 : f32
      %mul3A_994 = vector.broadcast %mul3A_993 : f32 to vector<16xf32>
      %mul3A_995 = arith.mulf %mul3A_994, %add3A_984 : vector<16xf32>
      %mul3A_996 = arith.mulf %mul3A_995, %bitcast3A_992 : vector<16xf32>
      %mul3A_997 = arith.mulf %mul3A_996, %bitcast3A_992 : vector<16xf32>
      %sub3A_998 = arith.constant 1.500000e+00 : f32
      %sub3A_999 = vector.broadcast %sub3A_998 : f32 to vector<16xf32>
      %sub3A_1000 = arith.subf %sub3A_999, %mul3A_997 : vector<16xf32>
      %mul3A_1001 = arith.mulf %bitcast3A_992, %sub3A_1000 : vector<16xf32>
      %mul3A_1002 = arith.constant 5.000000e-01 : f32
      %mul3A_1003 = vector.broadcast %mul3A_1002 : f32 to vector<16xf32>
      %mul3A_1004 = arith.mulf %mul3A_1003, %add3A_984 : vector<16xf32>
      %mul3A_1005 = arith.mulf %mul3A_1004, %mul3A_1001 : vector<16xf32>
      %mul3A_1006 = arith.mulf %mul3A_1005, %mul3A_1001 : vector<16xf32>
      %sub3A_1007 = arith.constant 1.500000e+00 : f32
      %sub3A_1008 = vector.broadcast %sub3A_1007 : f32 to vector<16xf32>
      %sub3A_1009 = arith.subf %sub3A_1008, %mul3A_1006 : vector<16xf32>
      %mul3A_1010 = arith.mulf %mul3A_1001, %sub3A_1009 : vector<16xf32>
      %ge3A_1011 = arith.constant 0 : i32
      %ge3A_1012 = arith.cmpi sge, %scan3A_550, %ge3A_1011 : i32
      %lt3A_1013 = arith.constant 224 : i32
      %lt3A_1014 = arith.cmpi slt, %scan3A_550, %lt3A_1013 : i32
      %and3A_1015 = arith.andi %ge3A_1012, %lt3A_1014 : i1
      %jit3A = arith.constant 1.000000e+00 : f32
      %jit3A_1016 = arith.constant 0.000000e+00 : f32
      %select_n3A = arith.select %and3A_1015, %jit3A, %jit3A_1016 : f32
      %mul3A_1017 = vector.broadcast %select_n3A : f32 to vector<16xf32>
      %mul3A_1018 = arith.mulf %mul3A_1010, %mul3A_1017 : vector<16xf32>
      %mul3A_1019 = arith.mulf %mul3A_688, %mul3A_1018 : vector<16xf32>
      %add3A_1020 = arith.constant 0 : i32
      %add3A_1021 = arith.addi %scan3A_548, %add3A_1020 : i32
      %swap3A = arith.index_cast %add3A_1021 : i32 to index
      %swap3A_1022 = tpu.vector_load %arg5[%swap3A] {strides = array<i32>} : memref<7920xf32, #tpu.memory_space<vmem>>, vector<16xf32>,
      tpu.vector_store %arg5[%swap3A], %mul3A_1019 {strides = array<i32>} : memref<7920xf32, #tpu.memory_space<vmem>>, vector<16xf32>,
      %mul3A_1023 = arith.mulf %mul3A_653, %mul3A_688 : vector<16xf32>
      %sub3A_1024 = arith.constant 2.000000e+00 : f32
      %sub3A_1025 = vector.broadcast %sub3A_1024 : f32 to vector<16xf32>
      %sub3A_1026 = arith.subf %sub3A_1025, %mul3A_1023 : vector<16xf32>
      %mul3A_1027 = arith.mulf %sub3A_1026, %mul3A_1018 : vector<16xf32>
      %add3A_1028 = arith.constant 0 : i32
      %add3A_1029 = arith.addi %scan3A_548, %add3A_1028 : i32
      %swap3A_1030 = arith.index_cast %add3A_1029 : i32 to index
      %swap3A_1031 = tpu.vector_load %arg6[%swap3A_1030] {strides = array<i32>} : memref<7920xf32, #tpu.memory_space<vmem>>, vector<16xf32>,
      tpu.vector_store %arg6[%swap3A_1030], %mul3A_1027 {strides = array<i32>} : memref<7920xf32, #tpu.memory_space<vmem>>, vector<16xf32>,
      %mul3A_1032 = arith.mulf %mul3A_833, %mul3A_1018 : vector<16xf32>
      %add3A_1033 = arith.constant 2640 : i32
      %add3A_1034 = arith.addi %scan3A_548, %add3A_1033 : i32
      %swap3A_1035 = arith.index_cast %add3A_1034 : i32 to index
      %swap3A_1036 = tpu.vector_load %arg5[%swap3A_1035] {strides = array<i32>} : memref<7920xf32, #tpu.memory_space<vmem>>, vector<16xf32>,
      tpu.vector_store %arg5[%swap3A_1035], %mul3A_1032 {strides = array<i32>} : memref<7920xf32, #tpu.memory_space<vmem>>, vector<16xf32>,
      %mul3A_1037 = arith.mulf %mul3A_796, %mul3A_833 : vector<16xf32>
      %sub3A_1038 = arith.constant 2.000000e+00 : f32
      %sub3A_1039 = vector.broadcast %sub3A_1038 : f32 to vector<16xf32>
      %sub3A_1040 = arith.subf %sub3A_1039, %mul3A_1037 : vector<16xf32>
      %mul3A_1041 = arith.mulf %sub3A_1040, %mul3A_1018 : vector<16xf32>
      %add3A_1042 = arith.constant 2640 : i32
      %add3A_1043 = arith.addi %scan3A_548, %add3A_1042 : i32
      %swap3A_1044 = arith.index_cast %add3A_1043 : i32 to index
      %swap3A_1045 = tpu.vector_load %arg6[%swap3A_1044] {strides = array<i32>} : memref<7920xf32, #tpu.memory_space<vmem>>, vector<16xf32>,
      tpu.vector_store %arg6[%swap3A_1044], %mul3A_1041 {strides = array<i32>} : memref<7920xf32, #tpu.memory_space<vmem>>, vector<16xf32>,
      %mul3A_1046 = arith.mulf %mul3A_978, %mul3A_1018 : vector<16xf32>
      %add3A_1047 = arith.constant 5280 : i32
      %add3A_1048 = arith.addi %scan3A_548, %add3A_1047 : i32
      %swap3A_1049 = arith.index_cast %add3A_1048 : i32 to index
      %swap3A_1050 = tpu.vector_load %arg5[%swap3A_1049] {strides = array<i32>} : memref<7920xf32, #tpu.memory_space<vmem>>, vector<16xf32>,
      tpu.vector_store %arg5[%swap3A_1049], %mul3A_1046 {strides = array<i32>} : memref<7920xf32, #tpu.memory_space<vmem>>, vector<16xf32>,
      %mul3A_1051 = arith.mulf %mul3A_941, %mul3A_978 : vector<16xf32>
      %sub3A_1052 = arith.constant 2.000000e+00 : f32
      %sub3A_1053 = vector.broadcast %sub3A_1052 : f32 to vector<16xf32>
      %sub3A_1054 = arith.subf %sub3A_1053, %mul3A_1051 : vector<16xf32>
      %mul3A_1055 = arith.mulf %sub3A_1054, %mul3A_1018 : vector<16xf32>
      %add3A_1056 = arith.constant 5280 : i32
      %add3A_1057 = arith.addi %scan3A_548, %add3A_1056 : i32
      %swap3A_1058 = arith.index_cast %add3A_1057 : i32 to index
      %swap3A_1059 = tpu.vector_load %arg6[%swap3A_1058] {strides = array<i32>} : memref<7920xf32, #tpu.memory_space<vmem>>, vector<16xf32>,
      tpu.vector_store %arg6[%swap3A_1058], %mul3A_1055 {strides = array<i32>} : memref<7920xf32, #tpu.memory_space<vmem>>, vector<16xf32>,
      %eq3A = arith.constant 13 : i32
      %eq3A_1060 = arith.cmpi eq, %scan3A_549, %eq3A : i32
      %jit3A_1061 = arith.constant 32 : i32
      %jit3A_1062 = arith.constant 16 : i32
      %select_n3A_1063 = arith.select %eq3A_1060, %jit3A_1061, %jit3A_1062 : i32
      %add3A_1064 = arith.addi %scan3A_547, %select_n3A_1063 : i32
      %add3A_1065 = arith.addi %scan3A_548, %select_n3A_1063 : i32
      %add3A_1066 = arith.constant 1 : i32
      %add3A_1067 = arith.addi %scan3A_549, %add3A_1066 : i32
      %jit3A_1068 = arith.constant 0 : i32
      %select_n3A_1069 = arith.select %eq3A_1060, %jit3A_1068, %add3A_1067 : i32
      %eq3A_1070 = arith.constant 13 : i32
      %eq3A_1071 = arith.cmpi eq, %scan3A_549, %eq3A_1070 : i32
      %add3A_1072 = arith.constant 1 : i32
      %add3A_1073 = arith.addi %scan3A_550, %add3A_1072 : i32
      %select_n3A_1074 = arith.select %eq3A_1071, %add3A_1073, %scan3A_550 : i32
      scf.yield %add3A_1064, %add3A_1065, %select_n3A_1069, %select_n3A_1074 : i32, i32, i32, i32
    }
    %scan3A_508 = arith.constant 154 : i32
    %scan3A_509 = arith.constant 8 : i32
    %scan3A_510 = arith.constant 8 : i32
    %scan3A_511 = arith.constant 0 : i32
    %scan3A_512 = arith.constant 0 : i32
    %scan3A_513 = arith.constant 154 : i32
    %scan3A_514 = arith.addi %scan3A_512, %scan3A_513 : i32
    %scan3A_515 = arith.constant 1 : i32
    %scan3A_516:3 = scf.for %scan3A_546 = %scan3A_512 to %scan3A_514 step %scan3A_515 iter_args(%scan3A_547 = %scan3A_509, %scan3A_548 = %scan3A_510, %scan3A_549 = %scan3A_511) -> (i32, i32, i32)  : i32 {
      %add3A_550 = arith.constant 0 : i32
      %add3A_551 = arith.addi %scan3A_548, %add3A_550 : i32
      %get3A = arith.index_cast %add3A_551 : i32 to index
      %get3A_552 = tpu.vector_load %arg5[%get3A] {strides = array<i32>} : memref<7920xf32, #tpu.memory_space<vmem>>, vector<16xf32>,
      %add3A_553 = arith.constant 0 : i32
      %add3A_554 = arith.addi %scan3A_548, %add3A_553 : i32
      %get3A_555 = arith.index_cast %add3A_554 : i32 to index
      %get3A_556 = tpu.vector_load %arg6[%get3A_555] {strides = array<i32>} : memref<7920xf32, #tpu.memory_space<vmem>>, vector<16xf32>,
      %add3A_557 = arith.constant 0 : i32
      %add3A_558 = arith.addi %scan3A_547, %add3A_557 : i32
      %add3A_559 = arith.constant 0 : i32
      %add3A_560 = arith.addi %add3A_558, %add3A_559 : i32
      %add3A_561 = arith.constant -1 : i32
      %add3A_562 = arith.addi %add3A_560, %add3A_561 : i32
      %get3A_563 = arith.index_cast %add3A_562 : i32 to index
      %get3A_564 = tpu.vector_load %arg4[%get3A_563] {strides = array<i32>} : memref<9360xf32, #tpu.memory_space<vmem>>, vector<16xf32>,
      %mul3A_565 = arith.mulf %get3A_564, %get3A_552 : vector<16xf32>
      %add3A_566 = arith.addf %mul3A_565, %get3A_556 : vector<16xf32>
      %add3A_567 = arith.constant 0 : i32
      %add3A_568 = arith.addi %scan3A_548, %add3A_567 : i32
      %swap3A = arith.index_cast %add3A_568 : i32 to index
      %swap3A_569 = tpu.vector_load %arg7[%swap3A] {strides = array<i32>} : memref<71280xf32, #tpu.memory_space<vmem>>, vector<16xf32>,
      tpu.vector_store %arg7[%swap3A], %add3A_566 {strides = array<i32>} : memref<71280xf32, #tpu.memory_space<vmem>>, vector<16xf32>,
      %add3A_570 = arith.constant 0 : i32
      %add3A_571 = arith.addi %scan3A_547, %add3A_570 : i32
      %add3A_572 = arith.constant 0 : i32
      %add3A_573 = arith.addi %add3A_571, %add3A_572 : i32
      %add3A_574 = arith.constant 0 : i32
      %add3A_575 = arith.addi %add3A_573, %add3A_574 : i32
      %get3A_576 = arith.index_cast %add3A_575 : i32 to index
      %get3A_577 = tpu.vector_load %arg4[%get3A_576] {strides = array<i32>} : memref<9360xf32, #tpu.memory_space<vmem>>, vector<16xf32>,
      %mul3A_578 = arith.mulf %get3A_577, %get3A_552 : vector<16xf32>
      %add3A_579 = arith.addf %mul3A_578, %get3A_556 : vector<16xf32>
      %add3A_580 = arith.constant 2640 : i32
      %add3A_581 = arith.addi %scan3A_548, %add3A_580 : i32
      %swap3A_582 = arith.index_cast %add3A_581 : i32 to index
      %swap3A_583 = tpu.vector_load %arg7[%swap3A_582] {strides = array<i32>} : memref<71280xf32, #tpu.memory_space<vmem>>, vector<16xf32>,
      tpu.vector_store %arg7[%swap3A_582], %add3A_579 {strides = array<i32>} : memref<71280xf32, #tpu.memory_space<vmem>>, vector<16xf32>,
      %add3A_584 = arith.constant 0 : i32
      %add3A_585 = arith.addi %scan3A_547, %add3A_584 : i32
      %add3A_586 = arith.constant 0 : i32
      %add3A_587 = arith.addi %add3A_585, %add3A_586 : i32
      %add3A_588 = arith.constant 1 : i32
      %add3A_589 = arith.addi %add3A_587, %add3A_588 : i32
      %get3A_590 = arith.index_cast %add3A_589 : i32 to index
      %get3A_591 = tpu.vector_load %arg4[%get3A_590] {strides = array<i32>} : memref<9360xf32, #tpu.memory_space<vmem>>, vector<16xf32>,
      %mul3A_592 = arith.mulf %get3A_591, %get3A_552 : vector<16xf32>
      %add3A_593 = arith.addf %mul3A_592, %get3A_556 : vector<16xf32>
      %add3A_594 = arith.constant 5280 : i32
      %add3A_595 = arith.addi %scan3A_548, %add3A_594 : i32
      %swap3A_596 = arith.index_cast %add3A_595 : i32 to index
      %swap3A_597 = tpu.vector_load %arg7[%swap3A_596] {strides = array<i32>} : memref<71280xf32, #tpu.memory_space<vmem>>, vector<16xf32>,
      tpu.vector_store %arg7[%swap3A_596], %add3A_593 {strides = array<i32>} : memref<71280xf32, #tpu.memory_space<vmem>>, vector<16xf32>,
      %add3A_598 = arith.constant 0 : i32
      %add3A_599 = arith.addi %scan3A_547, %add3A_598 : i32
      %add3A_600 = arith.constant 240 : i32
      %add3A_601 = arith.addi %add3A_599, %add3A_600 : i32
      %add3A_602 = arith.constant -1 : i32
      %add3A_603 = arith.addi %add3A_601, %add3A_602 : i32
      %get3A_604 = arith.index_cast %add3A_603 : i32 to index
      %get3A_605 = tpu.vector_load %arg4[%get3A_604] {strides = array<i32>} : memref<9360xf32, #tpu.memory_space<vmem>>, vector<16xf32>,
      %mul3A_606 = arith.mulf %get3A_605, %get3A_552 : vector<16xf32>
      %add3A_607 = arith.addf %mul3A_606, %get3A_556 : vector<16xf32>
      %add3A_608 = arith.constant 7920 : i32
      %add3A_609 = arith.addi %scan3A_548, %add3A_608 : i32
      %swap3A_610 = arith.index_cast %add3A_609 : i32 to index
      %swap3A_611 = tpu.vector_load %arg7[%swap3A_610] {strides = array<i32>} : memref<71280xf32, #tpu.memory_space<vmem>>, vector<16xf32>,
      tpu.vector_store %arg7[%swap3A_610], %add3A_607 {strides = array<i32>} : memref<71280xf32, #tpu.memory_space<vmem>>, vector<16xf32>,
      %add3A_612 = arith.constant 0 : i32
      %add3A_613 = arith.addi %scan3A_547, %add3A_612 : i32
      %add3A_614 = arith.constant 240 : i32
      %add3A_615 = arith.addi %add3A_613, %add3A_614 : i32
      %add3A_616 = arith.constant 0 : i32
      %add3A_617 = arith.addi %add3A_615, %add3A_616 : i32
      %get3A_618 = arith.index_cast %add3A_617 : i32 to index
      %get3A_619 = tpu.vector_load %arg4[%get3A_618] {strides = array<i32>} : memref<9360xf32, #tpu.memory_space<vmem>>, vector<16xf32>,
      %mul3A_620 = arith.mulf %get3A_619, %get3A_552 : vector<16xf32>
      %add3A_621 = arith.addf %mul3A_620, %get3A_556 : vector<16xf32>
      %add3A_622 = arith.constant 10560 : i32
      %add3A_623 = arith.addi %scan3A_548, %add3A_622 : i32
      %swap3A_624 = arith.index_cast %add3A_623 : i32 to index
      %swap3A_625 = tpu.vector_load %arg7[%swap3A_624] {strides = array<i32>} : memref<71280xf32, #tpu.memory_space<vmem>>, vector<16xf32>,
      tpu.vector_store %arg7[%swap3A_624], %add3A_621 {strides = array<i32>} : memref<71280xf32, #tpu.memory_space<vmem>>, vector<16xf32>,
      %add3A_626 = arith.constant 0 : i32
      %add3A_627 = arith.addi %scan3A_547, %add3A_626 : i32
      %add3A_628 = arith.constant 240 : i32
      %add3A_629 = arith.addi %add3A_627, %add3A_628 : i32
      %add3A_630 = arith.constant 1 : i32
      %add3A_631 = arith.addi %add3A_629, %add3A_630 : i32
      %get3A_632 = arith.index_cast %add3A_631 : i32 to index
      %get3A_633 = tpu.vector_load %arg4[%get3A_632] {strides = array<i32>} : memref<9360xf32, #tpu.memory_space<vmem>>, vector<16xf32>,
      %mul3A_634 = arith.mulf %get3A_633, %get3A_552 : vector<16xf32>
      %add3A_635 = arith.addf %mul3A_634, %get3A_556 : vector<16xf32>
      %add3A_636 = arith.constant 13200 : i32
      %add3A_637 = arith.addi %scan3A_548, %add3A_636 : i32
      %swap3A_638 = arith.index_cast %add3A_637 : i32 to index
      %swap3A_639 = tpu.vector_load %arg7[%swap3A_638] {strides = array<i32>} : memref<71280xf32, #tpu.memory_space<vmem>>, vector<16xf32>,
      tpu.vector_store %arg7[%swap3A_638], %add3A_635 {strides = array<i32>} : memref<71280xf32, #tpu.memory_space<vmem>>, vector<16xf32>,
      %add3A_640 = arith.constant 0 : i32
      %add3A_641 = arith.addi %scan3A_547, %add3A_640 : i32
      %add3A_642 = arith.constant 480 : i32
      %add3A_643 = arith.addi %add3A_641, %add3A_642 : i32
      %add3A_644 = arith.constant -1 : i32
      %add3A_645 = arith.addi %add3A_643, %add3A_644 : i32
      %get3A_646 = arith.index_cast %add3A_645 : i32 to index
      %get3A_647 = tpu.vector_load %arg4[%get3A_646] {strides = array<i32>} : memref<9360xf32, #tpu.memory_space<vmem>>, vector<16xf32>,
      %mul3A_648 = arith.mulf %get3A_647, %get3A_552 : vector<16xf32>
      %add3A_649 = arith.addf %mul3A_648, %get3A_556 : vector<16xf32>
      %add3A_650 = arith.constant 15840 : i32
      %add3A_651 = arith.addi %scan3A_548, %add3A_650 : i32
      %swap3A_652 = arith.index_cast %add3A_651 : i32 to index
      %swap3A_653 = tpu.vector_load %arg7[%swap3A_652] {strides = array<i32>} : memref<71280xf32, #tpu.memory_space<vmem>>, vector<16xf32>,
      tpu.vector_store %arg7[%swap3A_652], %add3A_649 {strides = array<i32>} : memref<71280xf32, #tpu.memory_space<vmem>>, vector<16xf32>,
      %add3A_654 = arith.constant 0 : i32
      %add3A_655 = arith.addi %scan3A_547, %add3A_654 : i32
      %add3A_656 = arith.constant 480 : i32
      %add3A_657 = arith.addi %add3A_655, %add3A_656 : i32
      %add3A_658 = arith.constant 0 : i32
      %add3A_659 = arith.addi %add3A_657, %add3A_658 : i32
      %get3A_660 = arith.index_cast %add3A_659 : i32 to index
      %get3A_661 = tpu.vector_load %arg4[%get3A_660] {strides = array<i32>} : memref<9360xf32, #tpu.memory_space<vmem>>, vector<16xf32>,
      %mul3A_662 = arith.mulf %get3A_661, %get3A_552 : vector<16xf32>
      %add3A_663 = arith.addf %mul3A_662, %get3A_556 : vector<16xf32>
      %add3A_664 = arith.constant 18480 : i32
      %add3A_665 = arith.addi %scan3A_548, %add3A_664 : i32
      %swap3A_666 = arith.index_cast %add3A_665 : i32 to index
      %swap3A_667 = tpu.vector_load %arg7[%swap3A_666] {strides = array<i32>} : memref<71280xf32, #tpu.memory_space<vmem>>, vector<16xf32>,
      tpu.vector_store %arg7[%swap3A_666], %add3A_663 {strides = array<i32>} : memref<71280xf32, #tpu.memory_space<vmem>>, vector<16xf32>,
      %add3A_668 = arith.constant 0 : i32
      %add3A_669 = arith.addi %scan3A_547, %add3A_668 : i32
      %add3A_670 = arith.constant 480 : i32
      %add3A_671 = arith.addi %add3A_669, %add3A_670 : i32
      %add3A_672 = arith.constant 1 : i32
      %add3A_673 = arith.addi %add3A_671, %add3A_672 : i32
      %get3A_674 = arith.index_cast %add3A_673 : i32 to index
      %get3A_675 = tpu.vector_load %arg4[%get3A_674] {strides = array<i32>} : memref<9360xf32, #tpu.memory_space<vmem>>, vector<16xf32>,
      %mul3A_676 = arith.mulf %get3A_675, %get3A_552 : vector<16xf32>
      %add3A_677 = arith.addf %mul3A_676, %get3A_556 : vector<16xf32>
      %add3A_678 = arith.constant 21120 : i32
      %add3A_679 = arith.addi %scan3A_548, %add3A_678 : i32
      %swap3A_680 = arith.index_cast %add3A_679 : i32 to index
      %swap3A_681 = tpu.vector_load %arg7[%swap3A_680] {strides = array<i32>} : memref<71280xf32, #tpu.memory_space<vmem>>, vector<16xf32>,
      tpu.vector_store %arg7[%swap3A_680], %add3A_677 {strides = array<i32>} : memref<71280xf32, #tpu.memory_space<vmem>>, vector<16xf32>,
      %eq3A = arith.constant 13 : i32
      %eq3A_682 = arith.cmpi eq, %scan3A_549, %eq3A : i32
      %jit3A = arith.constant 32 : i32
      %jit3A_683 = arith.constant 16 : i32
      %select_n3A = arith.select %eq3A_682, %jit3A, %jit3A_683 : i32
      %add3A_684 = arith.addi %scan3A_547, %select_n3A : i32
      %add3A_685 = arith.addi %scan3A_548, %select_n3A : i32
      %add3A_686 = arith.constant 1 : i32
      %add3A_687 = arith.addi %scan3A_549, %add3A_686 : i32
      %jit3A_688 = arith.constant 0 : i32
      %select_n3A_689 = arith.select %eq3A_682, %jit3A_688, %add3A_687 : i32
      scf.yield %add3A_684, %add3A_685, %select_n3A_689 : i32, i32, i32
    }
    %scan3A_517 = arith.constant 154 : i32
    %scan3A_518 = arith.constant 8 : i32
    %scan3A_519 = arith.constant 8 : i32
    %scan3A_520 = arith.constant 0 : i32
    %scan3A_521 = arith.constant 0 : i32
    %scan3A_522 = arith.constant 154 : i32
    %scan3A_523 = arith.addi %scan3A_521, %scan3A_522 : i32
    %scan3A_524 = arith.constant 1 : i32
    %scan3A_525:3 = scf.for %scan3A_546 = %scan3A_521 to %scan3A_523 step %scan3A_524 iter_args(%scan3A_547 = %scan3A_518, %scan3A_548 = %scan3A_519, %scan3A_549 = %scan3A_520) -> (i32, i32, i32)  : i32 {
      %add3A_550 = arith.constant 2640 : i32
      %add3A_551 = arith.addi %scan3A_548, %add3A_550 : i32
      %get3A = arith.index_cast %add3A_551 : i32 to index
      %get3A_552 = tpu.vector_load %arg5[%get3A] {strides = array<i32>} : memref<7920xf32, #tpu.memory_space<vmem>>, vector<16xf32>,
      %add3A_553 = arith.constant 2640 : i32
      %add3A_554 = arith.addi %scan3A_548, %add3A_553 : i32
      %get3A_555 = arith.index_cast %add3A_554 : i32 to index
      %get3A_556 = tpu.vector_load %arg6[%get3A_555] {strides = array<i32>} : memref<7920xf32, #tpu.memory_space<vmem>>, vector<16xf32>,
      %add3A_557 = arith.constant 3120 : i32
      %add3A_558 = arith.addi %scan3A_547, %add3A_557 : i32
      %add3A_559 = arith.constant 0 : i32
      %add3A_560 = arith.addi %add3A_558, %add3A_559 : i32
      %add3A_561 = arith.constant -1 : i32
      %add3A_562 = arith.addi %add3A_560, %add3A_561 : i32
      %get3A_563 = arith.index_cast %add3A_562 : i32 to index
      %get3A_564 = tpu.vector_load %arg4[%get3A_563] {strides = array<i32>} : memref<9360xf32, #tpu.memory_space<vmem>>, vector<16xf32>,
      %mul3A_565 = arith.mulf %get3A_564, %get3A_552 : vector<16xf32>
      %add3A_566 = arith.addf %mul3A_565, %get3A_556 : vector<16xf32>
      %add3A_567 = arith.constant 23760 : i32
      %add3A_568 = arith.addi %scan3A_548, %add3A_567 : i32
      %swap3A = arith.index_cast %add3A_568 : i32 to index
      %swap3A_569 = tpu.vector_load %arg7[%swap3A] {strides = array<i32>} : memref<71280xf32, #tpu.memory_space<vmem>>, vector<16xf32>,
      tpu.vector_store %arg7[%swap3A], %add3A_566 {strides = array<i32>} : memref<71280xf32, #tpu.memory_space<vmem>>, vector<16xf32>,
      %add3A_570 = arith.constant 3120 : i32
      %add3A_571 = arith.addi %scan3A_547, %add3A_570 : i32
      %add3A_572 = arith.constant 0 : i32
      %add3A_573 = arith.addi %add3A_571, %add3A_572 : i32
      %add3A_574 = arith.constant 0 : i32
      %add3A_575 = arith.addi %add3A_573, %add3A_574 : i32
      %get3A_576 = arith.index_cast %add3A_575 : i32 to index
      %get3A_577 = tpu.vector_load %arg4[%get3A_576] {strides = array<i32>} : memref<9360xf32, #tpu.memory_space<vmem>>, vector<16xf32>,
      %mul3A_578 = arith.mulf %get3A_577, %get3A_552 : vector<16xf32>
      %add3A_579 = arith.addf %mul3A_578, %get3A_556 : vector<16xf32>
      %add3A_580 = arith.constant 26400 : i32
      %add3A_581 = arith.addi %scan3A_548, %add3A_580 : i32
      %swap3A_582 = arith.index_cast %add3A_581 : i32 to index
      %swap3A_583 = tpu.vector_load %arg7[%swap3A_582] {strides = array<i32>} : memref<71280xf32, #tpu.memory_space<vmem>>, vector<16xf32>,
      tpu.vector_store %arg7[%swap3A_582], %add3A_579 {strides = array<i32>} : memref<71280xf32, #tpu.memory_space<vmem>>, vector<16xf32>,
      %add3A_584 = arith.constant 3120 : i32
      %add3A_585 = arith.addi %scan3A_547, %add3A_584 : i32
      %add3A_586 = arith.constant 0 : i32
      %add3A_587 = arith.addi %add3A_585, %add3A_586 : i32
      %add3A_588 = arith.constant 1 : i32
      %add3A_589 = arith.addi %add3A_587, %add3A_588 : i32
      %get3A_590 = arith.index_cast %add3A_589 : i32 to index
      %get3A_591 = tpu.vector_load %arg4[%get3A_590] {strides = array<i32>} : memref<9360xf32, #tpu.memory_space<vmem>>, vector<16xf32>,
      %mul3A_592 = arith.mulf %get3A_591, %get3A_552 : vector<16xf32>
      %add3A_593 = arith.addf %mul3A_592, %get3A_556 : vector<16xf32>
      %add3A_594 = arith.constant 29040 : i32
      %add3A_595 = arith.addi %scan3A_548, %add3A_594 : i32
      %swap3A_596 = arith.index_cast %add3A_595 : i32 to index
      %swap3A_597 = tpu.vector_load %arg7[%swap3A_596] {strides = array<i32>} : memref<71280xf32, #tpu.memory_space<vmem>>, vector<16xf32>,
      tpu.vector_store %arg7[%swap3A_596], %add3A_593 {strides = array<i32>} : memref<71280xf32, #tpu.memory_space<vmem>>, vector<16xf32>,
      %add3A_598 = arith.constant 3120 : i32
      %add3A_599 = arith.addi %scan3A_547, %add3A_598 : i32
      %add3A_600 = arith.constant 240 : i32
      %add3A_601 = arith.addi %add3A_599, %add3A_600 : i32
      %add3A_602 = arith.constant -1 : i32
      %add3A_603 = arith.addi %add3A_601, %add3A_602 : i32
      %get3A_604 = arith.index_cast %add3A_603 : i32 to index
      %get3A_605 = tpu.vector_load %arg4[%get3A_604] {strides = array<i32>} : memref<9360xf32, #tpu.memory_space<vmem>>, vector<16xf32>,
      %mul3A_606 = arith.mulf %get3A_605, %get3A_552 : vector<16xf32>
      %add3A_607 = arith.addf %mul3A_606, %get3A_556 : vector<16xf32>
      %add3A_608 = arith.constant 31680 : i32
      %add3A_609 = arith.addi %scan3A_548, %add3A_608 : i32
      %swap3A_610 = arith.index_cast %add3A_609 : i32 to index
      %swap3A_611 = tpu.vector_load %arg7[%swap3A_610] {strides = array<i32>} : memref<71280xf32, #tpu.memory_space<vmem>>, vector<16xf32>,
      tpu.vector_store %arg7[%swap3A_610], %add3A_607 {strides = array<i32>} : memref<71280xf32, #tpu.memory_space<vmem>>, vector<16xf32>,
      %add3A_612 = arith.constant 3120 : i32
      %add3A_613 = arith.addi %scan3A_547, %add3A_612 : i32
      %add3A_614 = arith.constant 240 : i32
      %add3A_615 = arith.addi %add3A_613, %add3A_614 : i32
      %add3A_616 = arith.constant 0 : i32
      %add3A_617 = arith.addi %add3A_615, %add3A_616 : i32
      %get3A_618 = arith.index_cast %add3A_617 : i32 to index
      %get3A_619 = tpu.vector_load %arg4[%get3A_618] {strides = array<i32>} : memref<9360xf32, #tpu.memory_space<vmem>>, vector<16xf32>,
      %mul3A_620 = arith.mulf %get3A_619, %get3A_552 : vector<16xf32>
      %add3A_621 = arith.addf %mul3A_620, %get3A_556 : vector<16xf32>
      %add3A_622 = arith.constant 34320 : i32
      %add3A_623 = arith.addi %scan3A_548, %add3A_622 : i32
      %swap3A_624 = arith.index_cast %add3A_623 : i32 to index
      %swap3A_625 = tpu.vector_load %arg7[%swap3A_624] {strides = array<i32>} : memref<71280xf32, #tpu.memory_space<vmem>>, vector<16xf32>,
      tpu.vector_store %arg7[%swap3A_624], %add3A_621 {strides = array<i32>} : memref<71280xf32, #tpu.memory_space<vmem>>, vector<16xf32>,
      %add3A_626 = arith.constant 3120 : i32
      %add3A_627 = arith.addi %scan3A_547, %add3A_626 : i32
      %add3A_628 = arith.constant 240 : i32
      %add3A_629 = arith.addi %add3A_627, %add3A_628 : i32
      %add3A_630 = arith.constant 1 : i32
      %add3A_631 = arith.addi %add3A_629, %add3A_630 : i32
      %get3A_632 = arith.index_cast %add3A_631 : i32 to index
      %get3A_633 = tpu.vector_load %arg4[%get3A_632] {strides = array<i32>} : memref<9360xf32, #tpu.memory_space<vmem>>, vector<16xf32>,
      %mul3A_634 = arith.mulf %get3A_633, %get3A_552 : vector<16xf32>
      %add3A_635 = arith.addf %mul3A_634, %get3A_556 : vector<16xf32>
      %add3A_636 = arith.constant 36960 : i32
      %add3A_637 = arith.addi %scan3A_548, %add3A_636 : i32
      %swap3A_638 = arith.index_cast %add3A_637 : i32 to index
      %swap3A_639 = tpu.vector_load %arg7[%swap3A_638] {strides = array<i32>} : memref<71280xf32, #tpu.memory_space<vmem>>, vector<16xf32>,
      tpu.vector_store %arg7[%swap3A_638], %add3A_635 {strides = array<i32>} : memref<71280xf32, #tpu.memory_space<vmem>>, vector<16xf32>,
      %add3A_640 = arith.constant 3120 : i32
      %add3A_641 = arith.addi %scan3A_547, %add3A_640 : i32
      %add3A_642 = arith.constant 480 : i32
      %add3A_643 = arith.addi %add3A_641, %add3A_642 : i32
      %add3A_644 = arith.constant -1 : i32
      %add3A_645 = arith.addi %add3A_643, %add3A_644 : i32
      %get3A_646 = arith.index_cast %add3A_645 : i32 to index
      %get3A_647 = tpu.vector_load %arg4[%get3A_646] {strides = array<i32>} : memref<9360xf32, #tpu.memory_space<vmem>>, vector<16xf32>,
      %mul3A_648 = arith.mulf %get3A_647, %get3A_552 : vector<16xf32>
      %add3A_649 = arith.addf %mul3A_648, %get3A_556 : vector<16xf32>
      %add3A_650 = arith.constant 39600 : i32
      %add3A_651 = arith.addi %scan3A_548, %add3A_650 : i32
      %swap3A_652 = arith.index_cast %add3A_651 : i32 to index
      %swap3A_653 = tpu.vector_load %arg7[%swap3A_652] {strides = array<i32>} : memref<71280xf32, #tpu.memory_space<vmem>>, vector<16xf32>,
      tpu.vector_store %arg7[%swap3A_652], %add3A_649 {strides = array<i32>} : memref<71280xf32, #tpu.memory_space<vmem>>, vector<16xf32>,
      %add3A_654 = arith.constant 3120 : i32
      %add3A_655 = arith.addi %scan3A_547, %add3A_654 : i32
      %add3A_656 = arith.constant 480 : i32
      %add3A_657 = arith.addi %add3A_655, %add3A_656 : i32
      %add3A_658 = arith.constant 0 : i32
      %add3A_659 = arith.addi %add3A_657, %add3A_658 : i32
      %get3A_660 = arith.index_cast %add3A_659 : i32 to index
      %get3A_661 = tpu.vector_load %arg4[%get3A_660] {strides = array<i32>} : memref<9360xf32, #tpu.memory_space<vmem>>, vector<16xf32>,
      %mul3A_662 = arith.mulf %get3A_661, %get3A_552 : vector<16xf32>
      %add3A_663 = arith.addf %mul3A_662, %get3A_556 : vector<16xf32>
      %add3A_664 = arith.constant 42240 : i32
      %add3A_665 = arith.addi %scan3A_548, %add3A_664 : i32
      %swap3A_666 = arith.index_cast %add3A_665 : i32 to index
      %swap3A_667 = tpu.vector_load %arg7[%swap3A_666] {strides = array<i32>} : memref<71280xf32, #tpu.memory_space<vmem>>, vector<16xf32>,
      tpu.vector_store %arg7[%swap3A_666], %add3A_663 {strides = array<i32>} : memref<71280xf32, #tpu.memory_space<vmem>>, vector<16xf32>,
      %add3A_668 = arith.constant 3120 : i32
      %add3A_669 = arith.addi %scan3A_547, %add3A_668 : i32
      %add3A_670 = arith.constant 480 : i32
      %add3A_671 = arith.addi %add3A_669, %add3A_670 : i32
      %add3A_672 = arith.constant 1 : i32
      %add3A_673 = arith.addi %add3A_671, %add3A_672 : i32
      %get3A_674 = arith.index_cast %add3A_673 : i32 to index
      %get3A_675 = tpu.vector_load %arg4[%get3A_674] {strides = array<i32>} : memref<9360xf32, #tpu.memory_space<vmem>>, vector<16xf32>,
      %mul3A_676 = arith.mulf %get3A_675, %get3A_552 : vector<16xf32>
      %add3A_677 = arith.addf %mul3A_676, %get3A_556 : vector<16xf32>
      %add3A_678 = arith.constant 44880 : i32
      %add3A_679 = arith.addi %scan3A_548, %add3A_678 : i32
      %swap3A_680 = arith.index_cast %add3A_679 : i32 to index
      %swap3A_681 = tpu.vector_load %arg7[%swap3A_680] {strides = array<i32>} : memref<71280xf32, #tpu.memory_space<vmem>>, vector<16xf32>,
      tpu.vector_store %arg7[%swap3A_680], %add3A_677 {strides = array<i32>} : memref<71280xf32, #tpu.memory_space<vmem>>, vector<16xf32>,
      %eq3A = arith.constant 13 : i32
      %eq3A_682 = arith.cmpi eq, %scan3A_549, %eq3A : i32
      %jit3A = arith.constant 32 : i32
      %jit3A_683 = arith.constant 16 : i32
      %select_n3A = arith.select %eq3A_682, %jit3A, %jit3A_683 : i32
      %add3A_684 = arith.addi %scan3A_547, %select_n3A : i32
      %add3A_685 = arith.addi %scan3A_548, %select_n3A : i32
      %add3A_686 = arith.constant 1 : i32
      %add3A_687 = arith.addi %scan3A_549, %add3A_686 : i32
      %jit3A_688 = arith.constant 0 : i32
      %select_n3A_689 = arith.select %eq3A_682, %jit3A_688, %add3A_687 : i32
      scf.yield %add3A_684, %add3A_685, %select_n3A_689 : i32, i32, i32
    }
    %scan3A_526 = arith.constant 154 : i32
    %scan3A_527 = arith.constant 8 : i32
    %scan3A_528 = arith.constant 8 : i32
    %scan3A_529 = arith.constant 0 : i32
    %scan3A_530 = arith.constant 0 : i32
    %scan3A_531 = arith.constant 154 : i32
    %scan3A_532 = arith.addi %scan3A_530, %scan3A_531 : i32
    %scan3A_533 = arith.constant 1 : i32
    %scan3A_534:3 = scf.for %scan3A_546 = %scan3A_530 to %scan3A_532 step %scan3A_533 iter_args(%scan3A_547 = %scan3A_527, %scan3A_548 = %scan3A_528, %scan3A_549 = %scan3A_529) -> (i32, i32, i32)  : i32 {
      %add3A_550 = arith.constant 5280 : i32
      %add3A_551 = arith.addi %scan3A_548, %add3A_550 : i32
      %get3A = arith.index_cast %add3A_551 : i32 to index
      %get3A_552 = tpu.vector_load %arg5[%get3A] {strides = array<i32>} : memref<7920xf32, #tpu.memory_space<vmem>>, vector<16xf32>,
      %add3A_553 = arith.constant 5280 : i32
      %add3A_554 = arith.addi %scan3A_548, %add3A_553 : i32
      %get3A_555 = arith.index_cast %add3A_554 : i32 to index
      %get3A_556 = tpu.vector_load %arg6[%get3A_555] {strides = array<i32>} : memref<7920xf32, #tpu.memory_space<vmem>>, vector<16xf32>,
      %add3A_557 = arith.constant 6240 : i32
      %add3A_558 = arith.addi %scan3A_547, %add3A_557 : i32
      %add3A_559 = arith.constant 0 : i32
      %add3A_560 = arith.addi %add3A_558, %add3A_559 : i32
      %add3A_561 = arith.constant -1 : i32
      %add3A_562 = arith.addi %add3A_560, %add3A_561 : i32
      %get3A_563 = arith.index_cast %add3A_562 : i32 to index
      %get3A_564 = tpu.vector_load %arg4[%get3A_563] {strides = array<i32>} : memref<9360xf32, #tpu.memory_space<vmem>>, vector<16xf32>,
      %mul3A_565 = arith.mulf %get3A_564, %get3A_552 : vector<16xf32>
      %add3A_566 = arith.addf %mul3A_565, %get3A_556 : vector<16xf32>
      %add3A_567 = arith.constant 47520 : i32
      %add3A_568 = arith.addi %scan3A_548, %add3A_567 : i32
      %swap3A = arith.index_cast %add3A_568 : i32 to index
      %swap3A_569 = tpu.vector_load %arg7[%swap3A] {strides = array<i32>} : memref<71280xf32, #tpu.memory_space<vmem>>, vector<16xf32>,
      tpu.vector_store %arg7[%swap3A], %add3A_566 {strides = array<i32>} : memref<71280xf32, #tpu.memory_space<vmem>>, vector<16xf32>,
      %add3A_570 = arith.constant 6240 : i32
      %add3A_571 = arith.addi %scan3A_547, %add3A_570 : i32
      %add3A_572 = arith.constant 0 : i32
      %add3A_573 = arith.addi %add3A_571, %add3A_572 : i32
      %add3A_574 = arith.constant 0 : i32
      %add3A_575 = arith.addi %add3A_573, %add3A_574 : i32
      %get3A_576 = arith.index_cast %add3A_575 : i32 to index
      %get3A_577 = tpu.vector_load %arg4[%get3A_576] {strides = array<i32>} : memref<9360xf32, #tpu.memory_space<vmem>>, vector<16xf32>,
      %mul3A_578 = arith.mulf %get3A_577, %get3A_552 : vector<16xf32>
      %add3A_579 = arith.addf %mul3A_578, %get3A_556 : vector<16xf32>
      %add3A_580 = arith.constant 50160 : i32
      %add3A_581 = arith.addi %scan3A_548, %add3A_580 : i32
      %swap3A_582 = arith.index_cast %add3A_581 : i32 to index
      %swap3A_583 = tpu.vector_load %arg7[%swap3A_582] {strides = array<i32>} : memref<71280xf32, #tpu.memory_space<vmem>>, vector<16xf32>,
      tpu.vector_store %arg7[%swap3A_582], %add3A_579 {strides = array<i32>} : memref<71280xf32, #tpu.memory_space<vmem>>, vector<16xf32>,
      %add3A_584 = arith.constant 6240 : i32
      %add3A_585 = arith.addi %scan3A_547, %add3A_584 : i32
      %add3A_586 = arith.constant 0 : i32
      %add3A_587 = arith.addi %add3A_585, %add3A_586 : i32
      %add3A_588 = arith.constant 1 : i32
      %add3A_589 = arith.addi %add3A_587, %add3A_588 : i32
      %get3A_590 = arith.index_cast %add3A_589 : i32 to index
      %get3A_591 = tpu.vector_load %arg4[%get3A_590] {strides = array<i32>} : memref<9360xf32, #tpu.memory_space<vmem>>, vector<16xf32>,
      %mul3A_592 = arith.mulf %get3A_591, %get3A_552 : vector<16xf32>
      %add3A_593 = arith.addf %mul3A_592, %get3A_556 : vector<16xf32>
      %add3A_594 = arith.constant 52800 : i32
      %add3A_595 = arith.addi %scan3A_548, %add3A_594 : i32
      %swap3A_596 = arith.index_cast %add3A_595 : i32 to index
      %swap3A_597 = tpu.vector_load %arg7[%swap3A_596] {strides = array<i32>} : memref<71280xf32, #tpu.memory_space<vmem>>, vector<16xf32>,
      tpu.vector_store %arg7[%swap3A_596], %add3A_593 {strides = array<i32>} : memref<71280xf32, #tpu.memory_space<vmem>>, vector<16xf32>,
      %add3A_598 = arith.constant 6240 : i32
      %add3A_599 = arith.addi %scan3A_547, %add3A_598 : i32
      %add3A_600 = arith.constant 240 : i32
      %add3A_601 = arith.addi %add3A_599, %add3A_600 : i32
      %add3A_602 = arith.constant -1 : i32
      %add3A_603 = arith.addi %add3A_601, %add3A_602 : i32
      %get3A_604 = arith.index_cast %add3A_603 : i32 to index
      %get3A_605 = tpu.vector_load %arg4[%get3A_604] {strides = array<i32>} : memref<9360xf32, #tpu.memory_space<vmem>>, vector<16xf32>,
      %mul3A_606 = arith.mulf %get3A_605, %get3A_552 : vector<16xf32>
      %add3A_607 = arith.addf %mul3A_606, %get3A_556 : vector<16xf32>
      %add3A_608 = arith.constant 55440 : i32
      %add3A_609 = arith.addi %scan3A_548, %add3A_608 : i32
      %swap3A_610 = arith.index_cast %add3A_609 : i32 to index
      %swap3A_611 = tpu.vector_load %arg7[%swap3A_610] {strides = array<i32>} : memref<71280xf32, #tpu.memory_space<vmem>>, vector<16xf32>,
      tpu.vector_store %arg7[%swap3A_610], %add3A_607 {strides = array<i32>} : memref<71280xf32, #tpu.memory_space<vmem>>, vector<16xf32>,
      %add3A_612 = arith.constant 6240 : i32
      %add3A_613 = arith.addi %scan3A_547, %add3A_612 : i32
      %add3A_614 = arith.constant 240 : i32
      %add3A_615 = arith.addi %add3A_613, %add3A_614 : i32
      %add3A_616 = arith.constant 0 : i32
      %add3A_617 = arith.addi %add3A_615, %add3A_616 : i32
      %get3A_618 = arith.index_cast %add3A_617 : i32 to index
      %get3A_619 = tpu.vector_load %arg4[%get3A_618] {strides = array<i32>} : memref<9360xf32, #tpu.memory_space<vmem>>, vector<16xf32>,
      %mul3A_620 = arith.mulf %get3A_619, %get3A_552 : vector<16xf32>
      %add3A_621 = arith.addf %mul3A_620, %get3A_556 : vector<16xf32>
      %add3A_622 = arith.constant 58080 : i32
      %add3A_623 = arith.addi %scan3A_548, %add3A_622 : i32
      %swap3A_624 = arith.index_cast %add3A_623 : i32 to index
      %swap3A_625 = tpu.vector_load %arg7[%swap3A_624] {strides = array<i32>} : memref<71280xf32, #tpu.memory_space<vmem>>, vector<16xf32>,
      tpu.vector_store %arg7[%swap3A_624], %add3A_621 {strides = array<i32>} : memref<71280xf32, #tpu.memory_space<vmem>>, vector<16xf32>,
      %add3A_626 = arith.constant 6240 : i32
      %add3A_627 = arith.addi %scan3A_547, %add3A_626 : i32
      %add3A_628 = arith.constant 240 : i32
      %add3A_629 = arith.addi %add3A_627, %add3A_628 : i32
      %add3A_630 = arith.constant 1 : i32
      %add3A_631 = arith.addi %add3A_629, %add3A_630 : i32
      %get3A_632 = arith.index_cast %add3A_631 : i32 to index
      %get3A_633 = tpu.vector_load %arg4[%get3A_632] {strides = array<i32>} : memref<9360xf32, #tpu.memory_space<vmem>>, vector<16xf32>,
      %mul3A_634 = arith.mulf %get3A_633, %get3A_552 : vector<16xf32>
      %add3A_635 = arith.addf %mul3A_634, %get3A_556 : vector<16xf32>
      %add3A_636 = arith.constant 60720 : i32
      %add3A_637 = arith.addi %scan3A_548, %add3A_636 : i32
      %swap3A_638 = arith.index_cast %add3A_637 : i32 to index
      %swap3A_639 = tpu.vector_load %arg7[%swap3A_638] {strides = array<i32>} : memref<71280xf32, #tpu.memory_space<vmem>>, vector<16xf32>,
      tpu.vector_store %arg7[%swap3A_638], %add3A_635 {strides = array<i32>} : memref<71280xf32, #tpu.memory_space<vmem>>, vector<16xf32>,
      %add3A_640 = arith.constant 6240 : i32
      %add3A_641 = arith.addi %scan3A_547, %add3A_640 : i32
      %add3A_642 = arith.constant 480 : i32
      %add3A_643 = arith.addi %add3A_641, %add3A_642 : i32
      %add3A_644 = arith.constant -1 : i32
      %add3A_645 = arith.addi %add3A_643, %add3A_644 : i32
      %get3A_646 = arith.index_cast %add3A_645 : i32 to index
      %get3A_647 = tpu.vector_load %arg4[%get3A_646] {strides = array<i32>} : memref<9360xf32, #tpu.memory_space<vmem>>, vector<16xf32>,
      %mul3A_648 = arith.mulf %get3A_647, %get3A_552 : vector<16xf32>
      %add3A_649 = arith.addf %mul3A_648, %get3A_556 : vector<16xf32>
      %add3A_650 = arith.constant 63360 : i32
      %add3A_651 = arith.addi %scan3A_548, %add3A_650 : i32
      %swap3A_652 = arith.index_cast %add3A_651 : i32 to index
      %swap3A_653 = tpu.vector_load %arg7[%swap3A_652] {strides = array<i32>} : memref<71280xf32, #tpu.memory_space<vmem>>, vector<16xf32>,
      tpu.vector_store %arg7[%swap3A_652], %add3A_649 {strides = array<i32>} : memref<71280xf32, #tpu.memory_space<vmem>>, vector<16xf32>,
      %add3A_654 = arith.constant 6240 : i32
      %add3A_655 = arith.addi %scan3A_547, %add3A_654 : i32
      %add3A_656 = arith.constant 480 : i32
      %add3A_657 = arith.addi %add3A_655, %add3A_656 : i32
      %add3A_658 = arith.constant 0 : i32
      %add3A_659 = arith.addi %add3A_657, %add3A_658 : i32
      %get3A_660 = arith.index_cast %add3A_659 : i32 to index
      %get3A_661 = tpu.vector_load %arg4[%get3A_660] {strides = array<i32>} : memref<9360xf32, #tpu.memory_space<vmem>>, vector<16xf32>,
      %mul3A_662 = arith.mulf %get3A_661, %get3A_552 : vector<16xf32>
      %add3A_663 = arith.addf %mul3A_662, %get3A_556 : vector<16xf32>
      %add3A_664 = arith.constant 66000 : i32
      %add3A_665 = arith.addi %scan3A_548, %add3A_664 : i32
      %swap3A_666 = arith.index_cast %add3A_665 : i32 to index
      %swap3A_667 = tpu.vector_load %arg7[%swap3A_666] {strides = array<i32>} : memref<71280xf32, #tpu.memory_space<vmem>>, vector<16xf32>,
      tpu.vector_store %arg7[%swap3A_666], %add3A_663 {strides = array<i32>} : memref<71280xf32, #tpu.memory_space<vmem>>, vector<16xf32>,
      %add3A_668 = arith.constant 6240 : i32
      %add3A_669 = arith.addi %scan3A_547, %add3A_668 : i32
      %add3A_670 = arith.constant 480 : i32
      %add3A_671 = arith.addi %add3A_669, %add3A_670 : i32
      %add3A_672 = arith.constant 1 : i32
      %add3A_673 = arith.addi %add3A_671, %add3A_672 : i32
      %get3A_674 = arith.index_cast %add3A_673 : i32 to index
      %get3A_675 = tpu.vector_load %arg4[%get3A_674] {strides = array<i32>} : memref<9360xf32, #tpu.memory_space<vmem>>, vector<16xf32>,
      %mul3A_676 = arith.mulf %get3A_675, %get3A_552 : vector<16xf32>
      %add3A_677 = arith.addf %mul3A_676, %get3A_556 : vector<16xf32>
      %add3A_678 = arith.constant 68640 : i32
      %add3A_679 = arith.addi %scan3A_548, %add3A_678 : i32
      %swap3A_680 = arith.index_cast %add3A_679 : i32 to index
      %swap3A_681 = tpu.vector_load %arg7[%swap3A_680] {strides = array<i32>} : memref<71280xf32, #tpu.memory_space<vmem>>, vector<16xf32>,
      tpu.vector_store %arg7[%swap3A_680], %add3A_677 {strides = array<i32>} : memref<71280xf32, #tpu.memory_space<vmem>>, vector<16xf32>,
      %eq3A = arith.constant 13 : i32
      %eq3A_682 = arith.cmpi eq, %scan3A_549, %eq3A : i32
      %jit3A = arith.constant 32 : i32
      %jit3A_683 = arith.constant 16 : i32
      %select_n3A = arith.select %eq3A_682, %jit3A, %jit3A_683 : i32
      %add3A_684 = arith.addi %scan3A_547, %select_n3A : i32
      %add3A_685 = arith.addi %scan3A_548, %select_n3A : i32
      %add3A_686 = arith.constant 1 : i32
      %add3A_687 = arith.addi %scan3A_549, %add3A_686 : i32
      %jit3A_688 = arith.constant 0 : i32
      %select_n3A_689 = arith.select %eq3A_682, %jit3A_688, %add3A_687 : i32
      scf.yield %add3A_684, %add3A_685, %select_n3A_689 : i32, i32, i32
    }
    %scan3A_535 = arith.constant 154 : i32
    %iota3A = tpu.iota {dimensions = array<i32: 0>} : vector<16xi32>
    %scan3A_536 = arith.constant 8 : i32
    %scan3A_537 = arith.constant 0 : i32
    %scan3A_538 = arith.constant 0 : i32
    %scan3A_539 = arith.constant 14 : i32
    %scan3A_540 = arith.addi %scan3A_538, %scan3A_539 : i32
    %scan3A_541 = arith.constant 1 : i32
    %scan3A_542:2 = scf.for %scan3A_546 = %scan3A_538 to %scan3A_540 step %scan3A_541 iter_args(%scan3A_547 = %scan3A_536, %scan3A_548 = %scan3A_537) -> (i32, i32)  : i32 {
      %scan3A_549 = arith.constant 0 : i32
      %scan3A_550 = arith.constant 27 : i32
      %scan3A_551 = arith.addi %scan3A_549, %scan3A_550 : i32
      %scan3A_552 = arith.constant 1 : i32
      %scan3A_553:8 = scf.for %scan3A_808 = %scan3A_549 to %scan3A_551 step %scan3A_552 iter_args(%scan3A_809 = %broadcast_in_dim3A_3, %scan3A_810 = %broadcast_in_dim3A_3, %scan3A_811 = %broadcast_in_dim3A_3, %scan3A_812 = %broadcast_in_dim3A_3, %scan3A_813 = %broadcast_in_dim3A_3, %scan3A_814 = %broadcast_in_dim3A_3, %scan3A_815 = %broadcast_in_dim3A_3, %scan3A_816 = %scan3A_547) -> (vector<16xf32>, vector<16xf32>, vector<16xf32>, vector<16xf32>, vector<16xf32>, vector<16xf32>, vector<16xf32>, i32)  : i32 {
        %add3A_817 = arith.constant 0 : i32
        %add3A_818 = arith.addi %scan3A_816, %add3A_817 : i32
        %get3A = arith.index_cast %add3A_818 : i32 to index
        %get3A_819 = tpu.vector_load %arg7[%get3A] {strides = array<i32>} : memref<71280xf32, #tpu.memory_space<vmem>>, vector<16xf32>,
        %add3A_820 = arith.constant 0 : i32
        %add3A_821 = arith.addi %scan3A_816, %add3A_820 : i32
        %sub3A_822 = arith.constant 2 : i32
        %sub3A_823 = arith.subi %add3A_821, %sub3A_822 : i32
        %get3A_824 = arith.index_cast %sub3A_823 : i32 to index
        %get3A_825 = tpu.vector_load %arg7[%get3A_824] {strides = array<i32>} : memref<71280xf32, #tpu.memory_space<vmem>>, vector<16xf32>,
        %add3A_826 = arith.addf %get3A_819, %get3A_825 : vector<16xf32>
        %add3A_827 = arith.constant 0 : i32
        %add3A_828 = arith.addi %scan3A_816, %add3A_827 : i32
        %sub3A_829 = arith.constant 1 : i32
        %sub3A_830 = arith.subi %add3A_828, %sub3A_829 : i32
        %get3A_831 = arith.index_cast %sub3A_830 : i32 to index
        %get3A_832 = tpu.vector_load %arg7[%get3A_831] {strides = array<i32>} : memref<71280xf32, #tpu.memory_space<vmem>>, vector<16xf32>,
        %add3A_833 = arith.addf %add3A_826, %get3A_832 : vector<16xf32>
        %add3A_834 = arith.constant 0 : i32
        %add3A_835 = arith.addi %scan3A_816, %add3A_834 : i32
        %add3A_836 = arith.constant 1 : i32
        %add3A_837 = arith.addi %add3A_835, %add3A_836 : i32
        %get3A_838 = arith.index_cast %add3A_837 : i32 to index
        %get3A_839 = tpu.vector_load %arg7[%get3A_838] {strides = array<i32>} : memref<71280xf32, #tpu.memory_space<vmem>>, vector<16xf32>,
        %add3A_840 = arith.addf %add3A_833, %get3A_839 : vector<16xf32>
        %add3A_841 = arith.constant 0 : i32
        %add3A_842 = arith.addi %scan3A_816, %add3A_841 : i32
        %add3A_843 = arith.constant 2 : i32
        %add3A_844 = arith.addi %add3A_842, %add3A_843 : i32
        %get3A_845 = arith.index_cast %add3A_844 : i32 to index
        %get3A_846 = tpu.vector_load %arg7[%get3A_845] {strides = array<i32>} : memref<71280xf32, #tpu.memory_space<vmem>>, vector<16xf32>,
        %add3A_847 = arith.addf %add3A_840, %get3A_846 : vector<16xf32>
        %add3A_848 = arith.constant 240 : i32
        %add3A_849 = arith.addi %scan3A_816, %add3A_848 : i32
        %get3A_850 = arith.index_cast %add3A_849 : i32 to index
        %get3A_851 = tpu.vector_load %arg7[%get3A_850] {strides = array<i32>} : memref<71280xf32, #tpu.memory_space<vmem>>, vector<16xf32>,
        %add3A_852 = arith.constant 240 : i32
        %add3A_853 = arith.addi %scan3A_816, %add3A_852 : i32
        %sub3A_854 = arith.constant 2 : i32
        %sub3A_855 = arith.subi %add3A_853, %sub3A_854 : i32
        %get3A_856 = arith.index_cast %sub3A_855 : i32 to index
        %get3A_857 = tpu.vector_load %arg7[%get3A_856] {strides = array<i32>} : memref<71280xf32, #tpu.memory_space<vmem>>, vector<16xf32>,
        %add3A_858 = arith.addf %get3A_851, %get3A_857 : vector<16xf32>
        %add3A_859 = arith.constant 240 : i32
        %add3A_860 = arith.addi %scan3A_816, %add3A_859 : i32
        %sub3A_861 = arith.constant 1 : i32
        %sub3A_862 = arith.subi %add3A_860, %sub3A_861 : i32
        %get3A_863 = arith.index_cast %sub3A_862 : i32 to index
        %get3A_864 = tpu.vector_load %arg7[%get3A_863] {strides = array<i32>} : memref<71280xf32, #tpu.memory_space<vmem>>, vector<16xf32>,
        %add3A_865 = arith.addf %add3A_858, %get3A_864 : vector<16xf32>
        %add3A_866 = arith.constant 240 : i32
        %add3A_867 = arith.addi %scan3A_816, %add3A_866 : i32
        %add3A_868 = arith.constant 1 : i32
        %add3A_869 = arith.addi %add3A_867, %add3A_868 : i32
        %get3A_870 = arith.index_cast %add3A_869 : i32 to index
        %get3A_871 = tpu.vector_load %arg7[%get3A_870] {strides = array<i32>} : memref<71280xf32, #tpu.memory_space<vmem>>, vector<16xf32>,
        %add3A_872 = arith.addf %add3A_865, %get3A_871 : vector<16xf32>
        %add3A_873 = arith.constant 240 : i32
        %add3A_874 = arith.addi %scan3A_816, %add3A_873 : i32
        %add3A_875 = arith.constant 2 : i32
        %add3A_876 = arith.addi %add3A_874, %add3A_875 : i32
        %get3A_877 = arith.index_cast %add3A_876 : i32 to index
        %get3A_878 = tpu.vector_load %arg7[%get3A_877] {strides = array<i32>} : memref<71280xf32, #tpu.memory_space<vmem>>, vector<16xf32>,
        %add3A_879 = arith.addf %add3A_872, %get3A_878 : vector<16xf32>
        %add3A_880 = arith.constant 480 : i32
        %add3A_881 = arith.addi %scan3A_816, %add3A_880 : i32
        %get3A_882 = arith.index_cast %add3A_881 : i32 to index
        %get3A_883 = tpu.vector_load %arg7[%get3A_882] {strides = array<i32>} : memref<71280xf32, #tpu.memory_space<vmem>>, vector<16xf32>,
        %add3A_884 = arith.constant 480 : i32
        %add3A_885 = arith.addi %scan3A_816, %add3A_884 : i32
        %sub3A_886 = arith.constant 2 : i32
        %sub3A_887 = arith.subi %add3A_885, %sub3A_886 : i32
        %get3A_888 = arith.index_cast %sub3A_887 : i32 to index
        %get3A_889 = tpu.vector_load %arg7[%get3A_888] {strides = array<i32>} : memref<71280xf32, #tpu.memory_space<vmem>>, vector<16xf32>,
        %add3A_890 = arith.addf %get3A_883, %get3A_889 : vector<16xf32>
        %add3A_891 = arith.constant 480 : i32
        %add3A_892 = arith.addi %scan3A_816, %add3A_891 : i32
        %sub3A_893 = arith.constant 1 : i32
        %sub3A_894 = arith.subi %add3A_892, %sub3A_893 : i32
        %get3A_895 = arith.index_cast %sub3A_894 : i32 to index
        %get3A_896 = tpu.vector_load %arg7[%get3A_895] {strides = array<i32>} : memref<71280xf32, #tpu.memory_space<vmem>>, vector<16xf32>,
        %add3A_897 = arith.addf %add3A_890, %get3A_896 : vector<16xf32>
        %add3A_898 = arith.constant 480 : i32
        %add3A_899 = arith.addi %scan3A_816, %add3A_898 : i32
        %add3A_900 = arith.constant 1 : i32
        %add3A_901 = arith.addi %add3A_899, %add3A_900 : i32
        %get3A_902 = arith.index_cast %add3A_901 : i32 to index
        %get3A_903 = tpu.vector_load %arg7[%get3A_902] {strides = array<i32>} : memref<71280xf32, #tpu.memory_space<vmem>>, vector<16xf32>,
        %add3A_904 = arith.addf %add3A_897, %get3A_903 : vector<16xf32>
        %add3A_905 = arith.constant 480 : i32
        %add3A_906 = arith.addi %scan3A_816, %add3A_905 : i32
        %add3A_907 = arith.constant 2 : i32
        %add3A_908 = arith.addi %add3A_906, %add3A_907 : i32
        %get3A_909 = arith.index_cast %add3A_908 : i32 to index
        %get3A_910 = tpu.vector_load %arg7[%get3A_909] {strides = array<i32>} : memref<71280xf32, #tpu.memory_space<vmem>>, vector<16xf32>,
        %add3A_911 = arith.addf %add3A_904, %get3A_910 : vector<16xf32>
        %add3A_912 = arith.constant 720 : i32
        %add3A_913 = arith.addi %scan3A_816, %add3A_912 : i32
        %get3A_914 = arith.index_cast %add3A_913 : i32 to index
        %get3A_915 = tpu.vector_load %arg7[%get3A_914] {strides = array<i32>} : memref<71280xf32, #tpu.memory_space<vmem>>, vector<16xf32>,
        %add3A_916 = arith.constant 720 : i32
        %add3A_917 = arith.addi %scan3A_816, %add3A_916 : i32
        %sub3A_918 = arith.constant 2 : i32
        %sub3A_919 = arith.subi %add3A_917, %sub3A_918 : i32
        %get3A_920 = arith.index_cast %sub3A_919 : i32 to index
        %get3A_921 = tpu.vector_load %arg7[%get3A_920] {strides = array<i32>} : memref<71280xf32, #tpu.memory_space<vmem>>, vector<16xf32>,
        %add3A_922 = arith.addf %get3A_915, %get3A_921 : vector<16xf32>
        %add3A_923 = arith.constant 720 : i32
        %add3A_924 = arith.addi %scan3A_816, %add3A_923 : i32
        %sub3A_925 = arith.constant 1 : i32
        %sub3A_926 = arith.subi %add3A_924, %sub3A_925 : i32
        %get3A_927 = arith.index_cast %sub3A_926 : i32 to index
        %get3A_928 = tpu.vector_load %arg7[%get3A_927] {strides = array<i32>} : memref<71280xf32, #tpu.memory_space<vmem>>, vector<16xf32>,
        %add3A_929 = arith.addf %add3A_922, %get3A_928 : vector<16xf32>
        %add3A_930 = arith.constant 720 : i32
        %add3A_931 = arith.addi %scan3A_816, %add3A_930 : i32
        %add3A_932 = arith.constant 1 : i32
        %add3A_933 = arith.addi %add3A_931, %add3A_932 : i32
        %get3A_934 = arith.index_cast %add3A_933 : i32 to index
        %get3A_935 = tpu.vector_load %arg7[%get3A_934] {strides = array<i32>} : memref<71280xf32, #tpu.memory_space<vmem>>, vector<16xf32>,
        %add3A_936 = arith.addf %add3A_929, %get3A_935 : vector<16xf32>
        %add3A_937 = arith.constant 720 : i32
        %add3A_938 = arith.addi %scan3A_816, %add3A_937 : i32
        %add3A_939 = arith.constant 2 : i32
        %add3A_940 = arith.addi %add3A_938, %add3A_939 : i32
        %get3A_941 = arith.index_cast %add3A_940 : i32 to index
        %get3A_942 = tpu.vector_load %arg7[%get3A_941] {strides = array<i32>} : memref<71280xf32, #tpu.memory_space<vmem>>, vector<16xf32>,
        %add3A_943 = arith.addf %add3A_936, %get3A_942 : vector<16xf32>
        %add3A_944 = arith.constant 960 : i32
        %add3A_945 = arith.addi %scan3A_816, %add3A_944 : i32
        %get3A_946 = arith.index_cast %add3A_945 : i32 to index
        %get3A_947 = tpu.vector_load %arg7[%get3A_946] {strides = array<i32>} : memref<71280xf32, #tpu.memory_space<vmem>>, vector<16xf32>,
        %add3A_948 = arith.constant 960 : i32
        %add3A_949 = arith.addi %scan3A_816, %add3A_948 : i32
        %sub3A_950 = arith.constant 2 : i32
        %sub3A_951 = arith.subi %add3A_949, %sub3A_950 : i32
        %get3A_952 = arith.index_cast %sub3A_951 : i32 to index
        %get3A_953 = tpu.vector_load %arg7[%get3A_952] {strides = array<i32>} : memref<71280xf32, #tpu.memory_space<vmem>>, vector<16xf32>,
        %add3A_954 = arith.addf %get3A_947, %get3A_953 : vector<16xf32>
        %add3A_955 = arith.constant 960 : i32
        %add3A_956 = arith.addi %scan3A_816, %add3A_955 : i32
        %sub3A_957 = arith.constant 1 : i32
        %sub3A_958 = arith.subi %add3A_956, %sub3A_957 : i32
        %get3A_959 = arith.index_cast %sub3A_958 : i32 to index
        %get3A_960 = tpu.vector_load %arg7[%get3A_959] {strides = array<i32>} : memref<71280xf32, #tpu.memory_space<vmem>>, vector<16xf32>,
        %add3A_961 = arith.addf %add3A_954, %get3A_960 : vector<16xf32>
        %add3A_962 = arith.constant 960 : i32
        %add3A_963 = arith.addi %scan3A_816, %add3A_962 : i32
        %add3A_964 = arith.constant 1 : i32
        %add3A_965 = arith.addi %add3A_963, %add3A_964 : i32
        %get3A_966 = arith.index_cast %add3A_965 : i32 to index
        %get3A_967 = tpu.vector_load %arg7[%get3A_966] {strides = array<i32>} : memref<71280xf32, #tpu.memory_space<vmem>>, vector<16xf32>,
        %add3A_968 = arith.addf %add3A_961, %get3A_967 : vector<16xf32>
        %add3A_969 = arith.constant 960 : i32
        %add3A_970 = arith.addi %scan3A_816, %add3A_969 : i32
        %add3A_971 = arith.constant 2 : i32
        %add3A_972 = arith.addi %add3A_970, %add3A_971 : i32
        %get3A_973 = arith.index_cast %add3A_972 : i32 to index
        %get3A_974 = tpu.vector_load %arg7[%get3A_973] {strides = array<i32>} : memref<71280xf32, #tpu.memory_space<vmem>>, vector<16xf32>,
        %add3A_975 = arith.addf %add3A_968, %get3A_974 : vector<16xf32>
        %add3A_976 = arith.constant 1200 : i32
        %add3A_977 = arith.addi %scan3A_816, %add3A_976 : i32
        %get3A_978 = arith.index_cast %add3A_977 : i32 to index
        %get3A_979 = tpu.vector_load %arg7[%get3A_978] {strides = array<i32>} : memref<71280xf32, #tpu.memory_space<vmem>>, vector<16xf32>,
        %add3A_980 = arith.constant 1200 : i32
        %add3A_981 = arith.addi %scan3A_816, %add3A_980 : i32
        %sub3A_982 = arith.constant 2 : i32
        %sub3A_983 = arith.subi %add3A_981, %sub3A_982 : i32
        %get3A_984 = arith.index_cast %sub3A_983 : i32 to index
        %get3A_985 = tpu.vector_load %arg7[%get3A_984] {strides = array<i32>} : memref<71280xf32, #tpu.memory_space<vmem>>, vector<16xf32>,
        %add3A_986 = arith.addf %get3A_979, %get3A_985 : vector<16xf32>
        %add3A_987 = arith.constant 1200 : i32
        %add3A_988 = arith.addi %scan3A_816, %add3A_987 : i32
        %sub3A_989 = arith.constant 1 : i32
        %sub3A_990 = arith.subi %add3A_988, %sub3A_989 : i32
        %get3A_991 = arith.index_cast %sub3A_990 : i32 to index
        %get3A_992 = tpu.vector_load %arg7[%get3A_991] {strides = array<i32>} : memref<71280xf32, #tpu.memory_space<vmem>>, vector<16xf32>,
        %add3A_993 = arith.addf %add3A_986, %get3A_992 : vector<16xf32>
        %add3A_994 = arith.constant 1200 : i32
        %add3A_995 = arith.addi %scan3A_816, %add3A_994 : i32
        %add3A_996 = arith.constant 1 : i32
        %add3A_997 = arith.addi %add3A_995, %add3A_996 : i32
        %get3A_998 = arith.index_cast %add3A_997 : i32 to index
        %get3A_999 = tpu.vector_load %arg7[%get3A_998] {strides = array<i32>} : memref<71280xf32, #tpu.memory_space<vmem>>, vector<16xf32>,
        %add3A_1000 = arith.addf %add3A_993, %get3A_999 : vector<16xf32>
        %add3A_1001 = arith.constant 1200 : i32
        %add3A_1002 = arith.addi %scan3A_816, %add3A_1001 : i32
        %add3A_1003 = arith.constant 2 : i32
        %add3A_1004 = arith.addi %add3A_1002, %add3A_1003 : i32
        %get3A_1005 = arith.index_cast %add3A_1004 : i32 to index
        %get3A_1006 = tpu.vector_load %arg7[%get3A_1005] {strides = array<i32>} : memref<71280xf32, #tpu.memory_space<vmem>>, vector<16xf32>,
        %add3A_1007 = arith.addf %add3A_1000, %get3A_1006 : vector<16xf32>
        %add3A_1008 = arith.constant 1440 : i32
        %add3A_1009 = arith.addi %scan3A_816, %add3A_1008 : i32
        %get3A_1010 = arith.index_cast %add3A_1009 : i32 to index
        %get3A_1011 = tpu.vector_load %arg7[%get3A_1010] {strides = array<i32>} : memref<71280xf32, #tpu.memory_space<vmem>>, vector<16xf32>,
        %add3A_1012 = arith.constant 1440 : i32
        %add3A_1013 = arith.addi %scan3A_816, %add3A_1012 : i32
        %sub3A_1014 = arith.constant 2 : i32
        %sub3A_1015 = arith.subi %add3A_1013, %sub3A_1014 : i32
        %get3A_1016 = arith.index_cast %sub3A_1015 : i32 to index
        %get3A_1017 = tpu.vector_load %arg7[%get3A_1016] {strides = array<i32>} : memref<71280xf32, #tpu.memory_space<vmem>>, vector<16xf32>,
        %add3A_1018 = arith.addf %get3A_1011, %get3A_1017 : vector<16xf32>
        %add3A_1019 = arith.constant 1440 : i32
        %add3A_1020 = arith.addi %scan3A_816, %add3A_1019 : i32
        %sub3A_1021 = arith.constant 1 : i32
        %sub3A_1022 = arith.subi %add3A_1020, %sub3A_1021 : i32
        %get3A_1023 = arith.index_cast %sub3A_1022 : i32 to index
        %get3A_1024 = tpu.vector_load %arg7[%get3A_1023] {strides = array<i32>} : memref<71280xf32, #tpu.memory_space<vmem>>, vector<16xf32>,
        %add3A_1025 = arith.addf %add3A_1018, %get3A_1024 : vector<16xf32>
        %add3A_1026 = arith.constant 1440 : i32
        %add3A_1027 = arith.addi %scan3A_816, %add3A_1026 : i32
        %add3A_1028 = arith.constant 1 : i32
        %add3A_1029 = arith.addi %add3A_1027, %add3A_1028 : i32
        %get3A_1030 = arith.index_cast %add3A_1029 : i32 to index
        %get3A_1031 = tpu.vector_load %arg7[%get3A_1030] {strides = array<i32>} : memref<71280xf32, #tpu.memory_space<vmem>>, vector<16xf32>,
        %add3A_1032 = arith.addf %add3A_1025, %get3A_1031 : vector<16xf32>
        %add3A_1033 = arith.constant 1440 : i32
        %add3A_1034 = arith.addi %scan3A_816, %add3A_1033 : i32
        %add3A_1035 = arith.constant 2 : i32
        %add3A_1036 = arith.addi %add3A_1034, %add3A_1035 : i32
        %get3A_1037 = arith.index_cast %add3A_1036 : i32 to index
        %get3A_1038 = tpu.vector_load %arg7[%get3A_1037] {strides = array<i32>} : memref<71280xf32, #tpu.memory_space<vmem>>, vector<16xf32>,
        %add3A_1039 = arith.addf %add3A_1032, %get3A_1038 : vector<16xf32>
        %add3A_1040 = arith.constant 1680 : i32
        %add3A_1041 = arith.addi %scan3A_816, %add3A_1040 : i32
        %get3A_1042 = arith.index_cast %add3A_1041 : i32 to index
        %get3A_1043 = tpu.vector_load %arg7[%get3A_1042] {strides = array<i32>} : memref<71280xf32, #tpu.memory_space<vmem>>, vector<16xf32>,
        %add3A_1044 = arith.constant 1680 : i32
        %add3A_1045 = arith.addi %scan3A_816, %add3A_1044 : i32
        %sub3A_1046 = arith.constant 2 : i32
        %sub3A_1047 = arith.subi %add3A_1045, %sub3A_1046 : i32
        %get3A_1048 = arith.index_cast %sub3A_1047 : i32 to index
        %get3A_1049 = tpu.vector_load %arg7[%get3A_1048] {strides = array<i32>} : memref<71280xf32, #tpu.memory_space<vmem>>, vector<16xf32>,
        %add3A_1050 = arith.addf %get3A_1043, %get3A_1049 : vector<16xf32>
        %add3A_1051 = arith.constant 1680 : i32
        %add3A_1052 = arith.addi %scan3A_816, %add3A_1051 : i32
        %sub3A_1053 = arith.constant 1 : i32
        %sub3A_1054 = arith.subi %add3A_1052, %sub3A_1053 : i32
        %get3A_1055 = arith.index_cast %sub3A_1054 : i32 to index
        %get3A_1056 = tpu.vector_load %arg7[%get3A_1055] {strides = array<i32>} : memref<71280xf32, #tpu.memory_space<vmem>>, vector<16xf32>,
        %add3A_1057 = arith.addf %add3A_1050, %get3A_1056 : vector<16xf32>
        %add3A_1058 = arith.constant 1680 : i32
        %add3A_1059 = arith.addi %scan3A_816, %add3A_1058 : i32
        %add3A_1060 = arith.constant 1 : i32
        %add3A_1061 = arith.addi %add3A_1059, %add3A_1060 : i32
        %get3A_1062 = arith.index_cast %add3A_1061 : i32 to index
        %get3A_1063 = tpu.vector_load %arg7[%get3A_1062] {strides = array<i32>} : memref<71280xf32, #tpu.memory_space<vmem>>, vector<16xf32>,
        %add3A_1064 = arith.addf %add3A_1057, %get3A_1063 : vector<16xf32>
        %add3A_1065 = arith.constant 1680 : i32
        %add3A_1066 = arith.addi %scan3A_816, %add3A_1065 : i32
        %add3A_1067 = arith.constant 2 : i32
        %add3A_1068 = arith.addi %add3A_1066, %add3A_1067 : i32
        %get3A_1069 = arith.index_cast %add3A_1068 : i32 to index
        %get3A_1070 = tpu.vector_load %arg7[%get3A_1069] {strides = array<i32>} : memref<71280xf32, #tpu.memory_space<vmem>>, vector<16xf32>,
        %add3A_1071 = arith.addf %add3A_1064, %get3A_1070 : vector<16xf32>
        %add3A_1072 = arith.constant 1920 : i32
        %add3A_1073 = arith.addi %scan3A_816, %add3A_1072 : i32
        %get3A_1074 = arith.index_cast %add3A_1073 : i32 to index
        %get3A_1075 = tpu.vector_load %arg7[%get3A_1074] {strides = array<i32>} : memref<71280xf32, #tpu.memory_space<vmem>>, vector<16xf32>,
        %add3A_1076 = arith.constant 1920 : i32
        %add3A_1077 = arith.addi %scan3A_816, %add3A_1076 : i32
        %sub3A_1078 = arith.constant 2 : i32
        %sub3A_1079 = arith.subi %add3A_1077, %sub3A_1078 : i32
        %get3A_1080 = arith.index_cast %sub3A_1079 : i32 to index
        %get3A_1081 = tpu.vector_load %arg7[%get3A_1080] {strides = array<i32>} : memref<71280xf32, #tpu.memory_space<vmem>>, vector<16xf32>,
        %add3A_1082 = arith.addf %get3A_1075, %get3A_1081 : vector<16xf32>
        %add3A_1083 = arith.constant 1920 : i32
        %add3A_1084 = arith.addi %scan3A_816, %add3A_1083 : i32
        %sub3A_1085 = arith.constant 1 : i32
        %sub3A_1086 = arith.subi %add3A_1084, %sub3A_1085 : i32
        %get3A_1087 = arith.index_cast %sub3A_1086 : i32 to index
        %get3A_1088 = tpu.vector_load %arg7[%get3A_1087] {strides = array<i32>} : memref<71280xf32, #tpu.memory_space<vmem>>, vector<16xf32>,
        %add3A_1089 = arith.addf %add3A_1082, %get3A_1088 : vector<16xf32>
        %add3A_1090 = arith.constant 1920 : i32
        %add3A_1091 = arith.addi %scan3A_816, %add3A_1090 : i32
        %add3A_1092 = arith.constant 1 : i32
        %add3A_1093 = arith.addi %add3A_1091, %add3A_1092 : i32
        %get3A_1094 = arith.index_cast %add3A_1093 : i32 to index
        %get3A_1095 = tpu.vector_load %arg7[%get3A_1094] {strides = array<i32>} : memref<71280xf32, #tpu.memory_space<vmem>>, vector<16xf32>,
        %add3A_1096 = arith.addf %add3A_1089, %get3A_1095 : vector<16xf32>
        %add3A_1097 = arith.constant 1920 : i32
        %add3A_1098 = arith.addi %scan3A_816, %add3A_1097 : i32
        %add3A_1099 = arith.constant 2 : i32
        %add3A_1100 = arith.addi %add3A_1098, %add3A_1099 : i32
        %get3A_1101 = arith.index_cast %add3A_1100 : i32 to index
        %get3A_1102 = tpu.vector_load %arg7[%get3A_1101] {strides = array<i32>} : memref<71280xf32, #tpu.memory_space<vmem>>, vector<16xf32>,
        %add3A_1103 = arith.addf %add3A_1096, %get3A_1102 : vector<16xf32>
        %add3A_1104 = arith.constant 2160 : i32
        %add3A_1105 = arith.addi %scan3A_816, %add3A_1104 : i32
        %get3A_1106 = arith.index_cast %add3A_1105 : i32 to index
        %get3A_1107 = tpu.vector_load %arg7[%get3A_1106] {strides = array<i32>} : memref<71280xf32, #tpu.memory_space<vmem>>, vector<16xf32>,
        %add3A_1108 = arith.constant 2160 : i32
        %add3A_1109 = arith.addi %scan3A_816, %add3A_1108 : i32
        %sub3A_1110 = arith.constant 2 : i32
        %sub3A_1111 = arith.subi %add3A_1109, %sub3A_1110 : i32
        %get3A_1112 = arith.index_cast %sub3A_1111 : i32 to index
        %get3A_1113 = tpu.vector_load %arg7[%get3A_1112] {strides = array<i32>} : memref<71280xf32, #tpu.memory_space<vmem>>, vector<16xf32>,
        %add3A_1114 = arith.addf %get3A_1107, %get3A_1113 : vector<16xf32>
        %add3A_1115 = arith.constant 2160 : i32
        %add3A_1116 = arith.addi %scan3A_816, %add3A_1115 : i32
        %sub3A_1117 = arith.constant 1 : i32
        %sub3A_1118 = arith.subi %add3A_1116, %sub3A_1117 : i32
        %get3A_1119 = arith.index_cast %sub3A_1118 : i32 to index
        %get3A_1120 = tpu.vector_load %arg7[%get3A_1119] {strides = array<i32>} : memref<71280xf32, #tpu.memory_space<vmem>>, vector<16xf32>,
        %add3A_1121 = arith.addf %add3A_1114, %get3A_1120 : vector<16xf32>
        %add3A_1122 = arith.constant 2160 : i32
        %add3A_1123 = arith.addi %scan3A_816, %add3A_1122 : i32
        %add3A_1124 = arith.constant 1 : i32
        %add3A_1125 = arith.addi %add3A_1123, %add3A_1124 : i32
        %get3A_1126 = arith.index_cast %add3A_1125 : i32 to index
        %get3A_1127 = tpu.vector_load %arg7[%get3A_1126] {strides = array<i32>} : memref<71280xf32, #tpu.memory_space<vmem>>, vector<16xf32>,
        %add3A_1128 = arith.addf %add3A_1121, %get3A_1127 : vector<16xf32>
        %add3A_1129 = arith.constant 2160 : i32
        %add3A_1130 = arith.addi %scan3A_816, %add3A_1129 : i32
        %add3A_1131 = arith.constant 2 : i32
        %add3A_1132 = arith.addi %add3A_1130, %add3A_1131 : i32
        %get3A_1133 = arith.index_cast %add3A_1132 : i32 to index
        %get3A_1134 = tpu.vector_load %arg7[%get3A_1133] {strides = array<i32>} : memref<71280xf32, #tpu.memory_space<vmem>>, vector<16xf32>,
        %add3A_1135 = arith.addf %add3A_1128, %get3A_1134 : vector<16xf32>
        %add3A_1136 = arith.constant 2400 : i32
        %add3A_1137 = arith.addi %scan3A_816, %add3A_1136 : i32
        %get3A_1138 = arith.index_cast %add3A_1137 : i32 to index
        %get3A_1139 = tpu.vector_load %arg7[%get3A_1138] {strides = array<i32>} : memref<71280xf32, #tpu.memory_space<vmem>>, vector<16xf32>,
        %add3A_1140 = arith.constant 2400 : i32
        %add3A_1141 = arith.addi %scan3A_816, %add3A_1140 : i32
        %sub3A_1142 = arith.constant 2 : i32
        %sub3A_1143 = arith.subi %add3A_1141, %sub3A_1142 : i32
        %get3A_1144 = arith.index_cast %sub3A_1143 : i32 to index
        %get3A_1145 = tpu.vector_load %arg7[%get3A_1144] {strides = array<i32>} : memref<71280xf32, #tpu.memory_space<vmem>>, vector<16xf32>,
        %add3A_1146 = arith.addf %get3A_1139, %get3A_1145 : vector<16xf32>
        %add3A_1147 = arith.constant 2400 : i32
        %add3A_1148 = arith.addi %scan3A_816, %add3A_1147 : i32
        %sub3A_1149 = arith.constant 1 : i32
        %sub3A_1150 = arith.subi %add3A_1148, %sub3A_1149 : i32
        %get3A_1151 = arith.index_cast %sub3A_1150 : i32 to index
        %get3A_1152 = tpu.vector_load %arg7[%get3A_1151] {strides = array<i32>} : memref<71280xf32, #tpu.memory_space<vmem>>, vector<16xf32>,
        %add3A_1153 = arith.addf %add3A_1146, %get3A_1152 : vector<16xf32>
        %add3A_1154 = arith.constant 2400 : i32
        %add3A_1155 = arith.addi %scan3A_816, %add3A_1154 : i32
        %add3A_1156 = arith.constant 1 : i32
        %add3A_1157 = arith.addi %add3A_1155, %add3A_1156 : i32
        %get3A_1158 = arith.index_cast %add3A_1157 : i32 to index
        %get3A_1159 = tpu.vector_load %arg7[%get3A_1158] {strides = array<i32>} : memref<71280xf32, #tpu.memory_space<vmem>>, vector<16xf32>,
        %add3A_1160 = arith.addf %add3A_1153, %get3A_1159 : vector<16xf32>
        %add3A_1161 = arith.constant 2400 : i32
        %add3A_1162 = arith.addi %scan3A_816, %add3A_1161 : i32
        %add3A_1163 = arith.constant 2 : i32
        %add3A_1164 = arith.addi %add3A_1162, %add3A_1163 : i32
        %get3A_1165 = arith.index_cast %add3A_1164 : i32 to index
        %get3A_1166 = tpu.vector_load %arg7[%get3A_1165] {strides = array<i32>} : memref<71280xf32, #tpu.memory_space<vmem>>, vector<16xf32>,
        %add3A_1167 = arith.addf %add3A_1160, %get3A_1166 : vector<16xf32>
        %add3A_1168 = arith.addf %add3A_847, %add3A_879 : vector<16xf32>
        %add3A_1169 = arith.addf %add3A_1168, %add3A_911 : vector<16xf32>
        %add3A_1170 = arith.addf %add3A_1169, %add3A_943 : vector<16xf32>
        %add3A_1171 = arith.addf %add3A_1170, %add3A_975 : vector<16xf32>
        %mul3A_1172 = arith.mulf %get3A_883, %add3A_1171 : vector<16xf32>
        %add3A_1173 = arith.addf %scan3A_809, %mul3A_1172 : vector<16xf32>
        %add3A_1174 = arith.addf %add3A_1171, %add3A_1007 : vector<16xf32>
        %sub3A_1175 = arith.subf %add3A_1174, %add3A_847 : vector<16xf32>
        %mul3A_1176 = arith.mulf %get3A_915, %sub3A_1175 : vector<16xf32>
        %add3A_1177 = arith.addf %scan3A_810, %mul3A_1176 : vector<16xf32>
        %add3A_1178 = arith.addf %sub3A_1175, %add3A_1039 : vector<16xf32>
        %sub3A_1179 = arith.subf %add3A_1178, %add3A_879 : vector<16xf32>
        %mul3A_1180 = arith.mulf %get3A_947, %sub3A_1179 : vector<16xf32>
        %add3A_1181 = arith.addf %scan3A_811, %mul3A_1180 : vector<16xf32>
        %add3A_1182 = arith.addf %sub3A_1179, %add3A_1071 : vector<16xf32>
        %sub3A_1183 = arith.subf %add3A_1182, %add3A_911 : vector<16xf32>
        %mul3A_1184 = arith.mulf %get3A_979, %sub3A_1183 : vector<16xf32>
        %add3A_1185 = arith.addf %scan3A_812, %mul3A_1184 : vector<16xf32>
        %add3A_1186 = arith.addf %sub3A_1183, %add3A_1103 : vector<16xf32>
        %sub3A_1187 = arith.subf %add3A_1186, %add3A_943 : vector<16xf32>
        %mul3A_1188 = arith.mulf %get3A_1011, %sub3A_1187 : vector<16xf32>
        %add3A_1189 = arith.addf %scan3A_813, %mul3A_1188 : vector<16xf32>
        %add3A_1190 = arith.addf %sub3A_1187, %add3A_1135 : vector<16xf32>
        %sub3A_1191 = arith.subf %add3A_1190, %add3A_975 : vector<16xf32>
        %mul3A_1192 = arith.mulf %get3A_1043, %sub3A_1191 : vector<16xf32>
        %add3A_1193 = arith.addf %scan3A_814, %mul3A_1192 : vector<16xf32>
        %add3A_1194 = arith.addf %sub3A_1191, %add3A_1167 : vector<16xf32>
        %sub3A_1195 = arith.subf %add3A_1194, %add3A_1007 : vector<16xf32>
        %mul3A_1196 = arith.mulf %get3A_1075, %sub3A_1195 : vector<16xf32>
        %add3A_1197 = arith.addf %scan3A_815, %mul3A_1196 : vector<16xf32>
        %add3A_1198 = arith.constant 2640 : i32
        %add3A_1199 = arith.addi %scan3A_816, %add3A_1198 : i32
        scf.yield %add3A_1173, %add3A_1177, %add3A_1181, %add3A_1185, %add3A_1189, %add3A_1193, %add3A_1197, %add3A_1199 : vector<16xf32>, vector<16xf32>, vector<16xf32>, vector<16xf32>, vector<16xf32>, vector<16xf32>, vector<16xf32>, i32
      }
      %scan3A_554 = arith.constant 27 : i32
      %sub3A_555 = arith.constant 8 : i32
      %sub3A_556 = arith.subi %scan3A_547, %sub3A_555 : i32
      %add3A_557 = vector.broadcast %sub3A_556 : i32 to vector<16xi32>
      %add3A_558 = arith.addi %iota3A, %add3A_557 : vector<16xi32>
      %add3A_559 = arith.constant 2 : i32
      %add3A_560 = vector.broadcast %add3A_559 : i32 to vector<16xi32>
      %add3A_561 = arith.addi %add3A_558, %add3A_560 : vector<16xi32>
      %min3A_562 = arith.constant 223 : i32
      %min3A_563 = vector.broadcast %min3A_562 : i32 to vector<16xi32>
      %min3A_564 = arith.minsi %add3A_561, %min3A_563 : vector<16xi32>
      %sub3A_565 = arith.constant 2 : i32
      %sub3A_566 = vector.broadcast %sub3A_565 : i32 to vector<16xi32>
      %sub3A_567 = arith.subi %add3A_558, %sub3A_566 : vector<16xi32>
      %max3A_568 = arith.constant 0 : i32
      %max3A_569 = vector.broadcast %max3A_568 : i32 to vector<16xi32>
      %max3A_570 = arith.maxsi %sub3A_567, %max3A_569 : vector<16xi32>
      %sub3A_571 = arith.subi %min3A_564, %max3A_570 : vector<16xi32>
      %add3A_572 = arith.constant 1 : i32
      %add3A_573 = vector.broadcast %add3A_572 : i32 to vector<16xi32>
      %add3A_574 = arith.addi %sub3A_571, %add3A_573 : vector<16xi32>
      %add3A_575 = arith.constant 0 : i32
      %add3A_576 = arith.addi %mul3A_2, %add3A_575 : i32
      %add3A_577 = arith.constant 2 : i32
      %add3A_578 = arith.addi %add3A_576, %add3A_577 : i32
      %min3A_579 = arith.constant 223 : i32
      %min3A_580 = arith.minsi %add3A_578, %min3A_579 : i32
      %sub3A_581 = arith.constant 2 : i32
      %sub3A_582 = arith.subi %add3A_576, %sub3A_581 : i32
      %max3A_583 = arith.constant 0 : i32
      %max3A_584 = arith.maxsi %sub3A_582, %max3A_583 : i32
      %sub3A_585 = arith.subi %min3A_580, %max3A_584 : i32
      %add3A_586 = arith.constant 1 : i32
      %add3A_587 = arith.addi %sub3A_585, %add3A_586 : i32
      %mul3A_588 = vector.broadcast %add3A_587 : i32 to vector<16xi32>
      %mul3A_589 = arith.muli %mul3A_588, %add3A_574 : vector<16xi32>
      %sub3A_590 = arith.constant 1 : i32
      %sub3A_591 = vector.broadcast %sub3A_590 : i32 to vector<16xi32>
      %sub3A_592 = arith.subi %mul3A_589, %sub3A_591 : vector<16xi32>
      %convert_element_type3A_593 = arith.sitofp %sub3A_592 : vector<16xi32> to vector<16xf32>
      %sub3A_594 = arith.constant 1.000000e+00 : f32
      %sub3A_595 = vector.broadcast %sub3A_594 : f32 to vector<16xf32>
      %sub3A_596 = arith.subf %scan3A_553#0, %sub3A_595 : vector<16xf32>
      %mul3A_597 = arith.constant 5.000000e-01 : f32
      %mul3A_598 = vector.broadcast %mul3A_597 : f32 to vector<16xf32>
      %mul3A_599 = arith.mulf %mul3A_598, %sub3A_596 : vector<16xf32>
      %div3A = arith.divf %mul3A_599, %convert_element_type3A_593 : vector<16xf32>
      %sub3A_600 = arith.constant 5.000000e-01 : f32
      %sub3A_601 = vector.broadcast %sub3A_600 : f32 to vector<16xf32>
      %sub3A_602 = arith.subf %sub3A_601, %div3A : vector<16xf32>
      %add3A_603 = arith.constant 0 : i32
      %add3A_604 = arith.addi %scan3A_548, %add3A_603 : i32
      %swap3A = arith.index_cast %add3A_604 : i32 to index
      %swap3A_605 = tpu.vector_load %arg8[%swap3A] {strides = array<i32>} : memref<1568xf32, #tpu.memory_space<vmem>>, vector<16xf32>,
      tpu.vector_store %arg8[%swap3A], %sub3A_602 {strides = array<i32>} : memref<1568xf32, #tpu.memory_space<vmem>>, vector<16xf32>,
      %add3A_606 = arith.constant 1 : i32
      %add3A_607 = arith.addi %mul3A_2, %add3A_606 : i32
      %add3A_608 = arith.constant 2 : i32
      %add3A_609 = arith.addi %add3A_607, %add3A_608 : i32
      %min3A_610 = arith.constant 223 : i32
      %min3A_611 = arith.minsi %add3A_609, %min3A_610 : i32
      %sub3A_612 = arith.constant 2 : i32
      %sub3A_613 = arith.subi %add3A_607, %sub3A_612 : i32
      %max3A_614 = arith.constant 0 : i32
      %max3A_615 = arith.maxsi %sub3A_613, %max3A_614 : i32
      %sub3A_616 = arith.subi %min3A_611, %max3A_615 : i32
      %add3A_617 = arith.constant 1 : i32
      %add3A_618 = arith.addi %sub3A_616, %add3A_617 : i32
      %mul3A_619 = vector.broadcast %add3A_618 : i32 to vector<16xi32>
      %mul3A_620 = arith.muli %mul3A_619, %add3A_574 : vector<16xi32>
      %sub3A_621 = arith.constant 1 : i32
      %sub3A_622 = vector.broadcast %sub3A_621 : i32 to vector<16xi32>
      %sub3A_623 = arith.subi %mul3A_620, %sub3A_622 : vector<16xi32>
      %convert_element_type3A_624 = arith.sitofp %sub3A_623 : vector<16xi32> to vector<16xf32>
      %sub3A_625 = arith.constant 1.000000e+00 : f32
      %sub3A_626 = vector.broadcast %sub3A_625 : f32 to vector<16xf32>
      %sub3A_627 = arith.subf %scan3A_553#1, %sub3A_626 : vector<16xf32>
      %mul3A_628 = arith.constant 5.000000e-01 : f32
      %mul3A_629 = vector.broadcast %mul3A_628 : f32 to vector<16xf32>
      %mul3A_630 = arith.mulf %mul3A_629, %sub3A_627 : vector<16xf32>
      %div3A_631 = arith.divf %mul3A_630, %convert_element_type3A_624 : vector<16xf32>
      %sub3A_632 = arith.constant 5.000000e-01 : f32
      %sub3A_633 = vector.broadcast %sub3A_632 : f32 to vector<16xf32>
      %sub3A_634 = arith.subf %sub3A_633, %div3A_631 : vector<16xf32>
      %add3A_635 = arith.constant 224 : i32
      %add3A_636 = arith.addi %scan3A_548, %add3A_635 : i32
      %swap3A_637 = arith.index_cast %add3A_636 : i32 to index
      %swap3A_638 = tpu.vector_load %arg8[%swap3A_637] {strides = array<i32>} : memref<1568xf32, #tpu.memory_space<vmem>>, vector<16xf32>,
      tpu.vector_store %arg8[%swap3A_637], %sub3A_634 {strides = array<i32>} : memref<1568xf32, #tpu.memory_space<vmem>>, vector<16xf32>,
      %add3A_639 = arith.constant 2 : i32
      %add3A_640 = arith.addi %mul3A_2, %add3A_639 : i32
      %add3A_641 = arith.constant 2 : i32
      %add3A_642 = arith.addi %add3A_640, %add3A_641 : i32
      %min3A_643 = arith.constant 223 : i32
      %min3A_644 = arith.minsi %add3A_642, %min3A_643 : i32
      %sub3A_645 = arith.constant 2 : i32
      %sub3A_646 = arith.subi %add3A_640, %sub3A_645 : i32
      %max3A_647 = arith.constant 0 : i32
      %max3A_648 = arith.maxsi %sub3A_646, %max3A_647 : i32
      %sub3A_649 = arith.subi %min3A_644, %max3A_648 : i32
      %add3A_650 = arith.constant 1 : i32
      %add3A_651 = arith.addi %sub3A_649, %add3A_650 : i32
      %mul3A_652 = vector.broadcast %add3A_651 : i32 to vector<16xi32>
      %mul3A_653 = arith.muli %mul3A_652, %add3A_574 : vector<16xi32>
      %sub3A_654 = arith.constant 1 : i32
      %sub3A_655 = vector.broadcast %sub3A_654 : i32 to vector<16xi32>
      %sub3A_656 = arith.subi %mul3A_653, %sub3A_655 : vector<16xi32>
      %convert_element_type3A_657 = arith.sitofp %sub3A_656 : vector<16xi32> to vector<16xf32>
      %sub3A_658 = arith.constant 1.000000e+00 : f32
      %sub3A_659 = vector.broadcast %sub3A_658 : f32 to vector<16xf32>
      %sub3A_660 = arith.subf %scan3A_553#2, %sub3A_659 : vector<16xf32>
      %mul3A_661 = arith.constant 5.000000e-01 : f32
      %mul3A_662 = vector.broadcast %mul3A_661 : f32 to vector<16xf32>
      %mul3A_663 = arith.mulf %mul3A_662, %sub3A_660 : vector<16xf32>
      %div3A_664 = arith.divf %mul3A_663, %convert_element_type3A_657 : vector<16xf32>
      %sub3A_665 = arith.constant 5.000000e-01 : f32
      %sub3A_666 = vector.broadcast %sub3A_665 : f32 to vector<16xf32>
      %sub3A_667 = arith.subf %sub3A_666, %div3A_664 : vector<16xf32>
      %add3A_668 = arith.constant 448 : i32
      %add3A_669 = arith.addi %scan3A_548, %add3A_668 : i32
      %swap3A_670 = arith.index_cast %add3A_669 : i32 to index
      %swap3A_671 = tpu.vector_load %arg8[%swap3A_670] {strides = array<i32>} : memref<1568xf32, #tpu.memory_space<vmem>>, vector<16xf32>,
      tpu.vector_store %arg8[%swap3A_670], %sub3A_667 {strides = array<i32>} : memref<1568xf32, #tpu.memory_space<vmem>>, vector<16xf32>,
      %add3A_672 = arith.constant 3 : i32
      %add3A_673 = arith.addi %mul3A_2, %add3A_672 : i32
      %add3A_674 = arith.constant 2 : i32
      %add3A_675 = arith.addi %add3A_673, %add3A_674 : i32
      %min3A_676 = arith.constant 223 : i32
      %min3A_677 = arith.minsi %add3A_675, %min3A_676 : i32
      %sub3A_678 = arith.constant 2 : i32
      %sub3A_679 = arith.subi %add3A_673, %sub3A_678 : i32
      %max3A_680 = arith.constant 0 : i32
      %max3A_681 = arith.maxsi %sub3A_679, %max3A_680 : i32
      %sub3A_682 = arith.subi %min3A_677, %max3A_681 : i32
      %add3A_683 = arith.constant 1 : i32
      %add3A_684 = arith.addi %sub3A_682, %add3A_683 : i32
      %mul3A_685 = vector.broadcast %add3A_684 : i32 to vector<16xi32>
      %mul3A_686 = arith.muli %mul3A_685, %add3A_574 : vector<16xi32>
      %sub3A_687 = arith.constant 1 : i32
      %sub3A_688 = vector.broadcast %sub3A_687 : i32 to vector<16xi32>
      %sub3A_689 = arith.subi %mul3A_686, %sub3A_688 : vector<16xi32>
      %convert_element_type3A_690 = arith.sitofp %sub3A_689 : vector<16xi32> to vector<16xf32>
      %sub3A_691 = arith.constant 1.000000e+00 : f32
      %sub3A_692 = vector.broadcast %sub3A_691 : f32 to vector<16xf32>
      %sub3A_693 = arith.subf %scan3A_553#3, %sub3A_692 : vector<16xf32>
      %mul3A_694 = arith.constant 5.000000e-01 : f32
      %mul3A_695 = vector.broadcast %mul3A_694 : f32 to vector<16xf32>
      %mul3A_696 = arith.mulf %mul3A_695, %sub3A_693 : vector<16xf32>
      %div3A_697 = arith.divf %mul3A_696, %convert_element_type3A_690 : vector<16xf32>
      %sub3A_698 = arith.constant 5.000000e-01 : f32
      %sub3A_699 = vector.broadcast %sub3A_698 : f32 to vector<16xf32>
      %sub3A_700 = arith.subf %sub3A_699, %div3A_697 : vector<16xf32>
      %add3A_701 = arith.constant 672 : i32
      %add3A_702 = arith.addi %scan3A_548, %add3A_701 : i32
      %swap3A_703 = arith.index_cast %add3A_702 : i32 to index
      %swap3A_704 = tpu.vector_load %arg8[%swap3A_703] {strides = array<i32>} : memref<1568xf32, #tpu.memory_space<vmem>>, vector<16xf32>,
      tpu.vector_store %arg8[%swap3A_703], %sub3A_700 {strides = array<i32>} : memref<1568xf32, #tpu.memory_space<vmem>>, vector<16xf32>,
      %add3A_705 = arith.constant 4 : i32
      %add3A_706 = arith.addi %mul3A_2, %add3A_705 : i32
      %add3A_707 = arith.constant 2 : i32
      %add3A_708 = arith.addi %add3A_706, %add3A_707 : i32
      %min3A_709 = arith.constant 223 : i32
      %min3A_710 = arith.minsi %add3A_708, %min3A_709 : i32
      %sub3A_711 = arith.constant 2 : i32
      %sub3A_712 = arith.subi %add3A_706, %sub3A_711 : i32
      %max3A_713 = arith.constant 0 : i32
      %max3A_714 = arith.maxsi %sub3A_712, %max3A_713 : i32
      %sub3A_715 = arith.subi %min3A_710, %max3A_714 : i32
      %add3A_716 = arith.constant 1 : i32
      %add3A_717 = arith.addi %sub3A_715, %add3A_716 : i32
      %mul3A_718 = vector.broadcast %add3A_717 : i32 to vector<16xi32>
      %mul3A_719 = arith.muli %mul3A_718, %add3A_574 : vector<16xi32>
      %sub3A_720 = arith.constant 1 : i32
      %sub3A_721 = vector.broadcast %sub3A_720 : i32 to vector<16xi32>
      %sub3A_722 = arith.subi %mul3A_719, %sub3A_721 : vector<16xi32>
      %convert_element_type3A_723 = arith.sitofp %sub3A_722 : vector<16xi32> to vector<16xf32>
      %sub3A_724 = arith.constant 1.000000e+00 : f32
      %sub3A_725 = vector.broadcast %sub3A_724 : f32 to vector<16xf32>
      %sub3A_726 = arith.subf %scan3A_553#4, %sub3A_725 : vector<16xf32>
      %mul3A_727 = arith.constant 5.000000e-01 : f32
      %mul3A_728 = vector.broadcast %mul3A_727 : f32 to vector<16xf32>
      %mul3A_729 = arith.mulf %mul3A_728, %sub3A_726 : vector<16xf32>
      %div3A_730 = arith.divf %mul3A_729, %convert_element_type3A_723 : vector<16xf32>
      %sub3A_731 = arith.constant 5.000000e-01 : f32
      %sub3A_732 = vector.broadcast %sub3A_731 : f32 to vector<16xf32>
      %sub3A_733 = arith.subf %sub3A_732, %div3A_730 : vector<16xf32>
      %add3A_734 = arith.constant 896 : i32
      %add3A_735 = arith.addi %scan3A_548, %add3A_734 : i32
      %swap3A_736 = arith.index_cast %add3A_735 : i32 to index
      %swap3A_737 = tpu.vector_load %arg8[%swap3A_736] {strides = array<i32>} : memref<1568xf32, #tpu.memory_space<vmem>>, vector<16xf32>,
      tpu.vector_store %arg8[%swap3A_736], %sub3A_733 {strides = array<i32>} : memref<1568xf32, #tpu.memory_space<vmem>>, vector<16xf32>,
      %add3A_738 = arith.constant 5 : i32
      %add3A_739 = arith.addi %mul3A_2, %add3A_738 : i32
      %add3A_740 = arith.constant 2 : i32
      %add3A_741 = arith.addi %add3A_739, %add3A_740 : i32
      %min3A_742 = arith.constant 223 : i32
      %min3A_743 = arith.minsi %add3A_741, %min3A_742 : i32
      %sub3A_744 = arith.constant 2 : i32
      %sub3A_745 = arith.subi %add3A_739, %sub3A_744 : i32
      %max3A_746 = arith.constant 0 : i32
      %max3A_747 = arith.maxsi %sub3A_745, %max3A_746 : i32
      %sub3A_748 = arith.subi %min3A_743, %max3A_747 : i32
      %add3A_749 = arith.constant 1 : i32
      %add3A_750 = arith.addi %sub3A_748, %add3A_749 : i32
      %mul3A_751 = vector.broadcast %add3A_750 : i32 to vector<16xi32>
      %mul3A_752 = arith.muli %mul3A_751, %add3A_574 : vector<16xi32>
      %sub3A_753 = arith.constant 1 : i32
      %sub3A_754 = vector.broadcast %sub3A_753 : i32 to vector<16xi32>
      %sub3A_755 = arith.subi %mul3A_752, %sub3A_754 : vector<16xi32>
      %convert_element_type3A_756 = arith.sitofp %sub3A_755 : vector<16xi32> to vector<16xf32>
      %sub3A_757 = arith.constant 1.000000e+00 : f32
      %sub3A_758 = vector.broadcast %sub3A_757 : f32 to vector<16xf32>
      %sub3A_759 = arith.subf %scan3A_553#5, %sub3A_758 : vector<16xf32>
      %mul3A_760 = arith.constant 5.000000e-01 : f32
      %mul3A_761 = vector.broadcast %mul3A_760 : f32 to vector<16xf32>
      %mul3A_762 = arith.mulf %mul3A_761, %sub3A_759 : vector<16xf32>
      %div3A_763 = arith.divf %mul3A_762, %convert_element_type3A_756 : vector<16xf32>
      %sub3A_764 = arith.constant 5.000000e-01 : f32
      %sub3A_765 = vector.broadcast %sub3A_764 : f32 to vector<16xf32>
      %sub3A_766 = arith.subf %sub3A_765, %div3A_763 : vector<16xf32>
      %add3A_767 = arith.constant 1120 : i32
      %add3A_768 = arith.addi %scan3A_548, %add3A_767 : i32
      %swap3A_769 = arith.index_cast %add3A_768 : i32 to index
      %swap3A_770 = tpu.vector_load %arg8[%swap3A_769] {strides = array<i32>} : memref<1568xf32, #tpu.memory_space<vmem>>, vector<16xf32>,
      tpu.vector_store %arg8[%swap3A_769], %sub3A_766 {strides = array<i32>} : memref<1568xf32, #tpu.memory_space<vmem>>, vector<16xf32>,
      %add3A_771 = arith.constant 6 : i32
      %add3A_772 = arith.addi %mul3A_2, %add3A_771 : i32
      %add3A_773 = arith.constant 2 : i32
      %add3A_774 = arith.addi %add3A_772, %add3A_773 : i32
      %min3A_775 = arith.constant 223 : i32
      %min3A_776 = arith.minsi %add3A_774, %min3A_775 : i32
      %sub3A_777 = arith.constant 2 : i32
      %sub3A_778 = arith.subi %add3A_772, %sub3A_777 : i32
      %max3A_779 = arith.constant 0 : i32
      %max3A_780 = arith.maxsi %sub3A_778, %max3A_779 : i32
      %sub3A_781 = arith.subi %min3A_776, %max3A_780 : i32
      %add3A_782 = arith.constant 1 : i32
      %add3A_783 = arith.addi %sub3A_781, %add3A_782 : i32
      %mul3A_784 = vector.broadcast %add3A_783 : i32 to vector<16xi32>
      %mul3A_785 = arith.muli %mul3A_784, %add3A_574 : vector<16xi32>
      %sub3A_786 = arith.constant 1 : i32
      %sub3A_787 = vector.broadcast %sub3A_786 : i32 to vector<16xi32>
      %sub3A_788 = arith.subi %mul3A_785, %sub3A_787 : vector<16xi32>
      %convert_element_type3A_789 = arith.sitofp %sub3A_788 : vector<16xi32> to vector<16xf32>
      %sub3A_790 = arith.constant 1.000000e+00 : f32
      %sub3A_791 = vector.broadcast %sub3A_790 : f32 to vector<16xf32>
      %sub3A_792 = arith.subf %scan3A_553#6, %sub3A_791 : vector<16xf32>
      %mul3A_793 = arith.constant 5.000000e-01 : f32
      %mul3A_794 = vector.broadcast %mul3A_793 : f32 to vector<16xf32>
      %mul3A_795 = arith.mulf %mul3A_794, %sub3A_792 : vector<16xf32>
      %div3A_796 = arith.divf %mul3A_795, %convert_element_type3A_789 : vector<16xf32>
      %sub3A_797 = arith.constant 5.000000e-01 : f32
      %sub3A_798 = vector.broadcast %sub3A_797 : f32 to vector<16xf32>
      %sub3A_799 = arith.subf %sub3A_798, %div3A_796 : vector<16xf32>
      %add3A_800 = arith.constant 1344 : i32
      %add3A_801 = arith.addi %scan3A_548, %add3A_800 : i32
      %swap3A_802 = arith.index_cast %add3A_801 : i32 to index
      %swap3A_803 = tpu.vector_load %arg8[%swap3A_802] {strides = array<i32>} : memref<1568xf32, #tpu.memory_space<vmem>>, vector<16xf32>,
      tpu.vector_store %arg8[%swap3A_802], %sub3A_799 {strides = array<i32>} : memref<1568xf32, #tpu.memory_space<vmem>>, vector<16xf32>,
      %add3A_804 = arith.constant 16 : i32
      %add3A_805 = arith.addi %scan3A_547, %add3A_804 : i32
      %add3A_806 = arith.constant 16 : i32
      %add3A_807 = arith.addi %scan3A_548, %add3A_806 : i32
      scf.yield %add3A_805, %add3A_807 : i32, i32
    }
    %scan3A_543 = arith.constant 14 : i32
    %mul3A_544 = arith.constant 224 : i32
    %mul3A_545 = arith.muli %mul3A_2, %mul3A_544 : i32
    "tpu.region"() ({
      %run_scoped3A = tpu.sem_alloc : memref<!tpu.dma_semaphore, #tpu.memory_space<semaphore_mem>>
      %dma_start3A = tpu.memref_slice %arg3[%mul3A_545] : memref<50176xf32, #tpu.memory_space<hbm>> -> memref<1568xf32, #tpu.memory_space<hbm>>
      %dma_start3A_546 = tpu.memref_slice %arg3[%mul3A_545] : memref<50176xf32, #tpu.memory_space<hbm>> -> memref<1568xf32, #tpu.memory_space<hbm>>
      tpu.enqueue_dma source(%arg8 : memref<1568xf32, #tpu.memory_space<vmem>>) target(%dma_start3A_546 : memref<1568xf32, #tpu.memory_space<hbm>>) target_semaphore(%run_scoped3A : memref<!tpu.dma_semaphore, #tpu.memory_space<semaphore_mem>>)
      %dma_wait3A = tpu.memref_slice %arg3[%mul3A_545] : memref<50176xf32, #tpu.memory_space<hbm>> -> memref<1568xf32, #tpu.memory_space<hbm>>
      %dma_wait3A_547 = tpu.memref_slice %arg3[%mul3A_545] : memref<50176xf32, #tpu.memory_space<hbm>> -> memref<1568xf32, #tpu.memory_space<hbm>>
      tpu.wait_dma2 semaphore(%run_scoped3A : memref<!tpu.dma_semaphore, #tpu.memory_space<semaphore_mem>>) src(%arg8 : memref<1568xf32, #tpu.memory_space<vmem>>) dst(%dma_wait3A_547 : memref<1568xf32, #tpu.memory_space<hbm>>)
      tpu.yield
    }) : () -> ()
    return
  }
}

</mosaic_0001>

<sc_bundles>
// kernel: kernel.3.cloned.1.call-start
scs
__scs_entry_jumppad:
0x0: {  	(pc) =	sbr.rel $0x88, $3  }
0x1: {  	(tag) =	ssettag $0x0;
	lr =	simm.s32 $0x1  }
0x2: {  	[smem:$0x3FA0] =	sst lr;
	_ =	strace $0xD0000000  }
0x3: {  	_ = 	snop  }
0x4: {  	_ = 	snop  }
0x5: {  	_ = 	snop  }
0x6: {  	_ = 	snop  }
0x7: {  	_ = 	snop  }
__scs_overlays_trampoline_lowered:
0x8: {  	[smem:$0x3FAF] =	sst s0  }
0x9: {  	[smem:$0x3FB0] =	sst s1  }
0xa: {  	[smem:$0x3FB1] =	sst s2  }
0xb: {  	[smem:$0x3FB2] =	sst s3  }
0xc: {  	[smem:$0x3FB3] =	sst s4  }
0xd: {  	[smem:$0x3FB4] =	sst s5  }
0xe: {  	[smem:$0x3FB5] =	sst s6  }
0xf: {  	[smem:$0x3FB6] =	sst s7  }
0x10: {  	[smem:$0x3FB7] =	sst s8  }
0x11: {  	[smem:$0x3FB8] =	sst s9;
	s0 =	simm.s32 @!p0 $0x0  }
0x12: {  	s1 =	sld [smem:$0x3F9E];
	s0 =	simm.s32 @p0 $0x1  }
0x13: {  	[smem:$0x3FB9] =	sst s0;
	s0 =	simm.s32 @!p1 $0x0  }
0x14: {  	s2 =	sld [smem:$0x3F9D];
	s0 =	simm.s32 @p1 $0x1  }
0x15: {  	[smem:$0x3FBA] =	sst s0;
	s0 =	simm.s32 @!p2 $0x0  }
0x16: {  	s3 =	sld [smem:$0x3FDB];
	s0 =	simm.s32 @p2 $0x1  }
0x17: {  	s4 =	simm.s32 $0x1BF5;
	[smem:$0x3FBC] =	sst s0  }
0x18: {  	s0 =	sld [smem:$0x3F9F];
	_ =	swait.ge [sflag:s4], $0x0  }
0x19: {  	s7 =	sld [smem:$0x3FA0]  }
0x1a: {  	s8 =	sadd.s32 $0xFFFFE003, lr  }
0x1b: {  	s9 =	sadd.s32 $0xFFFFFEF7, lr;
	s5 =	simm.s32 $0xFFFFFFFF;
	p2 =	slt.u32 s8, $0xFFFFF086  }
0x1c: {  	p1 =	slt.u32 s9, $0xF7A;
	s5 =	simm.s32 @!p2 $0x0  }
0x1d: {  	s5 =	simm.s32 @p1 $0x1;
	p0 =	seq.s32 s7, s2  }
0x1e: {  	s7 =	smul.u32 @!p0 $0xF7A, s2;
	p2 =	seq.s32 @!p0 s5, $0x0  }
0x1f: {  	s9 =	smul.u32 $0xF7A, s1;
	s8 =	simm.s32 @!p0 $0x1BF5;
	p2 =	por !p2, p0  }
0x20: {  	[sflag:s8] =	ssyncset.s32 @!p0 $0xFFFFF086;
	s6 =	sadd.s32 @!p0 s3, s7;
	s7 =	simm.s32 @!p0 $0x108  }
0x21: {  	s3 =	sadd.s32 s3, s9;
	s6 =	sadd.s32 @!p0 $0x88, s6;
	s7 =	simm.s32 @p2 $0x1082  }
0x22: {  	[simem:s7], [sflag:s8] =	dma.local @!p0 [hbm:s6], $0xF7A  }
0x23: {  	s9 =	sor.u32 $0xD0000000, s2;
	s6 =	simm.s32 $0x108;
	_ =	swait.ge @!p0 [sflag:s8], $0x0  }
0x24: {  	s3 =	sadd.s32 $0x88, s3;
	s6 =	simm.s32 @!p1 $0x1082;
	[sflag:s4] =	ssyncset.s32 $0xFFFFF086  }
0x25: {  	[simem:s6], [sflag:s4] =	dma.local [hbm:s3], $0xF7A  }
0x26: {  	[smem:$0x3FA0] =	sst s1;
	(tag) =	ssettag s2;
	_ =	strace s9  }
0x27: {  	s1 =	sld [smem:$0x3FB0]  }
0x28: {  	s2 =	sld [smem:$0x3FB1]  }
0x29: {  	s4 =	sld [smem:$0x3FB3]  }
0x2a: {  	p0 =	seq.s32 s5, $0x0;
	s5 =	sld [smem:$0x3FB4]  }
0x2b: {  	s6 =	sld [smem:$0x3FB5]  }
0x2c: {  	s7 =	sld [smem:$0x3FB6]  }
0x2d: {  	s3 =	simm.s32 $0x108;
	s8 =	sld [smem:$0x3FB7]  }
0x2e: {  	s3 =	simm.s32 @!p0 $0x1082;
	s9 =	sld [smem:$0x3FB8]  }
0x2f: {  	lr =	sadd.s32 s0, s3;
	s0 =	sld [smem:$0x3FAF]  }
0x30: {  	s3 =	sld [smem:$0x3FB2]  }
0x31: {  	[smem:$0x3FBB] =	sst s10  }
0x32: {  	s10 =	sld [smem:$0x3FB9];
	_ =	sdelay $0x3  }
0x33: {  	p0 =	seq.s32 s10, $0x1;
	s10 =	sld [smem:$0x3FBB];
	_ =	sdelay $0x3  }
0x34: {  	[smem:$0x3FBB] =	sst s10  }
0x35: {  	s10 =	sld [smem:$0x3FBA];
	_ =	sdelay $0x3  }
0x36: {  	p1 =	seq.s32 s10, $0x1;
	s10 =	sld [smem:$0x3FBB];
	_ =	sdelay $0x3  }
0x37: {  	[smem:$0x3FBB] =	sst s10  }
0x38: {  	s10 =	sld [smem:$0x3FBC]  }
0x39: {  	_ = 	snop;
	(pc) =	sbr.ind lr, $3  }
0x3a: {  	_ = 	snop  }
0x3b: {  	_ = 	snop  }
0x3c: {  	p2 =	seq.s32 s10, $0x1;
	s10 =	sld [smem:$0x3FBB]  }
0x3d: {  	_ =	shalt  }
0x3e: {  	_ =	shalt  }
0x3f: {  	_ =	shalt  }
0x40: {  	_ =	shalt  }
0x41: {  	_ =	shalt  }
0x42: {  	_ =	shalt  }
0x43: {  	_ =	shalt  }
0x44: {  	_ =	shalt  }
0x45: {  	_ =	shalt  }
0x46: {  	_ =	shalt  }
0x47: {  	_ =	shalt  }
0x48: {  	_ =	shalt  }
0x49: {  	_ =	shalt  }
0x4a: {  	_ =	shalt  }
0x4b: {  	_ =	shalt  }
0x4c: {  	_ =	shalt  }
0x4d: {  	_ =	shalt  }
0x4e: {  	_ =	shalt  }
0x4f: {  	_ =	shalt  }
0x50: {  	_ =	shalt  }
0x51: {  	_ =	shalt  }
0x52: {  	_ =	shalt  }
0x53: {  	_ =	shalt  }
0x54: {  	_ =	shalt  }
0x55: {  	_ =	shalt  }
0x56: {  	_ =	shalt  }
0x57: {  	_ =	shalt  }
0x58: {  	_ =	shalt  }
0x59: {  	_ =	shalt  }
0x5a: {  	_ =	shalt  }
0x5b: {  	_ =	shalt  }
0x5c: {  	_ =	shalt  }
0x5d: {  	_ =	shalt  }
0x5e: {  	_ =	shalt  }
0x5f: {  	_ =	shalt  }
0x60: {  	_ =	shalt  }
0x61: {  	_ =	shalt  }
0x62: {  	_ =	shalt  }
0x63: {  	_ =	shalt  }
0x64: {  	_ =	shalt  }
0x65: {  	_ =	shalt  }
0x66: {  	_ =	shalt  }
0x67: {  	_ =	shalt  }
0x68: {  	_ =	shalt  }
0x69: {  	_ =	shalt  }
0x6a: {  	_ =	shalt  }
0x6b: {  	_ =	shalt  }
0x6c: {  	_ =	shalt  }
0x6d: {  	_ =	shalt  }
0x6e: {  	_ =	shalt  }
0x6f: {  	_ =	shalt  }
0x70: {  	_ =	shalt  }
0x71: {  	_ =	shalt  }
0x72: {  	_ =	shalt  }
0x73: {  	_ =	shalt  }
0x74: {  	_ =	shalt  }
0x75: {  	_ =	shalt  }
0x76: {  	_ =	shalt  }
0x77: {  	_ =	shalt  }
0x78: {  	_ =	shalt  }
0x79: {  	_ =	shalt  }
0x7a: {  	_ =	shalt  }
0x7b: {  	_ =	shalt  }
0x7c: {  	_ =	shalt  }
0x7d: {  	_ =	shalt  }
0x7e: {  	_ =	shalt  }
0x7f: {  	_ =	shalt  }
0x80: {  	_ =	shalt  }
0x81: {  	_ =	shalt  }
0x82: {  	_ =	shalt  }
0x83: {  	_ =	shalt  }
0x84: {  	_ =	shalt  }
0x85: {  	_ =	shalt  }
0x86: {  	_ =	shalt  }
0x87: {  	_ =	shalt  }
.Lfunc_end0:
.L_simem_size_0:
called_computation_lowered:
.L_overlay_start_0:
0x88: {  	s2 =	sld [smem:$0x3FD9]  }
0x89: {  	s3 =	sld [smem:$0x3FFE];
	_ =	sdelay $0x1  }
0x8a: {  	s1 =	srdreg.scid  }
0x8b: {  	s0 =	sand.u32 $0x1, s1  }
0x8c: {  	s16 =	sshll.u32 s0, $0xA;
	s2 =	sadd.s32 s3, s2  }
0x8d: {  	s2 =	sadd.s32 s2, s16  }
0x8e: {  	[smem:$0x3FC7] =	sst s2  }
0x8f: {  	_ = 	snop  }
0x90: {  	(tm) =	ssettm $0x1  }
0x91: {  	s17 =	sld [smem:$0x3FFB];
	_ =	sdelay $0x3  }
0x92: {  	_ =	strace s17  }
0x93: {  	s2 =	sld [smem:$0x3FFC];
	_ =	sdelay $0x3  }
0x94: {  	_ =	strace s2  }
0x95: {  	s2 =	sld [smem:$0x3FFD];
	_ =	sdelay $0x3  }
0x96: {  	_ =	strace s2  }
0x97: {  	_ =	strace $0x8FFFFFFF  }
0x98: {  	s18 =	sld [smem:$0x3FDB];
	_ =	sdelay $0x1  }
0x99: {  	s19 =	simm.s32 $_scs_section_size  }
0x9a: {  	s4 =	simm.s32 $_size__tile_overlayer_lowered;
	s5 =	simm.s32 $_tile_overlayer_lowered  }
0x9b: {  	s22 =	simm.s32 $0x1BFF;
	s21 =	sshll.u32 s5, $0x1;
	s2 =	sadd.s32 s19, s18  }
0x9c: {  	s6 =	simm.s32 $0x0;
	s20 =	sshll.u32 s4, $0x1;
	s4 =	sadd.s32 s21, s2  }
0x9d: {  	[timem:s6], [sflag:s22] =	dma.local [hbm:s4], s20  }
0x9e: {  	_ =	swait.ge [sflag:s22], s20  }
0x9f: {  	s3 =	ssub.s32 $0x0, s20;
	[sflag:s22] =	ssyncset.done $0x0  }
0xa0: {  	[sflag:s22] =	ssyncadd.s32 s3;
	_ =	sdelay $0x1  }
0xa1: {  	s23 =	simm.s32 $0x1B8B  }
0xa2: {  	_ =	swait.ge [sflag:s23], $0x1  }
0xa3: {  	[sflag:s23] =	ssyncset.done $0x0  }
0xa4: {  	s25 =	simm.s32 $0x1B8E;
	s24 =	sld [smem:$0x3FFE];
	[sflag:s23] =	ssyncadd.s32 $0xFFFFFFFF  }
0xa5: {  	s26 =	simm.s32 $execute0_lowered;
	[smem:$0x3FD2] =	sst s25  }
0xa6: {  	s4 =	sshll.u32 s26, $0x1;
	_ =	strace $0x80000046;
	[dreg:$0x1] =	wrdreg $0xFFFFFFFF  }
0xa7: {  	s28 =	simm.s32 $_size_execute0_lowered;
	s2 =	sadd.s32 s2, s4;
	[dreg:$0x0] =	wrdreg $0x0  }
0xa8: {  	s4 =	sshll.u32 s28, $0x1;
	[dreg:$0x2] =	wrdreg s2  }
0xa9: {  	[dreg:$0x3] =	wrdreg s4  }
0xaa: {  	[dreg:$0x4] =	wrdreg $0xC0  }
0xab: {  	_ =	task [dreg:s6], $0x5FFFF  }
0xac: {  	[dreg:$0x1] =	wrdreg $0xFFFFFFFF  }
0xad: {  	[dreg:$0x0] =	wrdreg $0x60  }
0xae: {  	[dreg:$0x2] =	wrdreg s24  }
0xaf: {  	[dreg:$0x3] =	wrdreg $0x9  }
0xb0: {  	_ =	task.clear_ibuf [dreg:s6], $0x4FFFF;
	_ =	strace $0x90000046  }
0xb1: {  	s29 =	simm.s32 $0x9;
	_ =	strace $0x80000048  }
0xb2: {  	_ =	swait.ge [sflag:s29], $0x1  }
0xb3: {  	[sflag:s29] =	ssyncadd.s32 $0xFFFFFFFF  }
0xb4: {  	_ =	strace $0x90000048  }
0xb5: {  	_ =	sfence  }
0xb6: {  	s30 =	sld [smem:$0x0];
	_ =	sdelay $0x2  }
0xb7: {  	s31 =	sshll.u32 s1, $0xD;
	s1 =	sshrl.u32 s1, $0x2  }
0xb8: {  	s3 =	sand.u32 $0x4000, s31;
	s1 =	sadd.s32 s1, s30  }
0xb9: {  	s0 =	sor.u32 s3, s0;
	s1 =	sshll.u32 s1, $0x11  }
0xba: {  	s0 =	sor.u32 s1, s0  }
0xbb: {  	s0 =	sadd.s32 $0x8F2B, s0  }
0xbc: {  	[sflag:s0] =	ssyncadd.remote.s32 $0x1  }
0xbd: {  	_ =	sfence.sel $0xFFFF  }
0xbe: {  	[dreg:$0x0] =	wrdreg $0xFFFFFFFF;
	(pc) =	sbr.abs _section_cstart, $3  }
0xbf: {  	[dreg:$0x1] =	wrdreg $0xFFFFFFFF  }
0xc0: {  	_ =	task.clear_ibuf [dreg:s6], $0x2FFFF;
	_ =	strace $0x9FFFFFFF  }
0xc1: {  	(tm) =	ssettm $0x7FFFFFFF  }
tec
execute0_lowered:
.L_overlay_start_1:
0x0: {  	(tag) =	ssettag $0x1  }
0x1: {  	s0 =	srdreg.scid;
	s14 =	stileid.u32  }
0x2: {  	s1 =	sand.u32 $0x1, s0;
	s16 =	sshll.u32 s14, $0x1;
	s20 =	smul.u32 $0xE, s14  }
0x3: {  	s6 =	sor.u32 s1, s16;
	s4 =	ssub.s32 $0x2, s1;
	s1 =	smul.u32 $0x7, s1  }
0x4: {  	s3 =	rddreg [dreg:$0x0];
	s2 =	simm.s32 $0x0;
	s7 =	smul.u32 $0x7, s6  }
0x5: {  	[smem:$0x7FF] =	sst s2;
	s9 =	sadd.s32 $0x400, s3;
	s5 =	smul.u32 $0xC4, s6  }
0x6: {  	_ =	strace $0x80000047;
	s17 =	sshrl.u32 s4, $0x1;
	s11 =	smul.u32 $0x620, s6  }
0x7: {  	p2 =	seq.s32 s6, $0x1F;
	s1 =	sadd.s32 s1, s20;
	s8 =	sadd.s32 $0xFFFFFFFD, s7  }
0x8: {  	s0 =	sadd.s32 s5, s3;
	s3 =	ssub.s32 s4, s17;
	s4 =	sadd.s32 $0xFFFFFFFE, s7  }
0x9: {  	s5 =	sadd.s32 s9, s5;
	s11 =	sshrl.u32 s11, $0x3;
	s12 =	sadd.s32 $0x7, s7  }
0xa: {  	s13 =	sadd.s32 $0x8, s7;
	s30 =	smin.u32 s1, $0xD6;
	s1 =	smax.u32 s1, $0x3  }
0xb: {  	s29 =	smin.u32 s7, $0xD6;
	s10 =	smul.u32 $0x1C, s8;
	s1 =	ssub.s32 s30, s1  }
0xc: {  	p1 =	sgt.u32 s8, $0xDF;
	p3 =	sgt.s32 s4, $0x0;
	s6 =	smov.u32 s4  }
0xd: {  	s16 =	smin.u32 s12, $0xDF;
	s18 =	sadd.s32 s9, s10;
	s9 =	sadd.s32 s9, s11  }
0xe: {  	s0 =	sadd.s32 $0x4E00, s0;
	[dreg:$0x2] =	wrdreg s18;
	s19 =	sadd.s32 $0x182C, s9  }
0xf: {  	s3 =	smax.u32 s3, $0x1;
	s21 =	sadd.s32 $0x1848, s9;
	[dreg:$0x3] =	wrdreg s19  }
0x10: {  	s12 =	sadd.s32 $0x70, s5;
	s22 =	sadd.s32 $0x1864, s9;
	[dreg:$0x4] =	wrdreg s21  }
0x11: {  	s6 =	simm.s32 @!p3 $0x0;
	s23 =	sadd.s32 $0x1880, s9;
	[dreg:$0x5] =	wrdreg s22  }
0x12: {  	s10 =	sadd.s32 $0xFFFFFFFF, s7;
	s24 =	sadd.s32 $0x189C, s9;
	[dreg:$0x6] =	wrdreg s23  }
0x13: {  	s11 =	smin.u32 s13, $0xDF;
	s25 =	sadd.s32 $0x18B8, s9;
	[dreg:$0x7] =	wrdreg s24  }
0x14: {  	s13 =	sadd.s32 $0xA, s29;
	s26 =	sadd.s32 $0x18D4, s9;
	[dreg:$0x8] =	wrdreg s25  }
0x15: {  	s6 =	ssub.s32 s7, s6;
	s28 =	sadd.s32 $0x18F0, s9;
	[dreg:$0x9] =	wrdreg s26  }
0x16: {  	s31 =	sadd.s32 $0x190C, s9;
	p0 =	sge.s32 s8, s13;
	[dreg:$0xa] =	wrdreg s28  }
0x17: {  	s14 =	sadd.s32 $0x1928, s9;
	s15 =	sadd.s32 $0x1944, s9;
	[dreg:$0xb] =	wrdreg s31  }
0x18: {  	p4 =	sgt.s32 s10, $0x0;
	p3 =	sgt.u32 s10, $0xDF;
	[dreg:$0xc] =	wrdreg s14  }
0x19: {  	s8 =	ssub.s32 s16, s7;
	s17 =	sadd.s32 $0x1960, s9;
	[dreg:$0xd] =	wrdreg s15  }
0x1a: {  	s11 =	simm.s32 @p2 $0xDF;
	s18 =	sadd.s32 $0x197C, s9;
	[dreg:$0xe] =	wrdreg s17  }
0x1b: {  	s20 =	sadd.s32 $0x30C8, s9;
	s29 =	sadd.s32 $0x31A8, s9;
	[dreg:$0xf] =	wrdreg s18  }
0x1c: {  	s30 =	sadd.s32 $0x31C4, s9;
	s16 =	sadd.s32 $0xE0, s5;
	[dreg:$0x11] =	wrdreg s20  }
0x1d: {  	s13 =	simm.s32 @!p0 $0x0;
	s10 =	simm.s32 @!p4 $0x0;
	[dreg:$0x19] =	wrdreg s29  }
0x1e: {  	s19 =	sadd.s32 $0x30AC, s9;
	s21 =	sadd.s32 $0x30E4, s9;
	[dreg:$0x1a] =	wrdreg s30  }
0x1f: {  	s22 =	sadd.s32 $0x3100, s9;
	s23 =	sadd.s32 $0x311C, s9;
	[dreg:$0x10] =	wrdreg s19  }
0x20: {  	s24 =	sadd.s32 $0x3138, s9;
	s25 =	sadd.s32 $0x3154, s9;
	[dreg:$0x12] =	wrdreg s21  }
0x21: {  	s26 =	sadd.s32 $0x3170, s9;
	s28 =	sadd.s32 $0x318C, s9;
	[dreg:$0x13] =	wrdreg s22  }
0x22: {  	s31 =	sadd.s32 $0x31E0, s9;
	s18 =	sadd.s32 $0x3, s6;
	[dreg:$0x14] =	wrdreg s23  }
0x23: {  	s20 =	sadd.s32 $0xFFFFFFFE, s8;
	s8 =	sadd.s32 $0xFFFFFFE4, s5;
	[dreg:$0x15] =	wrdreg s24  }
0x24: {  	s14 =	sadd.s32 $0xA8, s5;
	s15 =	sadd.s32 $0xC4, s5;
	[dreg:$0x16] =	wrdreg s25  }
0x25: {  	s17 =	sadd.s32 $0xFC, s5;
	s13 =	simm.s32 @p0 $0x1;
	[dreg:$0x17] =	wrdreg s26  }
0x26: {  	s10 =	ssub.s32 s7, s10;
	s7 =	ssub.s32 s11, s7;
	[dreg:$0x18] =	wrdreg s28  }
0x27: {  	s11 =	smul.u32 $0x3, s1;
	[dreg:$0x1b] =	wrdreg s31;
	s1 =	sadd.s32 $0x31FC, s9  }
0x28: {  	s9 =	sadd.s32 $0x1C, s5;
	v0 =	vmov s18;
	v2 =	vmov s20;
	s18 =	simm.s32 $0x1;
	s20 =	simm.s32 $0x0  }
0x29: {  	[smem:$0x7FD] =	sst s13;
	s19 =	sadd.s32 $0x4, s10;
	s21 =	sadd.s32 $0xFFFFFFFD, s7  }
0x2a: {  	s7 =	sadd.s32 $0xFFFFFFC8, s5;
	s10 =	sadd.s32 $0x38, s5;
	p4 =	sgt.s32 s11, $0xFFFFFFDA  }
0x2b: {  	s13 =	sadd.s32 $0x8C, s5;
	v1 =	vmov s19;
	s19 =	simm.s32 $0x2;
	s11 =	simm.s32 @!p4 $0xFFFFFFDA  }
0x2c: {  	v4 =	vimm.f32 $0.0e+00;
	v5 =	vlaneseq.u32;
	v3 =	vmov s21;
	p4 =	sgt.u32 s4, $0xDF;
	s6 =	sadd.s32 $0x27, s11;
	s11 =	sadd.s32 $0x54, s5  }
.LBB2_1:
0x2d: {  	s21 =	simm.s32 $0x0  }
.LBB2_2:
0x2e: {  	p5 =	sne.s32 s21, $0x9200  }
.Ltmp0:
0x2f: {  	_ = 	snop;
	(pc) =	sbr.rel @p5 .LBB2_2-.Ltmp0, $3  }
0x30: {  	_ =	sdelay $0x1  }
0x31: {  	s22 =	sshra.s32 s21, $0x2  }
0x32: {  	s21 =	sadd.s32 $0x40, s21;
	[tilespmem:s22+$0x0] =	vst v4  }
0x33: {  	s21 =	simm.s32 $0x3C0;
	s22 =	simm.s32 $0x0  }
.LBB2_4:
0x34: {  	p5 =	sne.s32 s21, $0x45600;
	[tilespmem:s22+$0x6300] =	vst v4;
	s23 =	smov.u32 s21;
	s21 =	sadd.s32 $0x3C0, s21  }
.Ltmp1:
0x35: {  	[tilespmem:s22+$0x63E0] =	vst v4;
	(pc) =	sbr.rel @p5 .LBB2_4-.Ltmp1, $2  }
0x36: {  	_ =	sdelay $0x2  }
0x37: {  	s22 =	sshra.s32 s23, $0x2  }
0x38: {  	[tilespmem:s22+$0x6300] =	vst v4  }
0x39: {  	[tilespmem:s22+$0x63E0] =	vst v4;
	s21 =	simm.s32 @!p1 $0x0;
	s22 =	simm.s32 @!p1 $0x8;
	s23 =	rddreg [dreg:$0x2]  }
0x3a: {  	[tilespmem:s22], [sflag:$0x1] =	stream.linear.gather @!p1 [hbm4b:s23+s21], $0xE0, $0x38;
	[tilespmem:$0x18000] =	vst v63  }
0x3b: {  	s22 =	simm.s32 @!p4 $0x0;
	s23 =	simm.s32 @!p4 $0xF8  }
0x3c: {  	[tilespmem:s23], [sflag:$0x1] =	stream.linear.gather @!p4 [hbm4b:s7+s22], $0xE0, $0x38;
	[tilespmem:$0x18000] =	vst v63  }
0x3d: {  	s24 =	simm.s32 @!p3 $0x1E8;
	s23 =	simm.s32 @!p3 $0x0  }
0x3e: {  	[tilespmem:s24], [sflag:$0x1] =	stream.linear.gather @!p3 [hbm4b:s8+s23], $0xE0, $0x38;
	[tilespmem:$0x18000] =	vst v63  }
0x3f: {  	s29 =	simm.s32 $0x2D8  }
0x40: {  	[tilespmem:s29], [sflag:$0x1] =	stream.linear.gather [hbm4b:s5+s2], $0xE0, $0x38;
	[tilespmem:$0x18000] =	vst v63  }
0x41: {  	s30 =	simm.s32 $0x3C8  }
0x42: {  	[tilespmem:s30], [sflag:$0x1] =	stream.linear.gather [hbm4b:s9+s2], $0xE0, $0x38;
	[tilespmem:$0x18000] =	vst v63  }
0x43: {  	s31 =	simm.s32 $0x4B8  }
0x44: {  	[tilespmem:s31], [sflag:$0x1] =	stream.linear.gather [hbm4b:s10+s2], $0xE0, $0x38;
	[tilespmem:$0x18000] =	vst v63  }
0x45: {  	s25 =	simm.s32 $0x5A8  }
0x46: {  	[tilespmem:s25], [sflag:$0x1] =	stream.linear.gather [hbm4b:s11+s2], $0xE0, $0x38;
	[tilespmem:$0x18000] =	vst v63  }
0x47: {  	s26 =	simm.s32 $0x698  }
0x48: {  	[tilespmem:s26], [sflag:$0x1] =	stream.linear.gather [hbm4b:s12+s2], $0xE0, $0x38;
	[tilespmem:$0x18000] =	vst v63  }
0x49: {  	s28 =	simm.s32 $0x788  }
0x4a: {  	[tilespmem:s28], [sflag:$0x1] =	stream.linear.gather [hbm4b:s13+s2], $0xE0, $0x38;
	[tilespmem:$0x18000] =	vst v63  }
0x4b: {  	s29 =	simm.s32 $0x878  }
0x4c: {  	[tilespmem:s29], [sflag:$0x1] =	stream.linear.gather [hbm4b:s14+s2], $0xE0, $0x38;
	[tilespmem:$0x18000] =	vst v63  }
0x4d: {  	s24 =	simm.s32 @!p2 $0x0;
	s25 =	simm.s32 @!p2 $0x968  }
0x4e: {  	[tilespmem:s25], [sflag:$0x1] =	stream.linear.gather @!p2 [hbm4b:s15+s24], $0xE0, $0x38;
	[tilespmem:$0x18000] =	vst v63  }
0x4f: {  	s25 =	simm.s32 @!p2 $0xA58  }
0x50: {  	[tilespmem:s25], [sflag:$0x1] =	stream.linear.gather @!p2 [hbm4b:s16+s24], $0xE0, $0x38;
	[tilespmem:$0x18000] =	vst v63  }
0x51: {  	s30 =	rddreg [dreg:$0x6];
	s25 =	simm.s32 @!p2 $0xB48  }
0x52: {  	[tilespmem:s25], [sflag:$0x1] =	stream.linear.gather @!p2 [hbm4b:s17+s24], $0xE0, $0x38;
	[tilespmem:$0x18000] =	vst v63  }
0x53: {  	s26 =	rddreg [dreg:$0x3];
	s25 =	simm.s32 @!p1 $0xC38  }
0x54: {  	[tilespmem:s25], [sflag:$0x1] =	stream.linear.gather @!p1 [hbm4b:s26+s21], $0xE0, $0x38;
	[tilespmem:$0x18000] =	vst v63  }
0x55: {  	s25 =	simm.s32 @!p4 $0xD28;
	s26 =	rddreg [dreg:$0x4]  }
0x56: {  	[tilespmem:s25], [sflag:$0x1] =	stream.linear.gather @!p4 [hbm4b:s26+s22], $0xE0, $0x38;
	[tilespmem:$0x18000] =	vst v63  }
0x57: {  	s25 =	simm.s32 @!p3 $0xE18;
	s26 =	rddreg [dreg:$0x5]  }
0x58: {  	[tilespmem:s25], [sflag:$0x1] =	stream.linear.gather @!p3 [hbm4b:s26+s23], $0xE0, $0x38;
	[tilespmem:$0x18000] =	vst v63  }
0x59: {  	s31 =	simm.s32 $0xF08;
	s28 =	rddreg [dreg:$0x7]  }
0x5a: {  	[tilespmem:s31], [sflag:$0x1] =	stream.linear.gather [hbm4b:s30+s2], $0xE0, $0x38;
	[tilespmem:$0x18000] =	vst v63  }
0x5b: {  	s29 =	simm.s32 $0xFF8;
	s26 =	rddreg [dreg:$0xd]  }
0x5c: {  	[tilespmem:s29], [sflag:$0x1] =	stream.linear.gather [hbm4b:s28+s2], $0xE0, $0x38;
	[tilespmem:$0x18000] =	vst v63  }
0x5d: {  	s30 =	rddreg [dreg:$0x8];
	s31 =	simm.s32 $0x10E8  }
0x5e: {  	[tilespmem:s31], [sflag:$0x1] =	stream.linear.gather [hbm4b:s30+s2], $0xE0, $0x38;
	[tilespmem:$0x18000] =	vst v63  }
0x5f: {  	s28 =	rddreg [dreg:$0x9];
	s29 =	simm.s32 $0x11D8  }
0x60: {  	[tilespmem:s29], [sflag:$0x1] =	stream.linear.gather [hbm4b:s28+s2], $0xE0, $0x38;
	[tilespmem:$0x18000] =	vst v63  }
0x61: {  	s30 =	rddreg [dreg:$0xa];
	s31 =	simm.s32 $0x12C8  }
0x62: {  	[tilespmem:s31], [sflag:$0x1] =	stream.linear.gather [hbm4b:s30+s2], $0xE0, $0x38;
	[tilespmem:$0x18000] =	vst v63  }
0x63: {  	s28 =	rddreg [dreg:$0xb];
	s29 =	simm.s32 $0x13B8  }
0x64: {  	[tilespmem:s29], [sflag:$0x1] =	stream.linear.gather [hbm4b:s28+s2], $0xE0, $0x38;
	[tilespmem:$0x18000] =	vst v63  }
0x65: {  	s30 =	rddreg [dreg:$0xc];
	s31 =	simm.s32 $0x14A8  }
0x66: {  	[tilespmem:s31], [sflag:$0x1] =	stream.linear.gather [hbm4b:s30+s2], $0xE0, $0x38;
	[tilespmem:$0x18000] =	vst v63  }
0x67: {  	s25 =	simm.s32 @!p2 $0x1598;
	s28 =	rddreg [dreg:$0x15]  }
0x68: {  	[tilespmem:s25], [sflag:$0x1] =	stream.linear.gather @!p2 [hbm4b:s26+s24], $0xE0, $0x38;
	[tilespmem:$0x18000] =	vst v63  }
0x69: {  	s25 =	simm.s32 @!p2 $0x1688;
	s26 =	rddreg [dreg:$0xe]  }
0x6a: {  	[tilespmem:s25], [sflag:$0x1] =	stream.linear.gather @!p2 [hbm4b:s26+s24], $0xE0, $0x38;
	[tilespmem:$0x18000] =	vst v63  }
0x6b: {  	s25 =	simm.s32 @!p2 $0x1778;
	s26 =	rddreg [dreg:$0xf]  }
0x6c: {  	[tilespmem:s25], [sflag:$0x1] =	stream.linear.gather @!p2 [hbm4b:s26+s24], $0xE0, $0x38;
	[tilespmem:$0x18000] =	vst v63  }
0x6d: {  	s25 =	simm.s32 @!p1 $0x1868;
	s26 =	rddreg [dreg:$0x10]  }
0x6e: {  	[tilespmem:s25], [sflag:$0x1] =	stream.linear.gather @!p1 [hbm4b:s26+s21], $0xE0, $0x38;
	[tilespmem:$0x18000] =	vst v63  }
0x6f: {  	s21 =	simm.s32 @!p4 $0x1958;
	s25 =	rddreg [dreg:$0x11]  }
0x70: {  	[tilespmem:s21], [sflag:$0x1] =	stream.linear.gather @!p4 [hbm4b:s25+s22], $0xE0, $0x38;
	[tilespmem:$0x18000] =	vst v63  }
0x71: {  	s21 =	simm.s32 @!p3 $0x1A48;
	s22 =	rddreg [dreg:$0x12]  }
0x72: {  	[tilespmem:s21], [sflag:$0x1] =	stream.linear.gather @!p3 [hbm4b:s22+s23], $0xE0, $0x38;
	[tilespmem:$0x18000] =	vst v63  }
0x73: {  	s22 =	rddreg [dreg:$0x13];
	s23 =	simm.s32 $0x1B38  }
0x74: {  	[tilespmem:s23], [sflag:$0x1] =	stream.linear.gather [hbm4b:s22+s2], $0xE0, $0x38;
	[tilespmem:$0x18000] =	vst v63  }
0x75: {  	s26 =	simm.s32 $0x1C28;
	s25 =	rddreg [dreg:$0x14]  }
0x76: {  	[tilespmem:s26], [sflag:$0x1] =	stream.linear.gather [hbm4b:s25+s2], $0xE0, $0x38;
	[tilespmem:$0x18000] =	vst v63  }
0x77: {  	s29 =	simm.s32 $0x1D18;
	s30 =	rddreg [dreg:$0x16]  }
0x78: {  	[tilespmem:s29], [sflag:$0x1] =	stream.linear.gather [hbm4b:s28+s2], $0xE0, $0x38;
	[tilespmem:$0x18000] =	vst v63  }
0x79: {  	s31 =	simm.s32 $0x1E08;
	s23 =	rddreg [dreg:$0x17]  }
0x7a: {  	[tilespmem:s31], [sflag:$0x1] =	stream.linear.gather [hbm4b:s30+s2], $0xE0, $0x38;
	[tilespmem:$0x18000] =	vst v63  }
0x7b: {  	s25 =	simm.s32 $0x1EF8;
	s26 =	rddreg [dreg:$0x18]  }
0x7c: {  	[tilespmem:s25], [sflag:$0x1] =	stream.linear.gather [hbm4b:s23+s2], $0xE0, $0x38;
	[tilespmem:$0x18000] =	vst v63  }
0x7d: {  	s28 =	simm.s32 $0x1FE8;
	s31 =	sld [smem:$0x7FD]  }
0x7e: {  	[tilespmem:s28], [sflag:$0x1] =	stream.linear.gather [hbm4b:s26+s2], $0xE0, $0x38;
	[tilespmem:$0x18000] =	vst v63  }
0x7f: {  	s29 =	rddreg [dreg:$0x19];
	s30 =	simm.s32 $0x20D8  }
0x80: {  	[tilespmem:s30], [sflag:$0x1] =	stream.linear.gather [hbm4b:s29+s2], $0xE0, $0x38;
	[tilespmem:$0x18000] =	vst v63  }
0x81: {  	s21 =	simm.s32 @!p2 $0x21C8;
	s22 =	rddreg [dreg:$0x1a];
	p0 =	seq.s32 s31, $0x1  }
0x82: {  	[tilespmem:s21], [sflag:$0x1] =	stream.linear.gather @!p2 [hbm4b:s22+s24], $0xE0, $0x38;
	[tilespmem:$0x18000] =	vst v63  }
.Ltmp2:
0x83: {  	_ = 	snop;
	(pc) =	sbr.rel @p0 .LBB2_9-.Ltmp2, $4  }
0x84: {  	s21 =	simm.s32 @!p2 $0x22B8;
	s22 =	rddreg [dreg:$0x1b]  }
0x85: {  	[tilespmem:s21], [sflag:$0x1] =	stream.linear.gather @!p2 [hbm4b:s22+s24], $0xE0, $0x38;
	[tilespmem:$0x18000] =	vst v63  }
0x86: {  	s21 =	simm.s32 @!p2 $0x23A8  }
0x87: {  	[tilespmem:s21], [sflag:$0x1] =	stream.linear.gather @!p2 [hbm4b:s1+s24], $0xE0, $0x38;
	[tilespmem:$0x18000] =	vst v63  }
0x88: {  	p5 =	sne.s32 s6, $0x1  }
.Ltmp3:
0x89: {  	_ = 	snop;
	(pc) =	sbr.rel @!p5 .LBB2_8-.Ltmp3, $3  }
0x8a: {  	_ =	sdelay $0x1  }
0x8b: {  	_ =	swait.ge [sflag:s18], $0xE0  }
0x8c: {  	s21 =	sadd.s32 $0xFFFFFFFF, s6;
	[sflag:s18] =	ssyncset.done $0x0  }
.LBB2_7:
0x8d: {  	p5 =	sne.s32 s21, $0x1;
	s21 =	sadd.s32 $0xFFFFFFFF, s21;
	[sflag:s18] =	ssyncadd.s32 $0xFFFFFF20  }
.Ltmp4:
0x8e: {  	(pc) =	sbr.rel @p5 .LBB2_7-.Ltmp4, $3  }
0x8f: {  	_ =	sdelay $0x1  }
0x90: {  	_ =	swait.ge [sflag:s18], $0xE0  }
0x91: {  	[sflag:s18] =	ssyncset.done $0x0  }
.LBB2_8:
0x92: {  	[sflag:s18] =	ssyncadd.s32 $0xFFFFFF20  }
.LBB2_9:
0x93: {  	s21 =	simm.s32 $0x8;
	s22 =	simm.s32 $0x0  }
0x94: {  	s23 =	simm.s32 $0x9A;
	s24 =	simm.s32 $0x9A;
	s25 =	smov.u32 s4  }
0x95: {  	s26 =	simm.s32 $0x0;
	s28 =	simm.s32 $0x8;
	s29 =	simm.s32 $0x8  }
.LBB2_10:
0x96: {  	v6 =	vld [tilespmem:s29+$0xFFFFFFFF]  }
0x97: {  	v7 =	vld [tilespmem:s29+$0x0]  }
0x98: {  	v8 =	vld [tilespmem:s29+$0x1]  }
0x99: {  	v9 =	vld [tilespmem:s29+$0xEF]  }
0x9a: {  	v12 =	vld [tilespmem:s29+$0xF0]  }
0x9b: {  	v42 =	vld [tilespmem:s29+$0xF1]  }
0x9c: {  	v50 =	vld [tilespmem:s29+$0xC2F]  }
0x9d: {  	v13 =	vld [tilespmem:s29+$0x185F];
	v10 =	vadd.f32 $0.0e+00, v6  }
0x9e: {  	v52 =	vld [tilespmem:s29+$0xC30];
	v6 =	vmul.f32 v6, v6;
	v11 =	vmul.f32 v7, v7  }
0x9f: {  	v15 =	vld [tilespmem:s29+$0x1860];
	v7 =	vadd.f32 v7, v10  }
0xa0: {  	v44 =	vld [tilespmem:s29+$0x1DF];
	v41 =	vmul.f32 v8, v8;
	v43 =	vmul.f32 v9, v9;
	v6 =	vadd.f32 v11, v6  }
0xa1: {  	v54 =	vld [tilespmem:s29+$0xC31];
	v45 =	vmul.f32 v12, v12;
	v14 =	vadd.f32 $0.0e+00, v50;
	v7 =	vadd.f32 v8, v7  }
0xa2: {  	v46 =	vld [tilespmem:s29+$0x1E0];
	v17 =	vadd.f32 $0.0e+00, v13;
	v11 =	vmul.f32 v50, v50;
	v6 =	vadd.f32 v41, v6  }
0xa3: {  	v16 =	vld [tilespmem:s29+$0x1861];
	v14 =	vadd.f32 v52, v14;
	v10 =	vmul.f32 v52, v52;
	v7 =	vadd.f32 v9, v7  }
0xa4: {  	v55 =	vld [tilespmem:s29+$0xD1F];
	v13 =	vmul.f32 v13, v13;
	v17 =	vadd.f32 v15, v17;
	v6 =	vadd.f32 v43, v6  }
0xa5: {  	v48 =	vld [tilespmem:s29+$0x1E1];
	v15 =	vmul.f32 v15, v15;
	v10 =	vadd.f32 v10, v11;
	v7 =	vadd.f32 v12, v7  }
0xa6: {  	v58 =	vld [tilespmem:s29+$0x194F];
	v47 =	vmul.f32 v42, v42;
	v57 =	vadd.f32 v54, v14;
	v6 =	vadd.f32 v45, v6  }
0xa7: {  	v49 =	vmul.f32 v44, v44;
	v13 =	vadd.f32 v15, v13;
	v7 =	vadd.f32 v42, v7  }
0xa8: {  	v56 =	vld [tilespmem:s29+$0xD20];
	v62 =	vadd.f32 v16, v17;
	v16 =	vmul.f32 v16, v16;
	v6 =	vadd.f32 v47, v6  }
0xa9: {  	v51 =	vmul.f32 v46, v46;
	v59 =	vadd.f32 v55, v57;
	v7 =	vadd.f32 v44, v7  }
0xaa: {  	v61 =	vld [tilespmem:s29+$0x1950];
	v9 =	vmul.f32 v54, v54;
	v13 =	vadd.f32 v16, v13;
	v6 =	vadd.f32 v49, v6  }
0xab: {  	v53 =	vmul.f32 v48, v48;
	v15 =	vadd.f32 v58, v62;
	v7 =	vadd.f32 v46, v7  }
0xac: {  	v63 =	vld [tilespmem:s29+$0x1951];
	v14 =	vmul.f32 v58, v58;
	v9 =	vadd.f32 v9, v10;
	v6 =	vadd.f32 v51, v6  }
0xad: {  	v18 =	vld [tilespmem:s29+$0xD21];
	v10 =	vadd.f32 v56, v59;
	v7 =	vadd.f32 v48, v7  }
0xae: {  	v24 =	vld [tilespmem:s29+$0x1A3F];
	v60 =	vmul.f32 v55, v55;
	v13 =	vadd.f32 v14, v13;
	v8 =	vadd.f32 v53, v6  }
0xaf: {  	v19 =	vld [tilespmem:s29+$0xE0F];
	v26 =	vadd.f32 v61, v15;
	v12 =	vmul.f32 v61, v61;
	v6 =	vmul.f32 $1.111111120e-01, v7  }
0xb0: {  	v28 =	vld [tilespmem:s29+$0x1A40];
	v9 =	vadd.f32 v60, v9;
	v7 =	vmul.f32 $1.111111120e-01, v8;
	v8 =	vmul.f32 v56, v56  }
0xb1: {  	v21 =	vld [tilespmem:s29+$0xE10];
	v11 =	vmul.f32 v63, v63;
	v12 =	vadd.f32 v12, v13;
	v29 =	vadd.f32 v63, v26  }
0xb2: {  	v31 =	vld [tilespmem:s29+$0x1A41];
	v23 =	vmul.f32 v18, v18;
	v22 =	vadd.f32 v18, v10;
	v8 =	vadd.f32 v8, v9  }
0xb3: {  	v25 =	vld [tilespmem:s29+$0xE11];
	v33 =	vmul.f32 v24, v24;
	v11 =	vadd.f32 v11, v12;
	v32 =	vadd.f32 v24, v29  }
0xb4: {  	v27 =	vmul.f32 v19, v19;
	v9 =	vadd.f32 v19, v22;
	v8 =	vadd.f32 v23, v8  }
0xb5: {  	v35 =	vmul.f32 v28, v28;
	v11 =	vadd.f32 v33, v11;
	v12 =	vadd.f32 v28, v32  }
0xb6: {  	v30 =	vmul.f32 v21, v21;
	v9 =	vadd.f32 v21, v9;
	v8 =	vadd.f32 v27, v8  }
0xb7: {  	v39 =	vmul.f32 v31, v31;
	v37 =	vadd.f32 v35, v11;
	v38 =	vadd.f32 v31, v12  }
0xb8: {  	v34 =	vmul.f32 v25, v25;
	v9 =	vadd.f32 v25, v9;
	v8 =	vadd.f32 v30, v8  }
0xb9: {  	v10 =	vadd.f32 v39, v37;
	v11 =	vmul.f32 $1.111111120e-01, v38  }
0xba: {  	v36 =	vmul.f32 v6, v6;
	v9 =	vmul.f32 $1.111111120e-01, v9;
	v8 =	vadd.f32 v34, v8  }
0xbb: {  	v10 =	vmul.f32 $1.111111120e-01, v10;
	v42 =	vmul.f32 v11, v11  }
0xbc: {  	v7 =	vsub.f32 v7, v36;
	v40 =	vmul.f32 v9, v9;
	v8 =	vmul.f32 $1.111111120e-01, v8;
	_ =	sdelay $0x1  }
0xbd: {  	v10 =	vsub.f32 v10, v42;
	v7 =	vmax.f32 v7, $0.0e+00;
	v8 =	vsub.f32 v8, v40  }
0xbe: {  	v41 =	vadd.f32 $9.999999740e-06, v7  }
0xbf: {  	v10 =	vmax.f32 v10, $0.0e+00;
	v8 =	vmax.f32 v8, $0.0e+00  }
0xc0: {  	v43 =	vshra.s32 v41, $0x1;
	v12 =	vmul.f32 $5.000000000e-01, v41;
	v44 =	vadd.f32 $9.999999740e-06, v8  }
0xc1: {  	v48 =	vadd.f32 $9.999999740e-06, v10;
	v45 =	vsub.s32 $0x5F3759DF, v43  }
0xc2: {  	v47 =	vmul.f32 v45, v12;
	v46 =	vshra.s32 v44, $0x1;
	v15 =	vmul.f32 $5.000000000e-01, v44  }
0xc3: {  	v50 =	vshra.s32 v48, $0x1;
	v17 =	vmul.f32 $5.000000000e-01, v48;
	v14 =	vsub.s32 $0x5F3759DF, v46  }
0xc4: {  	v19 =	vsub.s32 $0x5F3759DF, v50;
	v16 =	vmul.f32 v45, v47;
	v49 =	vmul.f32 v14, v15  }
0xc5: {  	v20 =	vmul.f32 v19, v17  }
0xc6: {  	v16 =	vsub.f32 $1.500000000e+00, v16;
	v18 =	vmul.f32 v14, v49  }
0xc7: {  	v51 =	vmul.f32 v19, v20  }
0xc8: {  	v13 =	vmul.f32 v45, v16;
	v18 =	vsub.f32 $1.500000000e+00, v18  }
0xc9: {  	v16 =	vsub.f32 $1.500000000e+00, v51  }
0xca: {  	v12 =	vmul.f32 v13, v12;
	v14 =	vmul.f32 v14, v18  }
0xcb: {  	v16 =	vmul.f32 v19, v16  }
0xcc: {  	v12 =	vmul.f32 v12, v13;
	v15 =	vmul.f32 v14, v15  }
0xcd: {  	v17 =	vmul.f32 v16, v17  }
0xce: {  	v12 =	vsub.f32 $1.500000000e+00, v12;
	v15 =	vmul.f32 v15, v14  }
0xcf: {  	v52 =	vmul.f32 v17, v16  }
0xd0: {  	v12 =	vmul.f32 v12, v13;
	v15 =	vsub.f32 $1.500000000e+00, v15  }
0xd1: {  	v7 =	vmul.f32 $9.000000000e+00, v7;
	v13 =	vsub.f32 $1.500000000e+00, v52  }
0xd2: {  	v53 =	vmul.f32 v12, v12;
	v14 =	vmul.f32 v15, v14  }
0xd3: {  	v8 =	vmul.f32 $9.000000000e+00, v8;
	v13 =	vmul.f32 v13, v16  }
0xd4: {  	v7 =	vmul.f32 v53, v7;
	v54 =	vmul.f32 v14, v14  }
0xd5: {  	v10 =	vmul.f32 $9.000000000e+00, v10  }
0xd6: {  	v55 =	vmul.f32 v13, v13;
	v7 =	vadd.f32 $1.080000000e+02, v7;
	v8 =	vmul.f32 v54, v8;
	_ =	sdelay $0x1  }
0xd7: {  	v56 =	vmul.f32 v55, v10;
	v7 =	vadd.f32 v8, v7;
	_ =	sdelay $0x1  }
0xd8: {  	v7 =	vadd.f32 v56, v7;
	_ =	sdelay $0x1  }
0xd9: {  	v8 =	vshra.s32 v7, $0x1;
	v7 =	vmul.f32 $5.000000000e-01, v7  }
0xda: {  	v8 =	vsub.s32 $0x5F3759DF, v8  }
0xdb: {  	v57 =	vmul.f32 v8, v7;
	_ =	sdelay $0x1  }
0xdc: {  	v10 =	vmul.f32 v8, v57;
	_ =	sdelay $0x1  }
0xdd: {  	v10 =	vsub.f32 $1.500000000e+00, v10;
	_ =	sdelay $0x1  }
0xde: {  	v8 =	vmul.f32 v8, v10;
	_ =	sdelay $0x1  }
0xdf: {  	v7 =	vmul.f32 v8, v7;
	_ =	sdelay $0x1  }
0xe0: {  	v7 =	vmul.f32 v7, v8;
	_ =	sdelay $0x1  }
0xe1: {  	v7 =	vsub.f32 $1.500000000e+00, v7;
	_ =	sdelay $0x1  }
0xe2: {  	p5 =	slt.u32 s25, $0xE0;
	s30 =	simm.f32 $1.000000000e+00;
	v7 =	vmul.f32 v7, v8  }
0xe3: {  	s30 =	simm.s32 @!p5 $0x0;
	v6 =	vmul.f32 v12, v6  }
0xe4: {  	v7 =	vmul.f32 s30, v7  }
0xe5: {  	v6 =	vsub.f32 $2.000000000e+00, v6;
	v58 =	vmul.f32 v14, v9  }
0xe6: {  	v59 =	vmul.f32 v7, v12  }
0xe7: {  	v60 =	vmul.f32 v13, v11;
	v8 =	vsub.f32 $2.000000000e+00, v58;
	v6 =	vmul.f32 v7, v6  }
0xe8: {  	v61 =	vmul.f32 v7, v14;
	[tilespmem:s28+$0x2500] =	vst v59  }
0xe9: {  	v62 =	vsub.f32 $2.000000000e+00, v60;
	[tilespmem:s28+$0x4400] =	vst v6;
	v6 =	vmul.f32 v7, v8  }
0xea: {  	p6 =	sne.s32 s24, $0x1;
	v63 =	vmul.f32 v7, v13;
	[tilespmem:s28+$0x2F50] =	vst v61  }
.Ltmp5:
0xeb: {  	p5 =	seq.s32 s26, $0xD;
	s30 =	simm.s32 $0x20;
	[tilespmem:s28+$0x4E50] =	vst v6;
	v6 =	vmul.f32 v7, v62;
	(pc) =	sbr.rel @p6 .LBB2_10-.Ltmp5, $4  }
0xec: {  	s30 =	simm.s32 @!p5 $0x10;
	[tilespmem:s28+$0x39A0] =	vst v63  }
0xed: {  	s29 =	sadd.s32 s29, s30;
	[tilespmem:s28+$0x58A0] =	vst v6;
	s28 =	sadd.s32 s28, s30;
	s30 =	simm.s32 $0x1  }
0xee: {  	s26 =	sadd.s32 $0x1, s26;
	s30 =	simm.s32 @!p5 $0x0  }
0xef: {  	s24 =	sadd.s32 $0xFFFFFFFF, s24;
	s26 =	simm.s32 @p5 $0x0;
	s25 =	sadd.s32 s30, s25  }
0xf0: {  	v6 =	vld [tilespmem:s21+$0x2500]  }
0xf1: {  	v7 =	vld [tilespmem:s21+$0xFFFFFFFF];
	_ =	sdelay $0x1  }
0xf2: {  	v8 =	vld [tilespmem:s21+$0x4400];
	_ =	sdelay $0x2  }
0xf3: {  	v7 =	vmul.f32 v7, v6;
	_ =	sdelay $0x1  }
0xf4: {  	v7 =	vadd.f32 v7, v8;
	_ =	sdelay $0x1  }
0xf5: {  	[tilespmem:s21+$0x6300] =	vst v7;
	v7 =	vld [tilespmem:s21+$0x0];
	_ =	sdelay $0x4  }
0xf6: {  	v7 =	vmul.f32 v7, v6;
	_ =	sdelay $0x1  }
0xf7: {  	v7 =	vadd.f32 v7, v8;
	_ =	sdelay $0x1  }
0xf8: {  	[tilespmem:s21+$0x6D50] =	vst v7;
	v7 =	vld [tilespmem:s21+$0x1];
	_ =	sdelay $0x4  }
0xf9: {  	v7 =	vmul.f32 v7, v6;
	_ =	sdelay $0x1  }
0xfa: {  	v7 =	vadd.f32 v7, v8;
	_ =	sdelay $0x1  }
0xfb: {  	[tilespmem:s21+$0x77A0] =	vst v7;
	v7 =	vld [tilespmem:s21+$0xEF];
	_ =	sdelay $0x4  }
0xfc: {  	v7 =	vmul.f32 v7, v6;
	_ =	sdelay $0x1  }
0xfd: {  	v7 =	vadd.f32 v7, v8;
	_ =	sdelay $0x1  }
0xfe: {  	[tilespmem:s21+$0x81F0] =	vst v7;
	v7 =	vld [tilespmem:s21+$0xF0];
	_ =	sdelay $0x4  }
0xff: {  	v7 =	vmul.f32 v7, v6;
	_ =	sdelay $0x1  }
0x100: {  	v7 =	vadd.f32 v7, v8;
	_ =	sdelay $0x1  }
0x101: {  	[tilespmem:s21+$0x8C40] =	vst v7;
	v7 =	vld [tilespmem:s21+$0xF1];
	_ =	sdelay $0x4  }
0x102: {  	v7 =	vmul.f32 v7, v6;
	_ =	sdelay $0x1  }
0x103: {  	v7 =	vadd.f32 v7, v8;
	_ =	sdelay $0x1  }
0x104: {  	[tilespmem:s21+$0x9690] =	vst v7;
	v7 =	vld [tilespmem:s21+$0x1DF];
	_ =	sdelay $0x4  }
0x105: {  	v7 =	vmul.f32 v7, v6;
	_ =	sdelay $0x1  }
0x106: {  	v7 =	vadd.f32 v7, v8;
	_ =	sdelay $0x1  }
0x107: {  	[tilespmem:s21+$0xA0E0] =	vst v7;
	v7 =	vld [tilespmem:s21+$0x1E0];
	_ =	sdelay $0x4  }
0x108: {  	v7 =	vmul.f32 v7, v6;
	_ =	sdelay $0x1  }
0x109: {  	v7 =	vadd.f32 v7, v8;
	_ =	sdelay $0x1  }
0x10a: {  	[tilespmem:s21+$0xAB30] =	vst v7;
	v7 =	vld [tilespmem:s21+$0x1E1];
	_ =	sdelay $0x4  }
0x10b: {  	v6 =	vmul.f32 v7, v6  }
0x10c: {  	s23 =	sadd.s32 $0xFFFFFFFF, s23;
	p5 =	seq.s32 s22, $0xD  }
0x10d: {  	s24 =	sadd.s32 $0x1, s22;
	s26 =	sand.u32 $0xFFFFFFF8, s21;
	s28 =	simm.s32 $0x20;
	v6 =	vadd.f32 v6, v8  }
0x10e: {  	s25 =	simm.s32 $0x8;
	s28 =	simm.s32 @!p5 $0x10;
	s24 =	simm.s32 @p5 $0x0  }
.LBB2_12:
0x10f: {  	p5 =	sne.s32 s23, $0x1;
	[tilespmem:s26+$0xB580] =	vst v6;
	s21 =	sadd.s32 s21, s28;
	s25 =	sadd.s32 s25, s28  }
0x110: {  	s23 =	sadd.s32 $0xFFFFFFFF, s23;
	v6 =	vld [tilespmem:s25+$0x2500]  }
0x111: {  	v7 =	vld [tilespmem:s21+$0xFFFFFFFF];
	_ =	sdelay $0x1  }
0x112: {  	v8 =	vld [tilespmem:s25+$0x4400];
	_ =	sdelay $0x2  }
0x113: {  	v7 =	vmul.f32 v7, v6;
	_ =	sdelay $0x1  }
0x114: {  	v7 =	vadd.f32 v7, v8;
	_ =	sdelay $0x1  }
0x115: {  	[tilespmem:s25+$0x6300] =	vst v7  }
0x116: {  	v7 =	vld [tilespmem:s21+$0x0];
	_ =	sdelay $0x4  }
0x117: {  	v7 =	vmul.f32 v7, v6;
	_ =	sdelay $0x1  }
0x118: {  	v7 =	vadd.f32 v7, v8;
	_ =	sdelay $0x1  }
0x119: {  	[tilespmem:s25+$0x6D50] =	vst v7  }
0x11a: {  	v7 =	vld [tilespmem:s21+$0x1];
	_ =	sdelay $0x4  }
0x11b: {  	v7 =	vmul.f32 v7, v6;
	_ =	sdelay $0x1  }
0x11c: {  	v7 =	vadd.f32 v7, v8;
	_ =	sdelay $0x1  }
0x11d: {  	[tilespmem:s25+$0x77A0] =	vst v7  }
0x11e: {  	v7 =	vld [tilespmem:s21+$0xEF];
	_ =	sdelay $0x4  }
0x11f: {  	v7 =	vmul.f32 v7, v6;
	_ =	sdelay $0x1  }
0x120: {  	v7 =	vadd.f32 v7, v8;
	_ =	sdelay $0x1  }
0x121: {  	[tilespmem:s25+$0x81F0] =	vst v7  }
0x122: {  	v7 =	vld [tilespmem:s21+$0xF0];
	_ =	sdelay $0x4  }
0x123: {  	v7 =	vmul.f32 v7, v6;
	_ =	sdelay $0x1  }
0x124: {  	v7 =	vadd.f32 v7, v8;
	_ =	sdelay $0x1  }
0x125: {  	[tilespmem:s25+$0x8C40] =	vst v7  }
0x126: {  	v7 =	vld [tilespmem:s21+$0xF1];
	_ =	sdelay $0x4  }
0x127: {  	v7 =	vmul.f32 v7, v6;
	_ =	sdelay $0x1  }
0x128: {  	v7 =	vadd.f32 v7, v8;
	_ =	sdelay $0x1  }
0x129: {  	[tilespmem:s25+$0x9690] =	vst v7  }
0x12a: {  	v7 =	vld [tilespmem:s21+$0x1DF];
	_ =	sdelay $0x4  }
0x12b: {  	v7 =	vmul.f32 v7, v6;
	_ =	sdelay $0x1  }
0x12c: {  	v7 =	vadd.f32 v7, v8;
	_ =	sdelay $0x1  }
0x12d: {  	[tilespmem:s25+$0xA0E0] =	vst v7  }
0x12e: {  	v7 =	vld [tilespmem:s21+$0x1E0];
	_ =	sdelay $0x4  }
0x12f: {  	v7 =	vmul.f32 v7, v6;
	_ =	sdelay $0x1  }
0x130: {  	v7 =	vadd.f32 v7, v8;
	_ =	sdelay $0x1  }
0x131: {  	[tilespmem:s25+$0xAB30] =	vst v7  }
0x132: {  	v7 =	vld [tilespmem:s21+$0x1E1];
	_ =	sdelay $0x3  }
.Ltmp6:
0x133: {  	(pc) =	sbr.rel @p5 .LBB2_12-.Ltmp6, $4  }
0x134: {  	v6 =	vmul.f32 v7, v6  }
0x135: {  	p6 =	seq.s32 s24, $0xD  }
0x136: {  	s24 =	sadd.s32 $0x1, s24;
	s22 =	simm.s32 $0x8;
	s28 =	simm.s32 $0x20;
	v6 =	vadd.f32 v6, v8  }
0x137: {  	s26 =	sand.u32 $0xFFFFFFF8, s25;
	s28 =	simm.s32 @!p6 $0x10;
	s24 =	simm.s32 @p6 $0x0  }
0x138: {  	[tilespmem:s26+$0xB580] =	vst v6  }
0x139: {  	v6 =	vld [tilespmem:s22+$0x2F50]  }
0x13a: {  	v7 =	vld [tilespmem:s22+$0xC2F];
	_ =	sdelay $0x1  }
0x13b: {  	v8 =	vld [tilespmem:s22+$0x4E50];
	_ =	sdelay $0x2  }
0x13c: {  	v7 =	vmul.f32 v7, v6;
	_ =	sdelay $0x1  }
0x13d: {  	v7 =	vadd.f32 v7, v8;
	_ =	sdelay $0x1  }
0x13e: {  	[tilespmem:s22+$0xBFD0] =	vst v7;
	v7 =	vld [tilespmem:s22+$0xC30];
	_ =	sdelay $0x4  }
0x13f: {  	v7 =	vmul.f32 v7, v6;
	_ =	sdelay $0x1  }
0x140: {  	v7 =	vadd.f32 v7, v8;
	_ =	sdelay $0x1  }
0x141: {  	[tilespmem:s22+$0xCA20] =	vst v7;
	v7 =	vld [tilespmem:s22+$0xC31];
	_ =	sdelay $0x4  }
0x142: {  	v7 =	vmul.f32 v7, v6;
	_ =	sdelay $0x1  }
0x143: {  	v7 =	vadd.f32 v7, v8;
	_ =	sdelay $0x1  }
0x144: {  	[tilespmem:s22+$0xD470] =	vst v7;
	v7 =	vld [tilespmem:s22+$0xD1F];
	_ =	sdelay $0x4  }
0x145: {  	v7 =	vmul.f32 v7, v6;
	_ =	sdelay $0x1  }
0x146: {  	v7 =	vadd.f32 v7, v8;
	_ =	sdelay $0x1  }
0x147: {  	[tilespmem:s22+$0xDEC0] =	vst v7;
	v7 =	vld [tilespmem:s22+$0xD20];
	_ =	sdelay $0x4  }
0x148: {  	v7 =	vmul.f32 v7, v6;
	_ =	sdelay $0x1  }
0x149: {  	v7 =	vadd.f32 v7, v8;
	_ =	sdelay $0x1  }
0x14a: {  	[tilespmem:s22+$0xE910] =	vst v7;
	v7 =	vld [tilespmem:s22+$0xD21];
	_ =	sdelay $0x4  }
0x14b: {  	v7 =	vmul.f32 v7, v6;
	_ =	sdelay $0x1  }
0x14c: {  	v7 =	vadd.f32 v7, v8;
	_ =	sdelay $0x1  }
0x14d: {  	[tilespmem:s22+$0xF360] =	vst v7;
	v7 =	vld [tilespmem:s22+$0xE0F];
	_ =	sdelay $0x4  }
0x14e: {  	v7 =	vmul.f32 v7, v6;
	_ =	sdelay $0x1  }
0x14f: {  	v7 =	vadd.f32 v7, v8;
	_ =	sdelay $0x1  }
0x150: {  	[tilespmem:s22+$0xFDB0] =	vst v7;
	v7 =	vld [tilespmem:s22+$0xE10];
	_ =	sdelay $0x4  }
0x151: {  	v7 =	vmul.f32 v7, v6;
	_ =	sdelay $0x1  }
0x152: {  	v7 =	vadd.f32 v7, v8  }
0x153: {  	s24 =	sand.u32 $0xFFFFFFF8, s22  }
0x154: {  	[tilespmem:s24+$0x10800] =	vst v7  }
0x155: {  	v7 =	vld [tilespmem:s22+$0xE11];
	_ =	sdelay $0x4  }
0x156: {  	s25 =	simm.s32 $0x99;
	v6 =	vmul.f32 v7, v6  }
0x157: {  	p5 =	por $0x0, $0x0;
	s23 =	simm.s32 $0x20;
	s26 =	simm.s32 $0x1  }
0x158: {  	s21 =	simm.s32 $0x1;
	s30 =	simm.s32 $0x8;
	s23 =	simm.s32 @!p5 $0x10;
	v6 =	vadd.f32 v6, v8  }
0x159: {  	s26 =	simm.s32 @p5 $0x0;
	s28 =	sadd.s32 $0x8, s23;
	s29 =	sadd.s32 $0x8, s23  }
.LBB2_14:
0x15a: {  	v7 =	vld [tilespmem:s29+$0x2F50];
	p6 =	seq.s32 s25, $0x1;
	s25 =	sadd.s32 $0xFFFFFFFF, s25;
	[tilespmem:s30+$0x11250] =	vst v6;
	s30 =	smov.u32 s29  }
0x15b: {  	v6 =	vld [tilespmem:s28+$0xC2F];
	_ =	sdelay $0x1  }
0x15c: {  	v8 =	vld [tilespmem:s29+$0x4E50];
	_ =	sdelay $0x2  }
0x15d: {  	v6 =	vmul.f32 v6, v7;
	_ =	sdelay $0x1  }
0x15e: {  	v6 =	vadd.f32 v6, v8;
	_ =	sdelay $0x1  }
0x15f: {  	[tilespmem:s29+$0xBFD0] =	vst v6  }
0x160: {  	v6 =	vld [tilespmem:s28+$0xC30];
	_ =	sdelay $0x4  }
0x161: {  	v6 =	vmul.f32 v6, v7;
	_ =	sdelay $0x1  }
0x162: {  	v6 =	vadd.f32 v6, v8;
	_ =	sdelay $0x1  }
0x163: {  	[tilespmem:s29+$0xCA20] =	vst v6  }
0x164: {  	v6 =	vld [tilespmem:s28+$0xC31];
	_ =	sdelay $0x4  }
0x165: {  	v6 =	vmul.f32 v6, v7;
	_ =	sdelay $0x1  }
0x166: {  	v6 =	vadd.f32 v6, v8;
	_ =	sdelay $0x1  }
0x167: {  	[tilespmem:s29+$0xD470] =	vst v6  }
0x168: {  	v6 =	vld [tilespmem:s28+$0xD1F];
	_ =	sdelay $0x4  }
0x169: {  	v6 =	vmul.f32 v6, v7;
	_ =	sdelay $0x1  }
0x16a: {  	v6 =	vadd.f32 v6, v8;
	_ =	sdelay $0x1  }
0x16b: {  	[tilespmem:s29+$0xDEC0] =	vst v6  }
0x16c: {  	v6 =	vld [tilespmem:s28+$0xD20];
	_ =	sdelay $0x4  }
0x16d: {  	v6 =	vmul.f32 v6, v7;
	_ =	sdelay $0x1  }
0x16e: {  	v6 =	vadd.f32 v6, v8;
	_ =	sdelay $0x1  }
0x16f: {  	[tilespmem:s29+$0xE910] =	vst v6  }
0x170: {  	v6 =	vld [tilespmem:s28+$0xD21];
	_ =	sdelay $0x4  }
0x171: {  	v6 =	vmul.f32 v6, v7;
	_ =	sdelay $0x1  }
0x172: {  	v6 =	vadd.f32 v6, v8;
	_ =	sdelay $0x1  }
0x173: {  	[tilespmem:s29+$0xF360] =	vst v6  }
0x174: {  	v6 =	vld [tilespmem:s28+$0xE0F];
	_ =	sdelay $0x4  }
0x175: {  	v6 =	vmul.f32 v6, v7;
	_ =	sdelay $0x1  }
0x176: {  	v6 =	vadd.f32 v6, v8;
	_ =	sdelay $0x1  }
0x177: {  	[tilespmem:s29+$0xFDB0] =	vst v6  }
0x178: {  	v6 =	vld [tilespmem:s28+$0xE10];
	_ =	sdelay $0x4  }
0x179: {  	v6 =	vmul.f32 v6, v7;
	_ =	sdelay $0x1  }
0x17a: {  	v6 =	vadd.f32 v6, v8  }
0x17b: {  	s31 =	sand.u32 $0xFFFFFFF8, s29  }
0x17c: {  	[tilespmem:s31+$0x10800] =	vst v6  }
0x17d: {  	v6 =	vld [tilespmem:s28+$0xE11];
	_ =	sdelay $0x3  }
.Ltmp7:
0x17e: {  	(pc) =	sbr.rel @!p6 .LBB2_14-.Ltmp7, $4  }
0x17f: {  	v6 =	vmul.f32 v6, v7  }
0x180: {  	p0 =	seq.s32 s26, $0xD;
	s26 =	sadd.s32 $0x1, s26;
	s31 =	simm.s32 $0x20  }
0x181: {  	s26 =	simm.s32 @p0 $0x0;
	s31 =	simm.s32 @!p0 $0x10;
	v6 =	vadd.f32 v6, v8  }
0x182: {  	s28 =	sadd.s32 s28, s31;
	s29 =	sadd.s32 s29, s31  }
0x183: {  	[tilespmem:s30+$0x11250] =	vst v6  }
0x184: {  	v6 =	vld [tilespmem:s22+$0x39A0]  }
0x185: {  	v7 =	vld [tilespmem:s22+$0x185F];
	_ =	sdelay $0x1  }
0x186: {  	v8 =	vld [tilespmem:s22+$0x58A0];
	_ =	sdelay $0x2  }
0x187: {  	v7 =	vmul.f32 v7, v6;
	_ =	sdelay $0x1  }
0x188: {  	v7 =	vadd.f32 v7, v8;
	_ =	sdelay $0x1  }
0x189: {  	[tilespmem:s22+$0x11CA0] =	vst v7;
	v7 =	vld [tilespmem:s22+$0x1860];
	_ =	sdelay $0x4  }
0x18a: {  	v7 =	vmul.f32 v7, v6;
	_ =	sdelay $0x1  }
0x18b: {  	v7 =	vadd.f32 v7, v8;
	_ =	sdelay $0x1  }
0x18c: {  	[tilespmem:s22+$0x126F0] =	vst v7;
	v7 =	vld [tilespmem:s22+$0x1861];
	_ =	sdelay $0x4  }
0x18d: {  	v7 =	vmul.f32 v7, v6;
	_ =	sdelay $0x1  }
0x18e: {  	v7 =	vadd.f32 v7, v8;
	_ =	sdelay $0x1  }
0x18f: {  	[tilespmem:s22+$0x13140] =	vst v7;
	v7 =	vld [tilespmem:s22+$0x194F];
	_ =	sdelay $0x4  }
0x190: {  	v7 =	vmul.f32 v7, v6;
	_ =	sdelay $0x1  }
0x191: {  	v7 =	vadd.f32 v7, v8;
	_ =	sdelay $0x1  }
0x192: {  	[tilespmem:s22+$0x13B90] =	vst v7;
	v7 =	vld [tilespmem:s22+$0x1950];
	_ =	sdelay $0x4  }
0x193: {  	v7 =	vmul.f32 v7, v6;
	_ =	sdelay $0x1  }
0x194: {  	v7 =	vadd.f32 v7, v8;
	_ =	sdelay $0x1  }
0x195: {  	[tilespmem:s22+$0x145E0] =	vst v7;
	v7 =	vld [tilespmem:s22+$0x1951];
	_ =	sdelay $0x4  }
0x196: {  	v7 =	vmul.f32 v7, v6;
	_ =	sdelay $0x1  }
0x197: {  	v7 =	vadd.f32 v7, v8;
	_ =	sdelay $0x1  }
0x198: {  	[tilespmem:s22+$0x15030] =	vst v7;
	v7 =	vld [tilespmem:s22+$0x1A3F];
	_ =	sdelay $0x4  }
0x199: {  	v7 =	vmul.f32 v7, v6;
	_ =	sdelay $0x1  }
0x19a: {  	v7 =	vadd.f32 v7, v8;
	_ =	sdelay $0x1  }
0x19b: {  	[tilespmem:s24+$0x15A80] =	vst v7  }
0x19c: {  	v7 =	vld [tilespmem:s22+$0x1A40];
	_ =	sdelay $0x4  }
0x19d: {  	v7 =	vmul.f32 v7, v6;
	_ =	sdelay $0x1  }
0x19e: {  	v7 =	vadd.f32 v7, v8;
	_ =	sdelay $0x1  }
0x19f: {  	[tilespmem:s22+$0x164D0] =	vst v7;
	v7 =	vld [tilespmem:s22+$0x1A41];
	_ =	sdelay $0x4  }
0x1a0: {  	v6 =	vmul.f32 v7, v6;
	_ =	sdelay $0x1  }
0x1a1: {  	s21 =	simm.s32 @p5 $0x0;
	v6 =	vadd.f32 v6, v8  }
0x1a2: {  	s25 =	sadd.s32 $0x8, s23;
	s23 =	sadd.s32 $0x8, s23;
	s24 =	simm.s32 $0x99  }
.LBB2_16:
0x1a3: {  	v7 =	vld [tilespmem:s23+$0x39A0];
	p5 =	seq.s32 s24, $0x1;
	s24 =	sadd.s32 $0xFFFFFFFF, s24;
	[tilespmem:s22+$0x16F20] =	vst v6;
	s22 =	smov.u32 s23  }
0x1a4: {  	v6 =	vld [tilespmem:s25+$0x185F];
	_ =	sdelay $0x1  }
0x1a5: {  	v8 =	vld [tilespmem:s23+$0x58A0];
	_ =	sdelay $0x2  }
0x1a6: {  	v6 =	vmul.f32 v6, v7;
	_ =	sdelay $0x1  }
0x1a7: {  	v6 =	vadd.f32 v6, v8;
	_ =	sdelay $0x1  }
0x1a8: {  	[tilespmem:s23+$0x11CA0] =	vst v6  }
0x1a9: {  	v6 =	vld [tilespmem:s25+$0x1860];
	_ =	sdelay $0x4  }
0x1aa: {  	v6 =	vmul.f32 v6, v7;
	_ =	sdelay $0x1  }
0x1ab: {  	v6 =	vadd.f32 v6, v8;
	_ =	sdelay $0x1  }
0x1ac: {  	[tilespmem:s23+$0x126F0] =	vst v6  }
0x1ad: {  	v6 =	vld [tilespmem:s25+$0x1861];
	_ =	sdelay $0x4  }
0x1ae: {  	v6 =	vmul.f32 v6, v7;
	_ =	sdelay $0x1  }
0x1af: {  	v6 =	vadd.f32 v6, v8;
	_ =	sdelay $0x1  }
0x1b0: {  	[tilespmem:s23+$0x13140] =	vst v6  }
0x1b1: {  	v6 =	vld [tilespmem:s25+$0x194F];
	_ =	sdelay $0x4  }
0x1b2: {  	v6 =	vmul.f32 v6, v7;
	_ =	sdelay $0x1  }
0x1b3: {  	v6 =	vadd.f32 v6, v8;
	_ =	sdelay $0x1  }
0x1b4: {  	[tilespmem:s23+$0x13B90] =	vst v6  }
0x1b5: {  	v6 =	vld [tilespmem:s25+$0x1950];
	_ =	sdelay $0x4  }
0x1b6: {  	v6 =	vmul.f32 v6, v7;
	_ =	sdelay $0x1  }
0x1b7: {  	v6 =	vadd.f32 v6, v8;
	_ =	sdelay $0x1  }
0x1b8: {  	[tilespmem:s23+$0x145E0] =	vst v6  }
0x1b9: {  	v6 =	vld [tilespmem:s25+$0x1951];
	_ =	sdelay $0x4  }
0x1ba: {  	v6 =	vmul.f32 v6, v7;
	_ =	sdelay $0x1  }
0x1bb: {  	v6 =	vadd.f32 v6, v8;
	_ =	sdelay $0x1  }
0x1bc: {  	[tilespmem:s23+$0x15030] =	vst v6  }
0x1bd: {  	v6 =	vld [tilespmem:s25+$0x1A3F];
	_ =	sdelay $0x4  }
0x1be: {  	v6 =	vmul.f32 v6, v7;
	_ =	sdelay $0x1  }
0x1bf: {  	v6 =	vadd.f32 v6, v8  }
0x1c0: {  	s26 =	sand.u32 $0xFFFFFFF8, s23  }
0x1c1: {  	[tilespmem:s26+$0x15A80] =	vst v6  }
0x1c2: {  	v6 =	vld [tilespmem:s25+$0x1A40];
	_ =	sdelay $0x4  }
0x1c3: {  	v6 =	vmul.f32 v6, v7;
	_ =	sdelay $0x1  }
0x1c4: {  	v6 =	vadd.f32 v6, v8;
	_ =	sdelay $0x1  }
0x1c5: {  	[tilespmem:s23+$0x164D0] =	vst v6  }
0x1c6: {  	v6 =	vld [tilespmem:s25+$0x1A41];
	_ =	sdelay $0x3  }
.Ltmp8:
0x1c7: {  	(pc) =	sbr.rel @!p5 .LBB2_16-.Ltmp8, $4  }
0x1c8: {  	v6 =	vmul.f32 v6, v7  }
0x1c9: {  	p0 =	seq.s32 s21, $0xD;
	s21 =	sadd.s32 $0x1, s21;
	s26 =	simm.s32 $0x20  }
0x1ca: {  	s21 =	simm.s32 @p0 $0x0;
	s26 =	simm.s32 @!p0 $0x10;
	v6 =	vadd.f32 v6, v8  }
0x1cb: {  	s23 =	sadd.s32 s23, s26;
	s25 =	sadd.s32 s25, s26  }
0x1cc: {  	s21 =	simm.s32 $0x8  }
0x1cd: {  	[tilespmem:s22+$0x16F20] =	vst v6;
	s22 =	simm.s32 $0x0;
	s25 =	simm.s32 $0x67B6;
	s24 =	simm.s32 $0x0  }
.LBB2_18:
0x1ce: {  	v12 =	vld [tilespmem:s25+$0x4B2]  }
0x1cf: {  	v16 =	vld [tilespmem:s25+$0x3C2]  }
0x1d0: {  	v19 =	vld [tilespmem:s25+$0x2D0]  }
0x1d1: {  	v6 =	vld [tilespmem:s25+$0x1E2]  }
0x1d2: {  	v21 =	vld [tilespmem:s25+$0x3]  }
0x1d3: {  	v7 =	vld [tilespmem:s25+$0xF2]  }
0x1d4: {  	v23 =	vld [tilespmem:s25+$0xFFFFFF13]  }
0x1d5: {  	v24 =	vld [tilespmem:s25+$0xFFFFFE23]  }
0x1d6: {  	v13 =	vld [tilespmem:s25+$0x2]  }
0x1d7: {  	v29 =	vld [tilespmem:s25+$0x0]  }
0x1d8: {  	v25 =	vld [tilespmem:s25+$0xFFFFFB54]  }
0x1d9: {  	v26 =	vld [tilespmem:s25+$0xFFFFFD33]  }
0x1da: {  	v18 =	vld [tilespmem:s25+$0xFFFFFF12]  }
0x1db: {  	v30 =	vld [tilespmem:s25+$0xFFFFFF10]  }
0x1dc: {  	v27 =	vld [tilespmem:s25+$0xFFFFFB53]  }
0x1dd: {  	v28 =	vld [tilespmem:s25+$0xFFFFFD31]  }
0x1de: {  	v20 =	vld [tilespmem:s25+$0xFFFFFE22]  }
0x1df: {  	v31 =	vld [tilespmem:s25+$0xFFFFFB51]  }
0x1e0: {  	v22 =	vld [tilespmem:s25+$0xFFFFFD32]  }
0x1e1: {  	v32 =	vld [tilespmem:s25+$0xFFFFFB52]  }
0x1e2: {  	v17 =	vimm.f32 $0.0e+00;
	v34 =	vld [tilespmem:s25+$0xFFFFFB50]  }
0x1e3: {  	v33 =	vld [tilespmem:s25+$0xFFFFFC42];
	v15 =	vimm.f32 $0.0e+00;
	v14 =	vimm.f32 $0.0e+00;
	v10 =	vimm.f32 $0.0e+00  }
0x1e4: {  	v35 =	vld [tilespmem:s25+$0xFFFFFC40];
	s28 =	simm.s32 $0xA58;
	s23 =	smov.u32 s25;
	s26 =	simm.s32 $0x8;
	v11 =	vimm.f32 $0.0e+00;
	v9 =	vimm.f32 $0.0e+00;
	v8 =	vimm.f32 $0.0e+00  }
.LBB2_19:
0x1e5: {  	p5 =	sne.s32 s28, $0x10C28;
	v36 =	vld [tilespmem:s23+$0xFFFFFD30]  }
0x1e6: {  	v37 =	vld [tilespmem:s23+$0xFFFFFC41]  }
0x1e7: {  	v38 =	vld [tilespmem:s23+$0xFFFFFE20]  }
0x1e8: {  	v29 =	vadd.f32 v29, v13;
	v39 =	vld [tilespmem:s23+$0xFFFFFC43]  }
0x1e9: {  	v32 =	vadd.f32 v34, v32;
	v33 =	vadd.f32 v35, v33;
	v34 =	vld [tilespmem:s23+$0xFFFFFE21]  }
0x1ea: {  	v30 =	vadd.f32 v30, v18;
	v35 =	vld [tilespmem:s23+$0xFFFFFC44];
	v36 =	vadd.f32 v36, v22  }
0x1eb: {  	v31 =	vadd.f32 v31, v32;
	v32 =	vadd.f32 v37, v33;
	v33 =	vld [tilespmem:s23+$0xFFFFFF11]  }
0x1ec: {  	v28 =	vadd.f32 v28, v36;
	v36 =	vld [tilespmem:s23+$0xFFFFFD34];
	v37 =	vadd.f32 v38, v20  }
0x1ed: {  	v27 =	vadd.f32 v27, v31;
	v31 =	vadd.f32 v39, v32;
	v32 =	vld [tilespmem:s23+$0x1]  }
0x1ee: {  	v26 =	vadd.f32 v26, v28;
	v28 =	vadd.f32 v34, v37;
	v34 =	vld [tilespmem:s23+$0xFFFFFE24]  }
0x1ef: {  	v25 =	vadd.f32 v25, v27;
	v27 =	vadd.f32 v35, v31;
	v31 =	vld [tilespmem:s23+$0xF0]  }
0x1f0: {  	v24 =	vadd.f32 v24, v28;
	v28 =	vadd.f32 v33, v30;
	v30 =	vld [tilespmem:s23+$0xFFFFFF14]  }
0x1f1: {  	v26 =	vadd.f32 v36, v26;
	v33 =	vld [tilespmem:s23+$0xF1];
	v35 =	vadd.f32 v27, v25  }
0x1f2: {  	v23 =	vadd.f32 v23, v28;
	v28 =	vadd.f32 v32, v29;
	v29 =	vld [tilespmem:s23+$0x4]  }
0x1f3: {  	v24 =	vadd.f32 v34, v24;
	v32 =	vld [tilespmem:s23+$0x1E0];
	v34 =	vadd.f32 v26, v35  }
0x1f4: {  	v21 =	vadd.f32 v21, v28;
	v28 =	vadd.f32 v31, v7;
	v31 =	vld [tilespmem:s23+$0xF3]  }
0x1f5: {  	s29 =	sadd.s32 s26, s22;
	s26 =	smov.u32 s28;
	v30 =	vadd.f32 v30, v23;
	v23 =	vld [tilespmem:s23+$0x1E1];
	v34 =	vadd.f32 v24, v34  }
0x1f6: {  	s29 =	sand.u32 $0x7FFFFFF8, s29;
	v28 =	vadd.f32 v33, v28;
	v33 =	vld [tilespmem:s23+$0xF4]  }
0x1f7: {  	v35 =	vadd.f32 v29, v21;
	v36 =	vld [tilespmem:s29+$0x6A80];
	v21 =	vadd.f32 v30, v34  }
0x1f8: {  	v29 =	vadd.f32 v32, v6;
	v32 =	vld [tilespmem:s23+$0x1E3]  }
0x1f9: {  	v28 =	vadd.f32 v31, v28;
	v31 =	vld [tilespmem:s23+$0x2D1];
	v22 =	vmul.f32 v21, v22;
	v21 =	vadd.f32 v35, v21  }
0x1fa: {  	v23 =	vadd.f32 v23, v29;
	v29 =	vld [tilespmem:s23+$0x1E4]  }
0x1fb: {  	v28 =	vadd.f32 v33, v28;
	v33 =	vld [tilespmem:s23+$0x3C0];
	v21 =	vsub.f32 v21, v25  }
0x1fc: {  	v17 =	vadd.f32 v22, v17;
	v19 =	vadd.f32 v19, v36;
	v25 =	vld [tilespmem:s23+$0x2D3]  }
0x1fd: {  	v22 =	vadd.f32 v32, v23;
	v23 =	vld [tilespmem:s23+$0x3C1];
	v20 =	vmul.f32 v21, v20;
	v21 =	vadd.f32 v28, v21  }
0x1fe: {  	v19 =	vadd.f32 v31, v19;
	v28 =	vld [tilespmem:s23+$0x2D4]  }
0x1ff: {  	v22 =	vadd.f32 v29, v22;
	v29 =	vld [tilespmem:s23+$0x4B0];
	v21 =	vsub.f32 v21, v27  }
0x200: {  	v15 =	vadd.f32 v20, v15;
	v16 =	vadd.f32 v33, v16;
	v27 =	vld [tilespmem:s23+$0x3C3]  }
0x201: {  	v19 =	vadd.f32 v25, v19;
	v20 =	vld [tilespmem:s23+$0x4B1];
	v18 =	vmul.f32 v21, v18;
	v21 =	vadd.f32 v22, v21  }
0x202: {  	v16 =	vadd.f32 v23, v16;
	v22 =	vld [tilespmem:s23+$0x3C4]  }
0x203: {  	v19 =	vadd.f32 v28, v19;
	v25 =	vld [tilespmem:s23+$0x4B4];
	v21 =	vsub.f32 v21, v26  }
0x204: {  	v14 =	vadd.f32 v18, v14;
	v23 =	vadd.f32 v29, v12;
	v26 =	vld [tilespmem:s23+$0x4B3];
	s23 =	sadd.s32 $0xA50, s23  }
0x205: {  	v12 =	vld [tilespmem:s23+$0x4B2];
	v18 =	vadd.f32 v27, v16;
	v13 =	vmul.f32 v21, v13;
	v21 =	vadd.f32 v19, v21  }
0x206: {  	v16 =	vld [tilespmem:s23+$0x3C2];
	v20 =	vadd.f32 v20, v23  }
0x207: {  	v19 =	vld [tilespmem:s23+$0x2D0];
	v18 =	vadd.f32 v22, v18;
	v22 =	vsub.f32 v21, v24  }
0x208: {  	v10 =	vadd.f32 v13, v10;
	v27 =	vld [tilespmem:s23+$0x1E2]  }
0x209: {  	v21 =	vld [tilespmem:s23+$0x3];
	v13 =	vadd.f32 v26, v20;
	v20 =	vmul.f32 v22, v7;
	v18 =	vadd.f32 v18, v22  }
0x20a: {  	v7 =	vld [tilespmem:s23+$0xF2]  }
0x20b: {  	v23 =	vld [tilespmem:s23+$0xFFFFFF13];
	v22 =	vadd.f32 v25, v13;
	v18 =	vsub.f32 v18, v30  }
0x20c: {  	v11 =	vadd.f32 v20, v11;
	v24 =	vld [tilespmem:s23+$0xFFFFFE23]  }
0x20d: {  	v13 =	vld [tilespmem:s23+$0x2];
	v20 =	vmul.f32 v18, v6;
	v18 =	vadd.f32 v22, v18;
	v6 =	vmov v27  }
0x20e: {  	v29 =	vld [tilespmem:s23+$0x0]  }
0x20f: {  	v25 =	vld [tilespmem:s23+$0xFFFFFB54];
	v9 =	vadd.f32 v20, v9;
	v20 =	vsub.f32 v18, v35  }
0x210: {  	v26 =	vld [tilespmem:s23+$0xFFFFFD33]  }
0x211: {  	v18 =	vld [tilespmem:s23+$0xFFFFFF12];
	v20 =	vmul.f32 v20, v36  }
0x212: {  	v30 =	vld [tilespmem:s23+$0xFFFFFF10]  }
0x213: {  	v27 =	vld [tilespmem:s23+$0xFFFFFB53];
	v8 =	vadd.f32 v20, v8  }
0x214: {  	v28 =	vld [tilespmem:s23+$0xFFFFFD31]  }
0x215: {  	v20 =	vld [tilespmem:s23+$0xFFFFFE22]  }
0x216: {  	v31 =	vld [tilespmem:s23+$0xFFFFFB51]  }
.Ltmp9:
0x217: {  	v22 =	vld [tilespmem:s23+$0xFFFFFD32];
	(pc) =	sbr.rel @p5 .LBB2_19-.Ltmp9, $4  }
0x218: {  	v32 =	vld [tilespmem:s23+$0xFFFFFB52]  }
0x219: {  	v34 =	vld [tilespmem:s23+$0xFFFFFB50]  }
0x21a: {  	v33 =	vld [tilespmem:s23+$0xFFFFFC42]  }
0x21b: {  	s28 =	sadd.s32 $0xA50, s28;
	v35 =	vld [tilespmem:s23+$0xFFFFFC40]  }
0x21c: {  	v36 =	vld [tilespmem:s23+$0xFFFFFD30]  }
0x21d: {  	v37 =	vld [tilespmem:s23+$0xFFFFFC41]  }
0x21e: {  	v38 =	vld [tilespmem:s23+$0xFFFFFE20]  }
0x21f: {  	v39 =	vld [tilespmem:s23+$0xFFFFFC43]  }
0x220: {  	v52 =	vld [tilespmem:s23+$0xFFFFFE21]  }
0x221: {  	v53 =	vld [tilespmem:s23+$0xFFFFFC44]  }
0x222: {  	v54 =	vld [tilespmem:s23+$0xFFFFFF11]  }
0x223: {  	v55 =	vld [tilespmem:s23+$0xFFFFFD34]  }
0x224: {  	v57 =	vld [tilespmem:s23+$0x1];
	v32 =	vadd.f32 v34, v32  }
0x225: {  	v29 =	vadd.f32 v29, v13;
	v59 =	vld [tilespmem:s23+$0xFFFFFE24];
	v33 =	vadd.f32 v35, v33  }
0x226: {  	v30 =	vadd.f32 v30, v18;
	v61 =	vld [tilespmem:s23+$0xF0];
	v31 =	vadd.f32 v31, v32  }
0x227: {  	v62 =	vld [tilespmem:s23+$0xFFFFFF14];
	v36 =	vadd.f32 v36, v22;
	v33 =	vadd.f32 v37, v33  }
0x228: {  	v40 =	vld [tilespmem:s23+$0x4];
	v56 =	vadd.f32 v38, v20;
	v27 =	vadd.f32 v27, v31  }
0x229: {  	v42 =	vld [tilespmem:s23+$0x1E0];
	v28 =	vadd.f32 v28, v36;
	v58 =	vadd.f32 v39, v33  }
0x22a: {  	v43 =	vld [tilespmem:s23+$0xF3];
	v60 =	vadd.f32 v52, v56;
	v25 =	vadd.f32 v25, v27  }
0x22b: {  	v45 =	vld [tilespmem:s23+$0x1E1];
	v26 =	vadd.f32 v26, v28;
	v27 =	vadd.f32 v53, v58  }
0x22c: {  	v47 =	vld [tilespmem:s23+$0xF4];
	v63 =	vadd.f32 v54, v30;
	v24 =	vadd.f32 v24, v60  }
0x22d: {  	v48 =	vld [tilespmem:s23+$0x1E3];
	v26 =	vadd.f32 v55, v26;
	v39 =	vadd.f32 v27, v25  }
0x22e: {  	s26 =	sadd.s32 s26, s22;
	v41 =	vadd.f32 v57, v29;
	v36 =	vld [tilespmem:s23+$0xF1];
	v23 =	vadd.f32 v23, v63  }
0x22f: {  	v49 =	vld [tilespmem:s23+$0x2D1];
	s26 =	sand.u32 $0x7FFFFFF8, s26;
	v24 =	vadd.f32 v59, v24;
	v32 =	vadd.f32 v26, v39  }
0x230: {  	v44 =	vadd.f32 v61, v7;
	v30 =	vld [tilespmem:s26+$0x6A80];
	v21 =	vadd.f32 v21, v41  }
0x231: {  	v37 =	vld [tilespmem:s23+$0x4B1];
	v23 =	vadd.f32 v62, v23;
	v46 =	vadd.f32 v24, v32  }
0x232: {  	v29 =	vadd.f32 v42, v6;
	v52 =	vld [tilespmem:s23+$0x1E4];
	v21 =	vadd.f32 v40, v21  }
0x233: {  	v62 =	vld [tilespmem:s23+$0x4B0];
	v28 =	vadd.f32 v36, v44;
	v31 =	vadd.f32 v23, v46  }
0x234: {  	v57 =	vadd.s32 $0x2, v5;
	v29 =	vadd.f32 v45, v29;
	v53 =	vld [tilespmem:s23+$0x3C0]  }
0x235: {  	s30 =	sadd.s32 $0xFFFFFFF8, s21;
	v55 =	vld [tilespmem:s23+$0x2D3];
	v59 =	vadd.s32 $0xFFFFFFFE, v5;
	v28 =	vadd.f32 v43, v28;
	v50 =	vadd.f32 v21, v31  }
0x236: {  	v54 =	vadd.f32 v48, v29;
	v60 =	vld [tilespmem:s23+$0x2D4];
	v19 =	vadd.f32 v19, v30;
	v61 =	vadd.s32 s30, v59  }
0x237: {  	v58 =	vld [tilespmem:s23+$0x3C1];
	vm15 =	vgt.s32 v61, $0x0;
	v28 =	vadd.f32 v47, v28;
	v25 =	vsub.f32 v50, v25  }
0x238: {  	v40 =	vld [tilespmem:s23+$0x4B3];
	v19 =	vadd.f32 v49, v19;
	v36 =	vnsel vm15, $0x0, v61;
	v12 =	vadd.f32 v62, v12  }
0x239: {  	v16 =	vadd.f32 v53, v16;
	v32 =	vld [tilespmem:s23+$0x3C3];
	v56 =	vmul.f32 v25, v20;
	v25 =	vadd.f32 v28, v25  }
0x23a: {  	v42 =	vld [tilespmem:s23+$0x4B4];
	v19 =	vadd.f32 v55, v19;
	v12 =	vadd.f32 v37, v12;
	v51 =	vmul.f32 v31, v22  }
0x23b: {  	v39 =	vld [tilespmem:s23+$0x3C4];
	v22 =	vadd.f32 v52, v54;
	v28 =	vadd.s32 s30, v57;
	v25 =	vsub.f32 v25, v27  }
0x23c: {  	v16 =	vadd.f32 v58, v16;
	v19 =	vadd.f32 v60, v19;
	vm0 =	vlt.s32 v28, $0xDF  }
0x23d: {  	v12 =	vadd.f32 v40, v12;
	v63 =	vnsel vm0, $0xDF, v28;
	v22 =	vadd.f32 v22, v25  }
0x23e: {  	v16 =	vadd.f32 v32, v16;
	v17 =	vadd.f32 v51, v17;
	v20 =	vsub.s32 v63, v36  }
0x23f: {  	v12 =	vadd.f32 v42, v12;
	v20 =	vadd.s32 $0x1, v20;
	v22 =	vsub.f32 v22, v26  }
0x240: {  	v16 =	vadd.f32 v39, v16;
	v17 =	vadd.f32 $-1.000000000e+00, v17;
	v41 =	vmul.u32 v0, v20  }
0x241: {  	v15 =	vadd.f32 v56, v15;
	v43 =	vmul.u32 v1, v20;
	v19 =	vadd.f32 v19, v22  }
0x242: {  	v38 =	vmul.f32 v25, v18;
	v44 =	vmul.u32 $0x5, v20;
	v27 =	vadd.s32 $0xFFFFFFFF, v41  }
0x243: {  	v45 =	vadd.s32 $0xFFFFFFFF, v43;
	v27 =	vcvt.s32.f32 v27;
	v19 =	vsub.f32 v19, v24  }
0x244: {  	v47 =	vmul.u32 v2, v20;
	v25 =	vcvt.s32.f32 v45;
	v24 =	vadd.s32 $0xFFFFFFFF, v44  }
0x245: {  	(erf) = vrcp.f32 v27;
	v46 =	vcvt.s32.f32 v24;
	v16 =	vadd.f32 v16, v19  }
0x246: {  	v51 =	vmul.f32 $5.000000000e-01, v17;
	v20 =	vmul.u32 v3, v20;
	(erf) = vrcp.f32 v25  }
0x247: {  	v49 =	vadd.s32 $0xFFFFFFFF, v47;
	(erf) = vrcp.f32 v46;
	v16 =	vsub.f32 v16, v23  }
0x248: {  	v54 =	vadd.f32 $-1.000000000e+00, v15;
	v20 =	vadd.s32 $0xFFFFFFFF, v20;
	v18 =	vcvt.s32.f32 v49  }
0x249: {  	v48 =	vmul.f32 v22, v13;
	v50 =	vcvt.s32.f32 v20;
	v12 =	vadd.f32 v12, v16  }
0x24a: {  	v14 =	vadd.f32 v38, v14;
	v7 =	vmul.f32 v19, v7;
	(erf) = vrcp.f32 v18  }
0x24b: {  	v10 =	vadd.f32 v48, v10;
	(erf) = vrcp.f32 v50;
	v12 =	vsub.f32 v12, v21  }
0x24c: {  	v56 =	vadd.f32 $-1.000000000e+00, v14;
	v7 =	vadd.f32 v7, v11;
	v6 =	vmul.f32 v16, v6  }
0x24d: {  	v57 =	vmul.f32 $5.000000000e-01, v54;
	v10 =	vadd.f32 $-1.000000000e+00, v10;
	v53 =	vmul.f32 v12, v30  }
0x24e: {  	v13 =	vmul.f32 $5.000000000e-01, v56;
	v7 =	vadd.f32 $-1.000000000e+00, v7;
	v6 =	vadd.f32 v6, v9;
	v52 =	vpop (erf)  }
0x24f: {  	v10 =	vmul.f32 $5.000000000e-01, v10;
	v55 =	vmul.f32 v51, v52;
	v58 =	vpop (erf);
	v8 =	vadd.f32 v53, v8  }
0x250: {  	v7 =	vmul.f32 $5.000000000e-01, v7;
	v6 =	vadd.f32 $-1.000000000e+00, v6;
	v11 =	vmul.f32 v57, v58;
	v59 =	vpop (erf)  }
0x251: {  	v9 =	vsub.f32 $5.000000000e-01, v55;
	v60 =	vmul.f32 v13, v59;
	v8 =	vadd.f32 $-1.000000000e+00, v8  }
0x252: {  	v6 =	vmul.f32 $5.000000000e-01, v6;
	v11 =	vsub.f32 $5.000000000e-01, v11;
	v10 =	vmul.f32 v10, v59  }
0x253: {  	s24 =	sadd.s32 $0x1, s24;
	v61 =	vpop (erf);
	v7 =	vmul.f32 v7, v59;
	[tilespmem:s22+$0x17980] =	vst v9;
	v62 =	vsub.f32 $5.000000000e-01, v60;
	v8 =	vmul.f32 $5.000000000e-01, v8  }
0x254: {  	p0 =	sne.s32 s24, $0xE;
	v6 =	vmul.f32 v6, v61;
	v63 =	vpop (erf);
	[tilespmem:s22+$0x17A60] =	vst v11;
	v10 =	vsub.f32 $5.000000000e-01, v10  }
.Ltmp10:
0x255: {  	v7 =	vsub.f32 $5.000000000e-01, v7;
	[tilespmem:s22+$0x17B40] =	vst v62;
	v8 =	vmul.f32 v8, v63;
	(pc) =	sbr.rel @p0 .LBB2_18-.Ltmp10, $4  }
0x256: {  	s31 =	sand.u32 $0x7FFFFFF0, s22;
	v6 =	vsub.f32 $5.000000000e-01, v6;
	[tilespmem:s22+$0x17C20] =	vst v10  }
0x257: {  	[tilespmem:s31+$0x17D00] =	vst v7;
	v7 =	vsub.f32 $5.000000000e-01, v8  }
0x258: {  	[tilespmem:s22+$0x17DE0] =	vst v6  }
0x259: {  	s21 =	sadd.s32 $0x10, s21;
	s25 =	sadd.s32 $0x10, s25;
	[tilespmem:s22+$0x17EC0] =	vst v7;
	s22 =	sadd.s32 $0x10, s22  }
0x25a: {  	s20 =	sadd.s32 $0x1, s20  }
0x25b: {  	p0 =	sne.s32 s20, s3  }
.Ltmp11:
0x25c: {  	s21 =	simm.s32 $0x17980;
	(pc) =	sbr.rel @p0 .LBB2_1-.Ltmp11, $4  }
0x25d: {  	[hbm4b:s0+s2] =	stream.linear.scatter [tilespmem:s21], [sflag:$0x2], $0x620, $0x38;
	[tilespmem:$0x18000] =	vst v63  }
0x25e: {  	_ =	swait.ge [sflag:s19], $0x620  }
0x25f: {  	[sflag:s19] =	ssyncset.done $0x0  }
0x260: {  	[sflag:s19] =	ssyncadd.s32 $0xFFFFF9E0  }
0x261: {  	_ =	sfence.sel $0x180000  }
0x262: {  	[bflag:$0x0] =	sbarrier.arrive $0xFFFF  }
0x263: {  	_ =	strace $0x90000047  }
0x264: {  	s0 =	stileid.u32;
	[bflag:$0x2] =	sbarrier.arrive $0xFFFF  }
0x265: {  	p0 =	sne.s32 s0, $0x0;
	s0 =	rddreg [dreg:$0x1]  }
0x266: {  	s0 =	sadd.s32 @!p0 $0x100000, s0  }
0x267: {  	[sflag:s0] =	ssyncadd.tile.s32 @!p0 $0x1;
	_ =	shalt  }
.Lfunc_end2:
_tile_overlayer_lowered:
.L_overlay_start_2:
0x268: {  	(tag) =	ssettag $0x2  }
0x269: {  	s0 =	rddreg [dreg:$0x0];
	s2 =	stileid.u32  }
0x26a: {  	s1 =	rddreg [dreg:$0x1];
	p0 =	sne.s32 s2, $0x0  }
0x26b: {  	s3 =	rddreg [dreg:$0x2];
	[bflag:$0x3] =	sbarrier.arrive $0xFFFF;
	s2 =	simm.s32 @!p0 $0x1C02  }
0x26c: {  	[timem:s3], [sflag:s2] =	dma.local @!p0 [hbm:s0], s1  }
0x26d: {  	s0 =	simm.s32 @!p0 $0x2  }
0x26e: {  	_ =	swait.ge @!p0 [sflag:s0], s1  }
0x26f: {  	s1 =	ssub.s32 @!p0 $0x0, s1;
	[sflag:s0] =	ssyncset.done @!p0 $0x0  }
0x270: {  	[sflag:s0] =	ssyncadd.s32 @!p0 s1  }
0x271: {  	[bflag:$0x3] =	sbarrier.arrive $0xFFFF  }
0x272: {  	_ =	shalt  }

</sc_bundles>
